<compile_context>
chip_gen: v7x
topology: tpu7x:2x2x1
jax: 0.10.2.dev20260603
libtpu: 0.0.44.dev20260713+nightly
codegen_flags: <defaults>
</compile_context>

<pallas_src>
import functools
import numpy as np
import jax
import jax.numpy as jnp
from jax import lax
from jax.experimental import pallas as pl
from jax.experimental.pallas import tpu as pltpu
from jax.experimental.pallas import tpu_sc as plsc

N_NODES = 10000
N_EDGES = 160000
ATOMIC_DIM = 64
EDGE_DIM = 16
HIDDEN_DIM = 8
RADIUS_CUTOFF = 6.0
DEGREE_NORM = 4.0

_z = np.linspace(-12.0, 12.0, 200001)
_pdf = np.exp(-0.5 * _z ** 2) / np.sqrt(2.0 * np.pi)
_silu = _z / (1.0 + np.exp(-_z))
_SILU_CONST = float(1.0 / np.sqrt(np.sum(_silu ** 2 * _pdf) * (_z[1] - _z[0])))

NC = 2
NS = 16
NW = NC * NS

CPAD = 16
CHUNK = 1280
NCH_TOT = N_EDGES // CHUNK
SC_ITERS = (NCH_TOT + NW - 1) // NW
EG = N_EDGES // 8
YB = 400
NB_Y = 8 * (EG // YB)
SCY_ITERS = (NB_Y + NW - 1) // NW
MCHUNK = 640
NCHM = (N_EDGES // 2) // MCHUNK
SCM_ITERS = (2 * NCHM + NW - 1) // NW
NPAD = 10240
RPS = NPAD // NS

MSG_DIM = 32
GDIM = 128


def _sc_gather(coords_hbm, y_hbm, src8_hbm, dst8_hbm,
               cs_hbm, cd_hbm, ysp_hbm,
               srows, drows, sidx, didx, qrows, qidx, csv, cdv, ysv, sem):
    wid = lax.axis_index("s") * NC + lax.axis_index("c")
    iot = lax.iota(jnp.int32, 16)
    riot8 = lax.shift_right_logical(iot, 3)
    ciot8 = lax.bitwise_and(iot, 7)

    def body1(i, carry):
        cid = wid + i * NW

        @pl.when(cid < NCH_TOT)
        def _():
            off = cid * CHUNK
            g0 = cid * (CHUNK // 8)
            pltpu.sync_copy(src8_hbm.at[pl.ds(g0, CHUNK // 8)], srows)
            pltpu.sync_copy(dst8_hbm.at[pl.ds(g0, CHUNK // 8)], drows)

            def unpack(t, carry):
                rr = t * 2 + riot8
                sidx[pl.ds(t * 16, 16)] = plsc.load_gather(
                    srows, [rr, ciot8])
                didx[pl.ds(t * 16, 16)] = plsc.load_gather(
                    drows, [rr, ciot8])
                return carry

            lax.fori_loop(0, CHUNK // 16, unpack, 0)
            hs = []
            for k in range(CHUNK // 128):
                sl = pl.ds(128 * k, 128)
                hs.append(pltpu.async_copy(
                    coords_hbm.at[sidx.at[sl]], csv.at[sl], sem))
                hs.append(pltpu.async_copy(
                    coords_hbm.at[didx.at[sl]], cdv.at[sl], sem))
            for h in hs:
                h.wait()
            pltpu.sync_copy(csv, cs_hbm.at[pl.ds(off, CHUNK)])
            pltpu.sync_copy(cdv, cd_hbm.at[pl.ds(off, CHUNK)])

        return carry

    lax.fori_loop(0, SC_ITERS, body1, 0)

    nbs = EG // YB

    def body2(i, carry):
        bid = wid + i * NW

        @pl.when(bid < NB_Y)
        def _():
            p = bid // nbs
            b = bid - p * nbs
            pltpu.sync_copy(src8_hbm.at[pl.ds(b * YB, YB)], qrows)
            cidx = jnp.zeros((16,), jnp.int32) + p

            def colbody(t, carry):
                qidx[pl.ds(t * 16, 16)] = plsc.load_gather(
                    qrows, [t * 16 + iot, cidx])
                return carry

            lax.fori_loop(0, YB // 16, colbody, 0)
            hs = []
            for k in range(5):
                sl = pl.ds(80 * k, 80)
                hs.append(pltpu.async_copy(
                    y_hbm.at[qidx.at[sl]], ysv.at[sl], sem))
            for h in hs:
                h.wait()
            pltpu.sync_copy(ysv, ysp_hbm.at[pl.ds(p * EG + b * YB, YB)])

        return carry

    lax.fori_loop(0, SCY_ITERS, body2, 0)


def _sc_scatter(msga_hbm, msgb_hbm, dst8_hbm, zeros_hbm,
                part_hbm,
                d0, d1, d2, d3, d4, drows, msgv, obuf, acc):
    cidx = lax.axis_index("c")
    sid = lax.axis_index("s")
    wid = sid * NC + cidx
    didx = (d0, d1, d2, d3, d4)

    pltpu.sync_copy(zeros_hbm, acc.at[pl.ds(sid * RPS, RPS)])
    plsc.subcore_barrier()

    iot = lax.iota(jnp.int32, 16)
    riot = lax.shift_right_logical(iot, 2)
    ciot = lax.bitwise_and(iot, 3)

    def do_half(msg_hbm, col0, cid):
        off = cid * MCHUNK
        pltpu.sync_copy(msg_hbm.at[pl.ds(off, MCHUNK)], msgv)
        pltpu.sync_copy(dst8_hbm.at[pl.ds(cid * (MCHUNK // 4), MCHUNK // 4)],
                        drows)
        for k in range(5):
            def colbody(t, carry, k=k):
                didx[k][pl.ds(t * 16, 16)] = plsc.load_gather(
                    drows, [32 * k + t * 4 + riot, ciot + col0])
                return carry

            lax.fori_loop(0, 8, colbody, 0)
        for k in range(5):
            pltpu.sync_copy(msgv.at[pl.ds(128 * k, 128)],
                            acc.at[didx[k]], add=True)

    def body(i, carry):
        cid = wid + i * NW

        @pl.when(cid < NCHM)
        def _():
            do_half(msga_hbm, 0, cid)

        @pl.when((cid >= NCHM) & (cid < 2 * NCHM))
        def _():
            do_half(msgb_hbm, 4, cid - NCHM)

        return carry

    lax.fori_loop(0, SCM_ITERS, body, 0)
    plsc.subcore_barrier()

    pltpu.sync_copy(acc.at[pl.ds(sid * RPS, RPS)], obuf)
    pltpu.sync_copy(obuf, part_hbm.at[cidx, pl.ds(sid * RPS, RPS)])


def _node_body(x_ref, b_ref, y_ref):
    y_ref[...] = jnp.dot(x_ref[...], b_ref[...],
                         preferred_element_type=jnp.float32)


def _edge_body(cs_ref, cd_ref, y0_ref, y1_ref, y2_ref, y3_ref,
               y4_ref, y5_ref, y6_ref, y7_ref,
               w1_ref, q_ref, ra_ref, qb_ref, msga_ref, msgb_ref):
    f32 = jnp.float32
    dn0 = (((0,), (0,)), ((), ()))
    vecp = cs_ref[...] - cd_ref[...]
    r = vecp.shape[0]
    tb = r * 8
    vpt = vecp.T
    vt = jnp.concatenate([vpt[16 * s:16 * s + 16, :] for s in range(8)],
                         axis=1)
    d2t = jnp.sum(vt * vt, axis=0, keepdims=True)
    dt = jnp.sqrt(d2t)
    rint = jnp.where(d2t > 0.0, lax.rsqrt(d2t), 0.0)
    insidet = jnp.where(dt < RADIUS_CUTOFF, rint, 0.0)

    ki = lax.broadcasted_iota(jnp.int32, (EDGE_DIM, tb), 0)
    kft = ki.astype(f32) + 1.0
    argt = kft * (np.pi / RADIUS_CUTOFF) * dt
    ceb = np.sqrt(2.0 / RADIUS_CUTOFF) * np.sqrt(float(EDGE_DIM))
    ebt = ceb * jnp.sin(argt) * insidet

    h0t = lax.dot_general(w1_ref[...], ebt, dn0,
                          preferred_element_type=f32) * 0.25
    sg = 1.0 / (1.0 + jnp.exp(-h0t))
    ht = _SILU_CONST * h0t * sg

    hx = lax.dot_general(ht, q_ref[...], dn0, preferred_element_type=f32)
    unitt = vt * rint
    u = lax.dot_general(unitt, qb_ref[...], dn0, preferred_element_type=f32)
    lane = lax.broadcasted_iota(jnp.int32, (r, MSG_DIM), 1)
    ones = jnp.where(lane < HIDDEN_DIM, 1.0, 0.0)

    ys = (y0_ref, y1_ref, y2_ref, y3_ref, y4_ref, y5_ref, y6_ref, y7_ref)
    pieces = []
    for p in range(8):
        rows = slice(p * r, p * r + r)
        tq_p = jnp.dot(hx[rows, :] * ys[p][...], ra_ref[...],
                       preferred_element_type=f32)
        pieces.append(tq_p * (ones + u[rows, :]))
    msga_ref[...] = jnp.concatenate(pieces[:4], axis=1)
    msgb_ref[...] = jnp.concatenate(pieces[4:], axis=1)


def _combine_body(p_ref, out_ref):
    out_ref[...] = p_ref[0] + p_ref[1]


@functools.lru_cache(maxsize=1)
def _sc_kernels():
    mesh = plsc.VectorSubcoreMesh(
        core_axis_name="c", subcore_axis_name="s",
        num_cores=NC, num_subcores=NS)
    sc_params = pltpu.CompilerParams(use_tc_tiling_on_sc=False,
                                     needs_layout_passes=False)
    gather = pl.kernel(
        _sc_gather,
        compiler_params=sc_params,
        out_type=(
            jax.ShapeDtypeStruct((N_EDGES, CPAD), jnp.float32),
            jax.ShapeDtypeStruct((N_EDGES, CPAD), jnp.float32),
            jax.ShapeDtypeStruct((N_EDGES, GDIM), jnp.float32),
        ),
        mesh=mesh,
        scratch_types=[
            pltpu.VMEM((CHUNK // 8, 8), jnp.int32),
            pltpu.VMEM((CHUNK // 8, 8), jnp.int32),
            pltpu.VMEM((CHUNK,), jnp.int32),
            pltpu.VMEM((CHUNK,), jnp.int32),
            pltpu.VMEM((YB, 8), jnp.int32),
            pltpu.VMEM((YB,), jnp.int32),
            pltpu.VMEM((CHUNK, CPAD), jnp.float32),
            pltpu.VMEM((CHUNK, CPAD), jnp.float32),
            pltpu.VMEM((YB, GDIM), jnp.float32),
            pltpu.SemaphoreType.DMA,
        ],
    )
    scatter = pl.kernel(
        _sc_scatter,
        compiler_params=sc_params,
        out_type=jax.ShapeDtypeStruct((NC, NPAD, MSG_DIM), jnp.float32),
        mesh=mesh,
        scratch_types=[
            pltpu.VMEM((128,), jnp.int32),
            pltpu.VMEM((128,), jnp.int32),
            pltpu.VMEM((128,), jnp.int32),
            pltpu.VMEM((128,), jnp.int32),
            pltpu.VMEM((128,), jnp.int32),
            pltpu.VMEM((MCHUNK // 4, 8), jnp.int32),
            pltpu.VMEM((MCHUNK, MSG_DIM), jnp.float32),
            pltpu.VMEM((RPS, MSG_DIM), jnp.float32),
            pltpu.VMEM_SHARED((NPAD, MSG_DIM), jnp.float32),
        ],
    )
    return gather, scatter


def kernel(atomic_features, coords, edge_index, W1, W2):
    f32 = jnp.float32
    src = edge_index[0].astype(jnp.int32)
    dst = edge_index[1].astype(jnp.int32)

    coords_p = jnp.zeros((N_NODES, CPAD), f32).at[:, :3].set(coords.astype(f32))

    n0 = ATOMIC_DIM * HIDDEN_DIM
    braw0 = W2[:, :n0].reshape(HIDDEN_DIM, ATOMIC_DIM, HIDDEN_DIM)
    braw0 = braw0.transpose(1, 0, 2).reshape(ATOMIC_DIM, n0 // 8)
    braw1 = W2[:, n0:].reshape(HIDDEN_DIM, ATOMIC_DIM, HIDDEN_DIM)
    braw1 = braw1.transpose(1, 0, 2).reshape(ATOMIC_DIM, n0 // 8)
    s0 = 1.0 / (np.sqrt(4.0 * np.pi) * 8.0 * np.sqrt(8.0) * DEGREE_NORM)
    s1 = np.sqrt(3.0) * s0
    bmat = jnp.concatenate([braw0 * s0, braw1 * s1], axis=1).astype(f32)

    ku = np.arange(HIDDEN_DIM)
    j = np.arange(GDIM)
    o16 = np.arange(2 * HIDDEN_DIM)
    o32 = np.arange(MSG_DIM)
    qm = (ku[:, None] == (j[None, :] % 64) // 8).astype(np.float32)
    rm = ((j[:, None] % 8 == o16[None, :] % 8)
          & ((j[:, None] < 64) == (o16[None, :] < 8))).astype(np.float32)
    qam = (o16[:, None] == np.where(o32[None, :] < 8, o32[None, :],
                                    8 + (o32[None, :] - 8) // 3)
           ).astype(np.float32)
    qbm = np.zeros((CPAD, MSG_DIM), np.float32)
    for c in range(3):
        for v in range(HIDDEN_DIM):
            qbm[c, 8 + 3 * v + c] = 1.0
    ram = rm @ qam

    src8 = src.reshape(N_EDGES // 8, 8)
    dst8 = dst.reshape(N_EDGES // 8, 8)

    y = pl.pallas_call(
        _node_body,
        out_shape=jax.ShapeDtypeStruct((N_NODES, GDIM), f32),
    )(atomic_features.astype(f32), bmat)

    sc_gather, sc_scatter = _sc_kernels()
    cs, cd, ysp = sc_gather(coords_p, y, src8, dst8)

    cs2 = cs.reshape(N_EDGES // 8, 128)
    cd2 = cd.reshape(N_EDGES // 8, 128)

    TB = 6400
    R = TB // 8
    grid = (N_EDGES // TB,)
    nblk = N_EDGES // TB
    ebs = pl.BlockSpec((R, 128), lambda i: (i, 0))
    ys_specs = [
        pl.BlockSpec((R, 128), functools.partial(
            lambda i, p: (p * nblk + i, 0), p=p))
        for p in range(8)
    ]
    msga8, msgb8 = pl.pallas_call(
        _edge_body,
        grid=grid,
        in_specs=[
            ebs, ebs, *ys_specs,
            pl.BlockSpec((EDGE_DIM, HIDDEN_DIM), lambda i: (0, 0)),
            pl.BlockSpec((HIDDEN_DIM, GDIM), lambda i: (0, 0)),
            pl.BlockSpec((GDIM, MSG_DIM), lambda i: (0, 0)),
            pl.BlockSpec((CPAD, MSG_DIM), lambda i: (0, 0)),
        ],
        out_specs=(ebs, ebs),
        out_shape=(jax.ShapeDtypeStruct((N_EDGES // 8, 128), f32),
                   jax.ShapeDtypeStruct((N_EDGES // 8, 128), f32)),
    )(cs2, cd2, *([ysp] * 8), W1.astype(f32), jnp.asarray(qm),
      jnp.asarray(ram), jnp.asarray(qbm))

    msga = msga8.reshape(N_EDGES // 2, MSG_DIM)
    msgb = msgb8.reshape(N_EDGES // 2, MSG_DIM)

    zeros_rows = jnp.zeros((RPS, MSG_DIM), f32)
    partials = sc_scatter(msga, msgb, dst8, zeros_rows)

    hidden_pad = pl.pallas_call(
        _combine_body,
        out_shape=jax.ShapeDtypeStruct((NPAD // 4, 128), f32),
    )(partials.reshape(NC, NPAD // 4, 128))

    return hidden_pad.reshape(NPAD, MSG_DIM)[:N_NODES]

# --- scband reference (transcript-rebuilt; emitter-appended) ---
"""Pipeline reference for scband-interaction-block-67508295958934 (READ-ONLY COPY).

The authoritative reference and input builder live on the scoring server;
editing this copy changes nothing except your own understanding.
"""

import jax, jax.numpy as jnp
import numpy as np

N_NODES = 10000
N_EDGES = 160000
ATOMIC_DIM = 64
EDGE_DIM = 16
HIDDEN_DIM = 8
RADIUS_CUTOFF = 6.0
DEGREE_NORM = 4.0
WEIGHT_NUMEL = 2 * ATOMIC_DIM * HIDDEN_DIM

# e3nn normalize2mom constant for SiLU (variance-preserving activation)
_z = np.linspace(-12.0, 12.0, 200001)
_pdf = np.exp(-0.5 * _z ** 2) / np.sqrt(2.0 * np.pi)
_silu = _z / (1.0 + np.exp(-_z))
SILU_CONST = float(1.0 / np.sqrt(np.sum(_silu ** 2 * _pdf) * (_z[1] - _z[0])))


def setup_inputs(seed: int = 0):
    key = jax.random.key(seed)
    ks = jax.random.split(key, 6)
    atomic_features = jax.random.normal(ks[0], (N_NODES, ATOMIC_DIM), dtype=jnp.float32)
    coords = jax.random.normal(ks[1], (N_NODES, 3), dtype=jnp.float32) * 1.5
    src = jax.random.randint(ks[2], (N_EDGES,), 0, N_NODES)
    off = jax.random.randint(ks[3], (N_EDGES,), 1, N_NODES)
    dst = (src + off) % N_NODES  # guarantees src != dst so edge distances are nonzero
    edge_index = jnp.stack([src, dst], axis=0)
    W1 = jax.random.normal(ks[4], (EDGE_DIM, HIDDEN_DIM), dtype=jnp.float32)
    W2 = jax.random.normal(ks[5], (HIDDEN_DIM, WEIGHT_NUMEL), dtype=jnp.float32)
    return {'atomic_features': atomic_features, 'coords': coords, 'edge_index': edge_index, 'W1': W1, 'W2': W2}


def _spherical_harmonics(vec):
    # SphericalHarmonicEmbedding: l_values=[0,1], normalize=True, normalization='integral'
    n = jnp.sqrt(jnp.sum(vec * vec, axis=-1, keepdims=True))
    unit = vec / jnp.maximum(n, 1e-12)
    sh0 = jnp.ones((vec.shape[0], 1), dtype=vec.dtype)  # l=0, component norm
    sh1 = jnp.sqrt(3.0) * unit                           # l=1, component norm
    return jnp.concatenate([sh0, sh1], axis=-1) / jnp.sqrt(4.0 * jnp.pi)  # 'integral'


def _edge_basis(d):
    # EdgeEmbedding: e3nn soft_one_hot_linspace basis='bessel', start=0, cutoff=True,
    # scaled by sqrt(num_basis)
    c = RADIUS_CUTOFF
    roots = jnp.arange(1, EDGE_DIM + 1, dtype=d.dtype) * jnp.pi
    d_col = d[:, None]
    d_safe = jnp.where(d_col > 0, d_col, 1.0)
    out = jnp.sqrt(2.0 / c) * jnp.sin(roots * d_safe / c) / d_safe
    out = out * ((d_col / c) < 1.0) * (d_col > 0)
    return out * (EDGE_DIM ** 0.5)


def _fc(eb, W1, W2):
    # e3nn FullyConnectedNet([EDGE_DIM, HIDDEN_DIM, WEIGHT_NUMEL], silu)
    h = eb @ W1 / (EDGE_DIM ** 0.5)
    h = SILU_CONST * jax.nn.silu(h)
    return h @ W2 / (HIDDEN_DIM ** 0.5)


def _tensor_product(x, sh, w):
    # o3.FullyConnectedTensorProduct('64x0e', '1x0e+1x1o', '8x0e+8x1o', shared_weights=False)
    # paths: 0e x 0e -> 0e and 0e x 1o -> 1o; with component irrep_normalization and
    # element path_normalization both paths reduce to einsum / sqrt(atomic_dim).
    E = x.shape[0]
    n0 = ATOMIC_DIM * HIDDEN_DIM
    w0 = w[:, :n0].reshape(E, ATOMIC_DIM, HIDDEN_DIM)
    w1 = w[:, n0:].reshape(E, ATOMIC_DIM, HIDDEN_DIM)
    inv = 1.0 / (ATOMIC_DIM ** 0.5)
    out0 = jnp.einsum('eu,e,euv->ev', x, sh[:, 0], w0) * inv
    out1 = jnp.einsum('eu,em,euv->evm', x, sh[:, 1:4], w1) * inv
    return jnp.concatenate([out0, out1.reshape(E, -1)], axis=-1)


def reference(atomic_features, coords, edge_index, W1, W2):
    src = edge_index[0]
    dst = edge_index[1]
    edge_vec = coords[src] - coords[dst]
    sh = _spherical_harmonics(edge_vec)
    d = jnp.sqrt(jnp.sum(edge_vec * edge_vec, axis=-1))
    eb = _edge_basis(d)
    edge_z = _fc(eb, W1, W2)
    messages = _tensor_product(atomic_features[src], sh, edge_z)
    hidden = jax.ops.segment_sum(messages, dst, num_segments=atomic_features.shape[0]) / DEGREE_NORM
    return hidden

if __name__ == "__main__":
    import jax
    _d = setup_inputs()
    print(jax.jit(kernel)(*tuple(_d.values())))

</pallas_src>

<mosaic_0001>
#map = affine_map<(d0, d1) -> (0, 0)>
module attributes {stable_mosaic.version = 14 : i64} {
  func.func @_sc_gather(%arg0: i32, %arg1: i32, %arg2: memref<10000x16xf32, #tpu.memory_space<hbm>>, %arg3: memref<10000x128xf32, #tpu.memory_space<hbm>>, %arg4: memref<20000x8xi32, #tpu.memory_space<hbm>>, %arg5: memref<20000x8xi32, #tpu.memory_space<hbm>>, %arg6: memref<160000x16xf32, #tpu.memory_space<hbm>>, %arg7: memref<160000x16xf32, #tpu.memory_space<hbm>>, %arg8: memref<160000x128xf32, #tpu.memory_space<hbm>>, %arg9: memref<160x8xi32, #tpu.memory_space<vmem>>, %arg10: memref<160x8xi32, #tpu.memory_space<vmem>>, %arg11: memref<1280xi32, #tpu.memory_space<vmem>>, %arg12: memref<1280xi32, #tpu.memory_space<vmem>>, %arg13: memref<400x8xi32, #tpu.memory_space<vmem>>, %arg14: memref<400xi32, #tpu.memory_space<vmem>>, %arg15: memref<1280x16xf32, #tpu.memory_space<vmem>>, %arg16: memref<1280x16xf32, #tpu.memory_space<vmem>>, %arg17: memref<400x128xf32, #tpu.memory_space<vmem>>, %arg18: memref<!tpu.dma_semaphore, #tpu.memory_space<semaphore_mem>>) attributes {dimension_semantics = [#tpu.dimension_semantics<core_parallel>, #tpu.dimension_semantics<subcore_parallel>], iteration_bounds = array<i64: 2, 16>, scalar_prefetch = 0 : i64, scratch_operands = 10 : i64, tpu.core_type = #tpu.core_type<sc_vector_subcore>, window_params = [{transform_indices = #map}, {transform_indices = #map}, {transform_indices = #map}, {transform_indices = #map}, {transform_indices = #map}, {transform_indices = #map}, {transform_indices = #map}]} {
    %mul3A = arith.constant 2 : i32
    %mul3A_0 = arith.muli %arg1, %mul3A : i32
    %add3A = arith.addi %mul3A_0, %arg0 : i32
    %iota3A = tpu.iota {dimensions = array<i32: 0>} : vector<16xi32>
    %shift_right_logical3A = arith.constant 3 : i32
    %shift_right_logical3A_1 = vector.broadcast %shift_right_logical3A : i32 to vector<16xi32>
    %shift_right_logical3A_2 = arith.shrui %iota3A, %shift_right_logical3A_1 : vector<16xi32>
    %and3A = arith.constant 7 : i32
    %and3A_3 = vector.broadcast %and3A : i32 to vector<16xi32>
    %and3A_4 = arith.andi %iota3A, %and3A_3 : vector<16xi32>
    %scan3A = arith.constant 0 : i32
    %scan3A_5 = arith.constant 0 : i32
    %scan3A_6 = arith.constant 4 : i32
    %scan3A_7 = arith.addi %scan3A_5, %scan3A_6 : i32
    %scan3A_8 = arith.constant 1 : i32
    scf.for %scan3A_16 = %scan3A_5 to %scan3A_7 step %scan3A_8  : i32 {
      %mul3A_17 = arith.constant 32 : i32
      %mul3A_18 = arith.muli %scan3A_16, %mul3A_17 : i32
      %add3A_19 = arith.addi %add3A, %mul3A_18 : i32
      %lt3A = arith.constant 125 : i32
      %lt3A_20 = arith.cmpi slt, %add3A_19, %lt3A : i32
      %convert_element_type3A = arith.extui %lt3A_20 : i1 to i32
      %cond3A = arith.constant 0 : i32
      %cond3A_21 = arith.cmpi ne, %convert_element_type3A, %cond3A : i32
      scf.if %cond3A_21 {
        %mul3A_22 = arith.constant 1280 : i32
        %mul3A_23 = arith.muli %add3A_19, %mul3A_22 : i32
        %mul3A_24 = arith.constant 160 : i32
        %mul3A_25 = arith.muli %add3A_19, %mul3A_24 : i32
        "tpu.region"() ({
          %run_scoped3A = tpu.sem_alloc : memref<!tpu.dma_semaphore, #tpu.memory_space<semaphore_mem>>
          %dma_start3A_350 = arith.constant 0 : i32
          %dma_start3A_351 = tpu.memref_slice %arg4[%mul3A_25, %dma_start3A_350] : memref<20000x8xi32, #tpu.memory_space<hbm>> -> memref<160x8xi32, #tpu.memory_space<hbm>>
          %dma_start3A_352 = arith.constant 0 : i32
          %dma_start3A_353 = tpu.memref_slice %arg4[%mul3A_25, %dma_start3A_352] : memref<20000x8xi32, #tpu.memory_space<hbm>> -> memref<160x8xi32, #tpu.memory_space<hbm>>
          tpu.enqueue_dma source(%dma_start3A_353 : memref<160x8xi32, #tpu.memory_space<hbm>>) target(%arg9 : memref<160x8xi32, #tpu.memory_space<vmem>>) target_semaphore(%run_scoped3A : memref<!tpu.dma_semaphore, #tpu.memory_space<semaphore_mem>>)
          %dma_wait3A_354 = arith.constant 0 : i32
          %dma_wait3A_355 = tpu.memref_slice %arg4[%mul3A_25, %dma_wait3A_354] : memref<20000x8xi32, #tpu.memory_space<hbm>> -> memref<160x8xi32, #tpu.memory_space<hbm>>
          %dma_wait3A_356 = arith.constant 0 : i32
          %dma_wait3A_357 = tpu.memref_slice %arg4[%mul3A_25, %dma_wait3A_356] : memref<20000x8xi32, #tpu.memory_space<hbm>> -> memref<160x8xi32, #tpu.memory_space<hbm>>
          tpu.wait_dma2 semaphore(%run_scoped3A : memref<!tpu.dma_semaphore, #tpu.memory_space<semaphore_mem>>) src(%dma_wait3A_357 : memref<160x8xi32, #tpu.memory_space<hbm>>) dst(%arg9 : memref<160x8xi32, #tpu.memory_space<vmem>>)
          tpu.yield
        }) : () -> ()
        "tpu.region"() ({
          %run_scoped3A = tpu.sem_alloc : memref<!tpu.dma_semaphore, #tpu.memory_space<semaphore_mem>>
          %dma_start3A_350 = arith.constant 0 : i32
          %dma_start3A_351 = tpu.memref_slice %arg5[%mul3A_25, %dma_start3A_350] : memref<20000x8xi32, #tpu.memory_space<hbm>> -> memref<160x8xi32, #tpu.memory_space<hbm>>
          %dma_start3A_352 = arith.constant 0 : i32
          %dma_start3A_353 = tpu.memref_slice %arg5[%mul3A_25, %dma_start3A_352] : memref<20000x8xi32, #tpu.memory_space<hbm>> -> memref<160x8xi32, #tpu.memory_space<hbm>>
          tpu.enqueue_dma source(%dma_start3A_353 : memref<160x8xi32, #tpu.memory_space<hbm>>) target(%arg10 : memref<160x8xi32, #tpu.memory_space<vmem>>) target_semaphore(%run_scoped3A : memref<!tpu.dma_semaphore, #tpu.memory_space<semaphore_mem>>)
          %dma_wait3A_354 = arith.constant 0 : i32
          %dma_wait3A_355 = tpu.memref_slice %arg5[%mul3A_25, %dma_wait3A_354] : memref<20000x8xi32, #tpu.memory_space<hbm>> -> memref<160x8xi32, #tpu.memory_space<hbm>>
          %dma_wait3A_356 = arith.constant 0 : i32
          %dma_wait3A_357 = tpu.memref_slice %arg5[%mul3A_25, %dma_wait3A_356] : memref<20000x8xi32, #tpu.memory_space<hbm>> -> memref<160x8xi32, #tpu.memory_space<hbm>>
          tpu.wait_dma2 semaphore(%run_scoped3A : memref<!tpu.dma_semaphore, #tpu.memory_space<semaphore_mem>>) src(%dma_wait3A_357 : memref<160x8xi32, #tpu.memory_space<hbm>>) dst(%arg10 : memref<160x8xi32, #tpu.memory_space<vmem>>)
          tpu.yield
        }) : () -> ()
        %scan3A_26 = arith.constant 0 : i32
        %scan3A_27 = arith.constant 0 : i32
        %scan3A_28 = arith.constant 80 : i32
        %scan3A_29 = arith.addi %scan3A_27, %scan3A_28 : i32
        %scan3A_30 = arith.constant 1 : i32
        scf.for %scan3A_350 = %scan3A_27 to %scan3A_29 step %scan3A_30  : i32 {
          %mul3A_351 = arith.constant 2 : i32
          %mul3A_352 = arith.muli %scan3A_350, %mul3A_351 : i32
          %add3A_353 = vector.broadcast %mul3A_352 : i32 to vector<16xi32>
          %add3A_354 = arith.addi %add3A_353, %shift_right_logical3A_2 : vector<16xi32>
          %gather3A = tpu.vector_load_idx %arg9[%add3A_354, %and3A_4] : memref<160x8xi32, #tpu.memory_space<vmem>>[vector<16xi32>, vector<16xi32>], vector<16xi32>,
          %mul3A_355 = arith.constant 16 : i32
          %mul3A_356 = arith.muli %scan3A_350, %mul3A_355 : i32
          %swap3A = arith.index_cast %mul3A_356 : i32 to index
          %swap3A_357 = tpu.vector_load %arg11[%swap3A] {strides = array<i32>} : memref<1280xi32, #tpu.memory_space<vmem>>, vector<16xi32>,
          tpu.vector_store %arg11[%swap3A], %gather3A {strides = array<i32>} : memref<1280xi32, #tpu.memory_space<vmem>>, vector<16xi32>,
          %gather3A_358 = tpu.vector_load_idx %arg10[%add3A_354, %and3A_4] : memref<160x8xi32, #tpu.memory_space<vmem>>[vector<16xi32>, vector<16xi32>], vector<16xi32>,
          %mul3A_359 = arith.constant 16 : i32
          %mul3A_360 = arith.muli %scan3A_350, %mul3A_359 : i32
          %swap3A_361 = arith.index_cast %mul3A_360 : i32 to index
          %swap3A_362 = tpu.vector_load %arg12[%swap3A_361] {strides = array<i32>} : memref<1280xi32, #tpu.memory_space<vmem>>, vector<16xi32>,
          tpu.vector_store %arg12[%swap3A_361], %gather3A_358 {strides = array<i32>} : memref<1280xi32, #tpu.memory_space<vmem>>, vector<16xi32>,
        }
        %scan3A_31 = arith.constant 80 : i32
        %dma_start3A = arith.constant 0 : i32
        %dma_start3A_32 = arith.constant 0 : i32
        %dma_start3A_33 = tpu.memref_slice %arg15[%dma_start3A, %dma_start3A_32] : memref<1280x16xf32, #tpu.memory_space<vmem>> -> memref<128x16xf32, #tpu.memory_space<vmem>>
        %dma_start3A_34 = arith.constant 0 : i32
        %dma_start3A_35 = tpu.memref_slice %arg11[%dma_start3A_34] : memref<1280xi32, #tpu.memory_space<vmem>> -> memref<128xi32, #tpu.memory_space<vmem>>
        %dma_start3A_36 = arith.constant 0 : i32
        %dma_start3A_37 = arith.constant 0 : i32
        %dma_start3A_38 = tpu.memref_slice %arg2[%dma_start3A_36, %dma_start3A_37] : memref<10000x16xf32, #tpu.memory_space<hbm>> -> memref<10000x16xf32, #tpu.memory_space<hbm>>
        tpu.enqueue_indirect_dma source(%dma_start3A_38 : memref<10000x16xf32, #tpu.memory_space<hbm>>) target(%dma_start3A_33 : memref<128x16xf32, #tpu.memory_space<vmem>>) offsets(%dma_start3A_35 : memref<128xi32, #tpu.memory_space<vmem>>) semaphore(%arg18 : memref<!tpu.dma_semaphore, #tpu.memory_space<semaphore_mem>>)
        %dma_start3A_39 = arith.constant 0 : i32
        %dma_start3A_40 = arith.constant 0 : i32
        %dma_start3A_41 = tpu.memref_slice %arg16[%dma_start3A_39, %dma_start3A_40] : memref<1280x16xf32, #tpu.memory_space<vmem>> -> memref<128x16xf32, #tpu.memory_space<vmem>>
        %dma_start3A_42 = arith.constant 0 : i32
        %dma_start3A_43 = tpu.memref_slice %arg12[%dma_start3A_42] : memref<1280xi32, #tpu.memory_space<vmem>> -> memref<128xi32, #tpu.memory_space<vmem>>
        %dma_start3A_44 = arith.constant 0 : i32
        %dma_start3A_45 = arith.constant 0 : i32
        %dma_start3A_46 = tpu.memref_slice %arg2[%dma_start3A_44, %dma_start3A_45] : memref<10000x16xf32, #tpu.memory_space<hbm>> -> memref<10000x16xf32, #tpu.memory_space<hbm>>
        tpu.enqueue_indirect_dma source(%dma_start3A_46 : memref<10000x16xf32, #tpu.memory_space<hbm>>) target(%dma_start3A_41 : memref<128x16xf32, #tpu.memory_space<vmem>>) offsets(%dma_start3A_43 : memref<128xi32, #tpu.memory_space<vmem>>) semaphore(%arg18 : memref<!tpu.dma_semaphore, #tpu.memory_space<semaphore_mem>>)
        %dma_start3A_47 = arith.constant 128 : i32
        %dma_start3A_48 = arith.constant 0 : i32
        %dma_start3A_49 = tpu.memref_slice %arg15[%dma_start3A_47, %dma_start3A_48] : memref<1280x16xf32, #tpu.memory_space<vmem>> -> memref<128x16xf32, #tpu.memory_space<vmem>>
        %dma_start3A_50 = arith.constant 128 : i32
        %dma_start3A_51 = tpu.memref_slice %arg11[%dma_start3A_50] : memref<1280xi32, #tpu.memory_space<vmem>> -> memref<128xi32, #tpu.memory_space<vmem>>
        %dma_start3A_52 = arith.constant 0 : i32
        %dma_start3A_53 = arith.constant 0 : i32
        %dma_start3A_54 = tpu.memref_slice %arg2[%dma_start3A_52, %dma_start3A_53] : memref<10000x16xf32, #tpu.memory_space<hbm>> -> memref<10000x16xf32, #tpu.memory_space<hbm>>
        tpu.enqueue_indirect_dma source(%dma_start3A_54 : memref<10000x16xf32, #tpu.memory_space<hbm>>) target(%dma_start3A_49 : memref<128x16xf32, #tpu.memory_space<vmem>>) offsets(%dma_start3A_51 : memref<128xi32, #tpu.memory_space<vmem>>) semaphore(%arg18 : memref<!tpu.dma_semaphore, #tpu.memory_space<semaphore_mem>>)
        %dma_start3A_55 = arith.constant 128 : i32
        %dma_start3A_56 = arith.constant 0 : i32
        %dma_start3A_57 = tpu.memref_slice %arg16[%dma_start3A_55, %dma_start3A_56] : memref<1280x16xf32, #tpu.memory_space<vmem>> -> memref<128x16xf32, #tpu.memory_space<vmem>>
        %dma_start3A_58 = arith.constant 128 : i32
        %dma_start3A_59 = tpu.memref_slice %arg12[%dma_start3A_58] : memref<1280xi32, #tpu.memory_space<vmem>> -> memref<128xi32, #tpu.memory_space<vmem>>
        %dma_start3A_60 = arith.constant 0 : i32
        %dma_start3A_61 = arith.constant 0 : i32
        %dma_start3A_62 = tpu.memref_slice %arg2[%dma_start3A_60, %dma_start3A_61] : memref<10000x16xf32, #tpu.memory_space<hbm>> -> memref<10000x16xf32, #tpu.memory_space<hbm>>
        tpu.enqueue_indirect_dma source(%dma_start3A_62 : memref<10000x16xf32, #tpu.memory_space<hbm>>) target(%dma_start3A_57 : memref<128x16xf32, #tpu.memory_space<vmem>>) offsets(%dma_start3A_59 : memref<128xi32, #tpu.memory_space<vmem>>) semaphore(%arg18 : memref<!tpu.dma_semaphore, #tpu.memory_space<semaphore_mem>>)
        %dma_start3A_63 = arith.constant 256 : i32
        %dma_start3A_64 = arith.constant 0 : i32
        %dma_start3A_65 = tpu.memref_slice %arg15[%dma_start3A_63, %dma_start3A_64] : memref<1280x16xf32, #tpu.memory_space<vmem>> -> memref<128x16xf32, #tpu.memory_space<vmem>>
        %dma_start3A_66 = arith.constant 256 : i32
        %dma_start3A_67 = tpu.memref_slice %arg11[%dma_start3A_66] : memref<1280xi32, #tpu.memory_space<vmem>> -> memref<128xi32, #tpu.memory_space<vmem>>
        %dma_start3A_68 = arith.constant 0 : i32
        %dma_start3A_69 = arith.constant 0 : i32
        %dma_start3A_70 = tpu.memref_slice %arg2[%dma_start3A_68, %dma_start3A_69] : memref<10000x16xf32, #tpu.memory_space<hbm>> -> memref<10000x16xf32, #tpu.memory_space<hbm>>
        tpu.enqueue_indirect_dma source(%dma_start3A_70 : memref<10000x16xf32, #tpu.memory_space<hbm>>) target(%dma_start3A_65 : memref<128x16xf32, #tpu.memory_space<vmem>>) offsets(%dma_start3A_67 : memref<128xi32, #tpu.memory_space<vmem>>) semaphore(%arg18 : memref<!tpu.dma_semaphore, #tpu.memory_space<semaphore_mem>>)
        %dma_start3A_71 = arith.constant 256 : i32
        %dma_start3A_72 = arith.constant 0 : i32
        %dma_start3A_73 = tpu.memref_slice %arg16[%dma_start3A_71, %dma_start3A_72] : memref<1280x16xf32, #tpu.memory_space<vmem>> -> memref<128x16xf32, #tpu.memory_space<vmem>>
        %dma_start3A_74 = arith.constant 256 : i32
        %dma_start3A_75 = tpu.memref_slice %arg12[%dma_start3A_74] : memref<1280xi32, #tpu.memory_space<vmem>> -> memref<128xi32, #tpu.memory_space<vmem>>
        %dma_start3A_76 = arith.constant 0 : i32
        %dma_start3A_77 = arith.constant 0 : i32
        %dma_start3A_78 = tpu.memref_slice %arg2[%dma_start3A_76, %dma_start3A_77] : memref<10000x16xf32, #tpu.memory_space<hbm>> -> memref<10000x16xf32, #tpu.memory_space<hbm>>
        tpu.enqueue_indirect_dma source(%dma_start3A_78 : memref<10000x16xf32, #tpu.memory_space<hbm>>) target(%dma_start3A_73 : memref<128x16xf32, #tpu.memory_space<vmem>>) offsets(%dma_start3A_75 : memref<128xi32, #tpu.memory_space<vmem>>) semaphore(%arg18 : memref<!tpu.dma_semaphore, #tpu.memory_space<semaphore_mem>>)
        %dma_start3A_79 = arith.constant 384 : i32
        %dma_start3A_80 = arith.constant 0 : i32
        %dma_start3A_81 = tpu.memref_slice %arg15[%dma_start3A_79, %dma_start3A_80] : memref<1280x16xf32, #tpu.memory_space<vmem>> -> memref<128x16xf32, #tpu.memory_space<vmem>>
        %dma_start3A_82 = arith.constant 384 : i32
        %dma_start3A_83 = tpu.memref_slice %arg11[%dma_start3A_82] : memref<1280xi32, #tpu.memory_space<vmem>> -> memref<128xi32, #tpu.memory_space<vmem>>
        %dma_start3A_84 = arith.constant 0 : i32
        %dma_start3A_85 = arith.constant 0 : i32
        %dma_start3A_86 = tpu.memref_slice %arg2[%dma_start3A_84, %dma_start3A_85] : memref<10000x16xf32, #tpu.memory_space<hbm>> -> memref<10000x16xf32, #tpu.memory_space<hbm>>
        tpu.enqueue_indirect_dma source(%dma_start3A_86 : memref<10000x16xf32, #tpu.memory_space<hbm>>) target(%dma_start3A_81 : memref<128x16xf32, #tpu.memory_space<vmem>>) offsets(%dma_start3A_83 : memref<128xi32, #tpu.memory_space<vmem>>) semaphore(%arg18 : memref<!tpu.dma_semaphore, #tpu.memory_space<semaphore_mem>>)
        %dma_start3A_87 = arith.constant 384 : i32
        %dma_start3A_88 = arith.constant 0 : i32
        %dma_start3A_89 = tpu.memref_slice %arg16[%dma_start3A_87, %dma_start3A_88] : memref<1280x16xf32, #tpu.memory_space<vmem>> -> memref<128x16xf32, #tpu.memory_space<vmem>>
        %dma_start3A_90 = arith.constant 384 : i32
        %dma_start3A_91 = tpu.memref_slice %arg12[%dma_start3A_90] : memref<1280xi32, #tpu.memory_space<vmem>> -> memref<128xi32, #tpu.memory_space<vmem>>
        %dma_start3A_92 = arith.constant 0 : i32
        %dma_start3A_93 = arith.constant 0 : i32
        %dma_start3A_94 = tpu.memref_slice %arg2[%dma_start3A_92, %dma_start3A_93] : memref<10000x16xf32, #tpu.memory_space<hbm>> -> memref<10000x16xf32, #tpu.memory_space<hbm>>
        tpu.enqueue_indirect_dma source(%dma_start3A_94 : memref<10000x16xf32, #tpu.memory_space<hbm>>) target(%dma_start3A_89 : memref<128x16xf32, #tpu.memory_space<vmem>>) offsets(%dma_start3A_91 : memref<128xi32, #tpu.memory_space<vmem>>) semaphore(%arg18 : memref<!tpu.dma_semaphore, #tpu.memory_space<semaphore_mem>>)
        %dma_start3A_95 = arith.constant 512 : i32
        %dma_start3A_96 = arith.constant 0 : i32
        %dma_start3A_97 = tpu.memref_slice %arg15[%dma_start3A_95, %dma_start3A_96] : memref<1280x16xf32, #tpu.memory_space<vmem>> -> memref<128x16xf32, #tpu.memory_space<vmem>>
        %dma_start3A_98 = arith.constant 512 : i32
        %dma_start3A_99 = tpu.memref_slice %arg11[%dma_start3A_98] : memref<1280xi32, #tpu.memory_space<vmem>> -> memref<128xi32, #tpu.memory_space<vmem>>
        %dma_start3A_100 = arith.constant 0 : i32
        %dma_start3A_101 = arith.constant 0 : i32
        %dma_start3A_102 = tpu.memref_slice %arg2[%dma_start3A_100, %dma_start3A_101] : memref<10000x16xf32, #tpu.memory_space<hbm>> -> memref<10000x16xf32, #tpu.memory_space<hbm>>
        tpu.enqueue_indirect_dma source(%dma_start3A_102 : memref<10000x16xf32, #tpu.memory_space<hbm>>) target(%dma_start3A_97 : memref<128x16xf32, #tpu.memory_space<vmem>>) offsets(%dma_start3A_99 : memref<128xi32, #tpu.memory_space<vmem>>) semaphore(%arg18 : memref<!tpu.dma_semaphore, #tpu.memory_space<semaphore_mem>>)
        %dma_start3A_103 = arith.constant 512 : i32
        %dma_start3A_104 = arith.constant 0 : i32
        %dma_start3A_105 = tpu.memref_slice %arg16[%dma_start3A_103, %dma_start3A_104] : memref<1280x16xf32, #tpu.memory_space<vmem>> -> memref<128x16xf32, #tpu.memory_space<vmem>>
        %dma_start3A_106 = arith.constant 512 : i32
        %dma_start3A_107 = tpu.memref_slice %arg12[%dma_start3A_106] : memref<1280xi32, #tpu.memory_space<vmem>> -> memref<128xi32, #tpu.memory_space<vmem>>
        %dma_start3A_108 = arith.constant 0 : i32
        %dma_start3A_109 = arith.constant 0 : i32
        %dma_start3A_110 = tpu.memref_slice %arg2[%dma_start3A_108, %dma_start3A_109] : memref<10000x16xf32, #tpu.memory_space<hbm>> -> memref<10000x16xf32, #tpu.memory_space<hbm>>
        tpu.enqueue_indirect_dma source(%dma_start3A_110 : memref<10000x16xf32, #tpu.memory_space<hbm>>) target(%dma_start3A_105 : memref<128x16xf32, #tpu.memory_space<vmem>>) offsets(%dma_start3A_107 : memref<128xi32, #tpu.memory_space<vmem>>) semaphore(%arg18 : memref<!tpu.dma_semaphore, #tpu.memory_space<semaphore_mem>>)
        %dma_start3A_111 = arith.constant 640 : i32
        %dma_start3A_112 = arith.constant 0 : i32
        %dma_start3A_113 = tpu.memref_slice %arg15[%dma_start3A_111, %dma_start3A_112] : memref<1280x16xf32, #tpu.memory_space<vmem>> -> memref<128x16xf32, #tpu.memory_space<vmem>>
        %dma_start3A_114 = arith.constant 640 : i32
        %dma_start3A_115 = tpu.memref_slice %arg11[%dma_start3A_114] : memref<1280xi32, #tpu.memory_space<vmem>> -> memref<128xi32, #tpu.memory_space<vmem>>
        %dma_start3A_116 = arith.constant 0 : i32
        %dma_start3A_117 = arith.constant 0 : i32
        %dma_start3A_118 = tpu.memref_slice %arg2[%dma_start3A_116, %dma_start3A_117] : memref<10000x16xf32, #tpu.memory_space<hbm>> -> memref<10000x16xf32, #tpu.memory_space<hbm>>
        tpu.enqueue_indirect_dma source(%dma_start3A_118 : memref<10000x16xf32, #tpu.memory_space<hbm>>) target(%dma_start3A_113 : memref<128x16xf32, #tpu.memory_space<vmem>>) offsets(%dma_start3A_115 : memref<128xi32, #tpu.memory_space<vmem>>) semaphore(%arg18 : memref<!tpu.dma_semaphore, #tpu.memory_space<semaphore_mem>>)
        %dma_start3A_119 = arith.constant 640 : i32
        %dma_start3A_120 = arith.constant 0 : i32
        %dma_start3A_121 = tpu.memref_slice %arg16[%dma_start3A_119, %dma_start3A_120] : memref<1280x16xf32, #tpu.memory_space<vmem>> -> memref<128x16xf32, #tpu.memory_space<vmem>>
        %dma_start3A_122 = arith.constant 640 : i32
        %dma_start3A_123 = tpu.memref_slice %arg12[%dma_start3A_122] : memref<1280xi32, #tpu.memory_space<vmem>> -> memref<128xi32, #tpu.memory_space<vmem>>
        %dma_start3A_124 = arith.constant 0 : i32
        %dma_start3A_125 = arith.constant 0 : i32
        %dma_start3A_126 = tpu.memref_slice %arg2[%dma_start3A_124, %dma_start3A_125] : memref<10000x16xf32, #tpu.memory_space<hbm>> -> memref<10000x16xf32, #tpu.memory_space<hbm>>
        tpu.enqueue_indirect_dma source(%dma_start3A_126 : memref<10000x16xf32, #tpu.memory_space<hbm>>) target(%dma_start3A_121 : memref<128x16xf32, #tpu.memory_space<vmem>>) offsets(%dma_start3A_123 : memref<128xi32, #tpu.memory_space<vmem>>) semaphore(%arg18 : memref<!tpu.dma_semaphore, #tpu.memory_space<semaphore_mem>>)
        %dma_start3A_127 = arith.constant 768 : i32
        %dma_start3A_128 = arith.constant 0 : i32
        %dma_start3A_129 = tpu.memref_slice %arg15[%dma_start3A_127, %dma_start3A_128] : memref<1280x16xf32, #tpu.memory_space<vmem>> -> memref<128x16xf32, #tpu.memory_space<vmem>>
        %dma_start3A_130 = arith.constant 768 : i32
        %dma_start3A_131 = tpu.memref_slice %arg11[%dma_start3A_130] : memref<1280xi32, #tpu.memory_space<vmem>> -> memref<128xi32, #tpu.memory_space<vmem>>
        %dma_start3A_132 = arith.constant 0 : i32
        %dma_start3A_133 = arith.constant 0 : i32
        %dma_start3A_134 = tpu.memref_slice %arg2[%dma_start3A_132, %dma_start3A_133] : memref<10000x16xf32, #tpu.memory_space<hbm>> -> memref<10000x16xf32, #tpu.memory_space<hbm>>
        tpu.enqueue_indirect_dma source(%dma_start3A_134 : memref<10000x16xf32, #tpu.memory_space<hbm>>) target(%dma_start3A_129 : memref<128x16xf32, #tpu.memory_space<vmem>>) offsets(%dma_start3A_131 : memref<128xi32, #tpu.memory_space<vmem>>) semaphore(%arg18 : memref<!tpu.dma_semaphore, #tpu.memory_space<semaphore_mem>>)
        %dma_start3A_135 = arith.constant 768 : i32
        %dma_start3A_136 = arith.constant 0 : i32
        %dma_start3A_137 = tpu.memref_slice %arg16[%dma_start3A_135, %dma_start3A_136] : memref<1280x16xf32, #tpu.memory_space<vmem>> -> memref<128x16xf32, #tpu.memory_space<vmem>>
        %dma_start3A_138 = arith.constant 768 : i32
        %dma_start3A_139 = tpu.memref_slice %arg12[%dma_start3A_138] : memref<1280xi32, #tpu.memory_space<vmem>> -> memref<128xi32, #tpu.memory_space<vmem>>
        %dma_start3A_140 = arith.constant 0 : i32
        %dma_start3A_141 = arith.constant 0 : i32
        %dma_start3A_142 = tpu.memref_slice %arg2[%dma_start3A_140, %dma_start3A_141] : memref<10000x16xf32, #tpu.memory_space<hbm>> -> memref<10000x16xf32, #tpu.memory_space<hbm>>
        tpu.enqueue_indirect_dma source(%dma_start3A_142 : memref<10000x16xf32, #tpu.memory_space<hbm>>) target(%dma_start3A_137 : memref<128x16xf32, #tpu.memory_space<vmem>>) offsets(%dma_start3A_139 : memref<128xi32, #tpu.memory_space<vmem>>) semaphore(%arg18 : memref<!tpu.dma_semaphore, #tpu.memory_space<semaphore_mem>>)
        %dma_start3A_143 = arith.constant 896 : i32
        %dma_start3A_144 = arith.constant 0 : i32
        %dma_start3A_145 = tpu.memref_slice %arg15[%dma_start3A_143, %dma_start3A_144] : memref<1280x16xf32, #tpu.memory_space<vmem>> -> memref<128x16xf32, #tpu.memory_space<vmem>>
        %dma_start3A_146 = arith.constant 896 : i32
        %dma_start3A_147 = tpu.memref_slice %arg11[%dma_start3A_146] : memref<1280xi32, #tpu.memory_space<vmem>> -> memref<128xi32, #tpu.memory_space<vmem>>
        %dma_start3A_148 = arith.constant 0 : i32
        %dma_start3A_149 = arith.constant 0 : i32
        %dma_start3A_150 = tpu.memref_slice %arg2[%dma_start3A_148, %dma_start3A_149] : memref<10000x16xf32, #tpu.memory_space<hbm>> -> memref<10000x16xf32, #tpu.memory_space<hbm>>
        tpu.enqueue_indirect_dma source(%dma_start3A_150 : memref<10000x16xf32, #tpu.memory_space<hbm>>) target(%dma_start3A_145 : memref<128x16xf32, #tpu.memory_space<vmem>>) offsets(%dma_start3A_147 : memref<128xi32, #tpu.memory_space<vmem>>) semaphore(%arg18 : memref<!tpu.dma_semaphore, #tpu.memory_space<semaphore_mem>>)
        %dma_start3A_151 = arith.constant 896 : i32
        %dma_start3A_152 = arith.constant 0 : i32
        %dma_start3A_153 = tpu.memref_slice %arg16[%dma_start3A_151, %dma_start3A_152] : memref<1280x16xf32, #tpu.memory_space<vmem>> -> memref<128x16xf32, #tpu.memory_space<vmem>>
        %dma_start3A_154 = arith.constant 896 : i32
        %dma_start3A_155 = tpu.memref_slice %arg12[%dma_start3A_154] : memref<1280xi32, #tpu.memory_space<vmem>> -> memref<128xi32, #tpu.memory_space<vmem>>
        %dma_start3A_156 = arith.constant 0 : i32
        %dma_start3A_157 = arith.constant 0 : i32
        %dma_start3A_158 = tpu.memref_slice %arg2[%dma_start3A_156, %dma_start3A_157] : memref<10000x16xf32, #tpu.memory_space<hbm>> -> memref<10000x16xf32, #tpu.memory_space<hbm>>
        tpu.enqueue_indirect_dma source(%dma_start3A_158 : memref<10000x16xf32, #tpu.memory_space<hbm>>) target(%dma_start3A_153 : memref<128x16xf32, #tpu.memory_space<vmem>>) offsets(%dma_start3A_155 : memref<128xi32, #tpu.memory_space<vmem>>) semaphore(%arg18 : memref<!tpu.dma_semaphore, #tpu.memory_space<semaphore_mem>>)
        %dma_start3A_159 = arith.constant 1024 : i32
        %dma_start3A_160 = arith.constant 0 : i32
        %dma_start3A_161 = tpu.memref_slice %arg15[%dma_start3A_159, %dma_start3A_160] : memref<1280x16xf32, #tpu.memory_space<vmem>> -> memref<128x16xf32, #tpu.memory_space<vmem>>
        %dma_start3A_162 = arith.constant 1024 : i32
        %dma_start3A_163 = tpu.memref_slice %arg11[%dma_start3A_162] : memref<1280xi32, #tpu.memory_space<vmem>> -> memref<128xi32, #tpu.memory_space<vmem>>
        %dma_start3A_164 = arith.constant 0 : i32
        %dma_start3A_165 = arith.constant 0 : i32
        %dma_start3A_166 = tpu.memref_slice %arg2[%dma_start3A_164, %dma_start3A_165] : memref<10000x16xf32, #tpu.memory_space<hbm>> -> memref<10000x16xf32, #tpu.memory_space<hbm>>
        tpu.enqueue_indirect_dma source(%dma_start3A_166 : memref<10000x16xf32, #tpu.memory_space<hbm>>) target(%dma_start3A_161 : memref<128x16xf32, #tpu.memory_space<vmem>>) offsets(%dma_start3A_163 : memref<128xi32, #tpu.memory_space<vmem>>) semaphore(%arg18 : memref<!tpu.dma_semaphore, #tpu.memory_space<semaphore_mem>>)
        %dma_start3A_167 = arith.constant 1024 : i32
        %dma_start3A_168 = arith.constant 0 : i32
        %dma_start3A_169 = tpu.memref_slice %arg16[%dma_start3A_167, %dma_start3A_168] : memref<1280x16xf32, #tpu.memory_space<vmem>> -> memref<128x16xf32, #tpu.memory_space<vmem>>
        %dma_start3A_170 = arith.constant 1024 : i32
        %dma_start3A_171 = tpu.memref_slice %arg12[%dma_start3A_170] : memref<1280xi32, #tpu.memory_space<vmem>> -> memref<128xi32, #tpu.memory_space<vmem>>
        %dma_start3A_172 = arith.constant 0 : i32
        %dma_start3A_173 = arith.constant 0 : i32
        %dma_start3A_174 = tpu.memref_slice %arg2[%dma_start3A_172, %dma_start3A_173] : memref<10000x16xf32, #tpu.memory_space<hbm>> -> memref<10000x16xf32, #tpu.memory_space<hbm>>
        tpu.enqueue_indirect_dma source(%dma_start3A_174 : memref<10000x16xf32, #tpu.memory_space<hbm>>) target(%dma_start3A_169 : memref<128x16xf32, #tpu.memory_space<vmem>>) offsets(%dma_start3A_171 : memref<128xi32, #tpu.memory_space<vmem>>) semaphore(%arg18 : memref<!tpu.dma_semaphore, #tpu.memory_space<semaphore_mem>>)
        %dma_start3A_175 = arith.constant 1152 : i32
        %dma_start3A_176 = arith.constant 0 : i32
        %dma_start3A_177 = tpu.memref_slice %arg15[%dma_start3A_175, %dma_start3A_176] : memref<1280x16xf32, #tpu.memory_space<vmem>> -> memref<128x16xf32, #tpu.memory_space<vmem>>
        %dma_start3A_178 = arith.constant 1152 : i32
        %dma_start3A_179 = tpu.memref_slice %arg11[%dma_start3A_178] : memref<1280xi32, #tpu.memory_space<vmem>> -> memref<128xi32, #tpu.memory_space<vmem>>
        %dma_start3A_180 = arith.constant 0 : i32
        %dma_start3A_181 = arith.constant 0 : i32
        %dma_start3A_182 = tpu.memref_slice %arg2[%dma_start3A_180, %dma_start3A_181] : memref<10000x16xf32, #tpu.memory_space<hbm>> -> memref<10000x16xf32, #tpu.memory_space<hbm>>
        tpu.enqueue_indirect_dma source(%dma_start3A_182 : memref<10000x16xf32, #tpu.memory_space<hbm>>) target(%dma_start3A_177 : memref<128x16xf32, #tpu.memory_space<vmem>>) offsets(%dma_start3A_179 : memref<128xi32, #tpu.memory_space<vmem>>) semaphore(%arg18 : memref<!tpu.dma_semaphore, #tpu.memory_space<semaphore_mem>>)
        %dma_start3A_183 = arith.constant 1152 : i32
        %dma_start3A_184 = arith.constant 0 : i32
        %dma_start3A_185 = tpu.memref_slice %arg16[%dma_start3A_183, %dma_start3A_184] : memref<1280x16xf32, #tpu.memory_space<vmem>> -> memref<128x16xf32, #tpu.memory_space<vmem>>
        %dma_start3A_186 = arith.constant 1152 : i32
        %dma_start3A_187 = tpu.memref_slice %arg12[%dma_start3A_186] : memref<1280xi32, #tpu.memory_space<vmem>> -> memref<128xi32, #tpu.memory_space<vmem>>
        %dma_start3A_188 = arith.constant 0 : i32
        %dma_start3A_189 = arith.constant 0 : i32
        %dma_start3A_190 = tpu.memref_slice %arg2[%dma_start3A_188, %dma_start3A_189] : memref<10000x16xf32, #tpu.memory_space<hbm>> -> memref<10000x16xf32, #tpu.memory_space<hbm>>
        tpu.enqueue_indirect_dma source(%dma_start3A_190 : memref<10000x16xf32, #tpu.memory_space<hbm>>) target(%dma_start3A_185 : memref<128x16xf32, #tpu.memory_space<vmem>>) offsets(%dma_start3A_187 : memref<128xi32, #tpu.memory_space<vmem>>) semaphore(%arg18 : memref<!tpu.dma_semaphore, #tpu.memory_space<semaphore_mem>>)
        %dma_wait3A = arith.constant 0 : i32
        %dma_wait3A_191 = arith.constant 0 : i32
        %dma_wait3A_192 = tpu.memref_slice %arg15[%dma_wait3A, %dma_wait3A_191] : memref<1280x16xf32, #tpu.memory_space<vmem>> -> memref<128x16xf32, #tpu.memory_space<vmem>>
        %dma_wait3A_193 = arith.constant 0 : i32
        %dma_wait3A_194 = tpu.memref_slice %arg11[%dma_wait3A_193] : memref<1280xi32, #tpu.memory_space<vmem>> -> memref<128xi32, #tpu.memory_space<vmem>>
        %dma_wait3A_195 = arith.constant 0 : i32
        %dma_wait3A_196 = arith.constant 0 : i32
        %dma_wait3A_197 = tpu.memref_slice %arg2[%dma_wait3A_195, %dma_wait3A_196] : memref<10000x16xf32, #tpu.memory_space<hbm>> -> memref<10000x16xf32, #tpu.memory_space<hbm>>
        tpu.wait_indirect_dma semaphore(%arg18 : memref<!tpu.dma_semaphore, #tpu.memory_space<semaphore_mem>>) src(%dma_wait3A_197 : memref<10000x16xf32, #tpu.memory_space<hbm>>) dst(%dma_wait3A_192 : memref<128x16xf32, #tpu.memory_space<vmem>>)
        %dma_wait3A_198 = arith.constant 0 : i32
        %dma_wait3A_199 = arith.constant 0 : i32
        %dma_wait3A_200 = tpu.memref_slice %arg16[%dma_wait3A_198, %dma_wait3A_199] : memref<1280x16xf32, #tpu.memory_space<vmem>> -> memref<128x16xf32, #tpu.memory_space<vmem>>
        %dma_wait3A_201 = arith.constant 0 : i32
        %dma_wait3A_202 = tpu.memref_slice %arg12[%dma_wait3A_201] : memref<1280xi32, #tpu.memory_space<vmem>> -> memref<128xi32, #tpu.memory_space<vmem>>
        %dma_wait3A_203 = arith.constant 0 : i32
        %dma_wait3A_204 = arith.constant 0 : i32
        %dma_wait3A_205 = tpu.memref_slice %arg2[%dma_wait3A_203, %dma_wait3A_204] : memref<10000x16xf32, #tpu.memory_space<hbm>> -> memref<10000x16xf32, #tpu.memory_space<hbm>>
        tpu.wait_indirect_dma semaphore(%arg18 : memref<!tpu.dma_semaphore, #tpu.memory_space<semaphore_mem>>) src(%dma_wait3A_205 : memref<10000x16xf32, #tpu.memory_space<hbm>>) dst(%dma_wait3A_200 : memref<128x16xf32, #tpu.memory_space<vmem>>)
        %dma_wait3A_206 = arith.constant 128 : i32
        %dma_wait3A_207 = arith.constant 0 : i32
        %dma_wait3A_208 = tpu.memref_slice %arg15[%dma_wait3A_206, %dma_wait3A_207] : memref<1280x16xf32, #tpu.memory_space<vmem>> -> memref<128x16xf32, #tpu.memory_space<vmem>>
        %dma_wait3A_209 = arith.constant 128 : i32
        %dma_wait3A_210 = tpu.memref_slice %arg11[%dma_wait3A_209] : memref<1280xi32, #tpu.memory_space<vmem>> -> memref<128xi32, #tpu.memory_space<vmem>>
        %dma_wait3A_211 = arith.constant 0 : i32
        %dma_wait3A_212 = arith.constant 0 : i32
        %dma_wait3A_213 = tpu.memref_slice %arg2[%dma_wait3A_211, %dma_wait3A_212] : memref<10000x16xf32, #tpu.memory_space<hbm>> -> memref<10000x16xf32, #tpu.memory_space<hbm>>
        tpu.wait_indirect_dma semaphore(%arg18 : memref<!tpu.dma_semaphore, #tpu.memory_space<semaphore_mem>>) src(%dma_wait3A_213 : memref<10000x16xf32, #tpu.memory_space<hbm>>) dst(%dma_wait3A_208 : memref<128x16xf32, #tpu.memory_space<vmem>>)
        %dma_wait3A_214 = arith.constant 128 : i32
        %dma_wait3A_215 = arith.constant 0 : i32
        %dma_wait3A_216 = tpu.memref_slice %arg16[%dma_wait3A_214, %dma_wait3A_215] : memref<1280x16xf32, #tpu.memory_space<vmem>> -> memref<128x16xf32, #tpu.memory_space<vmem>>
        %dma_wait3A_217 = arith.constant 128 : i32
        %dma_wait3A_218 = tpu.memref_slice %arg12[%dma_wait3A_217] : memref<1280xi32, #tpu.memory_space<vmem>> -> memref<128xi32, #tpu.memory_space<vmem>>
        %dma_wait3A_219 = arith.constant 0 : i32
        %dma_wait3A_220 = arith.constant 0 : i32
        %dma_wait3A_221 = tpu.memref_slice %arg2[%dma_wait3A_219, %dma_wait3A_220] : memref<10000x16xf32, #tpu.memory_space<hbm>> -> memref<10000x16xf32, #tpu.memory_space<hbm>>
        tpu.wait_indirect_dma semaphore(%arg18 : memref<!tpu.dma_semaphore, #tpu.memory_space<semaphore_mem>>) src(%dma_wait3A_221 : memref<10000x16xf32, #tpu.memory_space<hbm>>) dst(%dma_wait3A_216 : memref<128x16xf32, #tpu.memory_space<vmem>>)
        %dma_wait3A_222 = arith.constant 256 : i32
        %dma_wait3A_223 = arith.constant 0 : i32
        %dma_wait3A_224 = tpu.memref_slice %arg15[%dma_wait3A_222, %dma_wait3A_223] : memref<1280x16xf32, #tpu.memory_space<vmem>> -> memref<128x16xf32, #tpu.memory_space<vmem>>
        %dma_wait3A_225 = arith.constant 256 : i32
        %dma_wait3A_226 = tpu.memref_slice %arg11[%dma_wait3A_225] : memref<1280xi32, #tpu.memory_space<vmem>> -> memref<128xi32, #tpu.memory_space<vmem>>
        %dma_wait3A_227 = arith.constant 0 : i32
        %dma_wait3A_228 = arith.constant 0 : i32
        %dma_wait3A_229 = tpu.memref_slice %arg2[%dma_wait3A_227, %dma_wait3A_228] : memref<10000x16xf32, #tpu.memory_space<hbm>> -> memref<10000x16xf32, #tpu.memory_space<hbm>>
        tpu.wait_indirect_dma semaphore(%arg18 : memref<!tpu.dma_semaphore, #tpu.memory_space<semaphore_mem>>) src(%dma_wait3A_229 : memref<10000x16xf32, #tpu.memory_space<hbm>>) dst(%dma_wait3A_224 : memref<128x16xf32, #tpu.memory_space<vmem>>)
        %dma_wait3A_230 = arith.constant 256 : i32
        %dma_wait3A_231 = arith.constant 0 : i32
        %dma_wait3A_232 = tpu.memref_slice %arg16[%dma_wait3A_230, %dma_wait3A_231] : memref<1280x16xf32, #tpu.memory_space<vmem>> -> memref<128x16xf32, #tpu.memory_space<vmem>>
        %dma_wait3A_233 = arith.constant 256 : i32
        %dma_wait3A_234 = tpu.memref_slice %arg12[%dma_wait3A_233] : memref<1280xi32, #tpu.memory_space<vmem>> -> memref<128xi32, #tpu.memory_space<vmem>>
        %dma_wait3A_235 = arith.constant 0 : i32
        %dma_wait3A_236 = arith.constant 0 : i32
        %dma_wait3A_237 = tpu.memref_slice %arg2[%dma_wait3A_235, %dma_wait3A_236] : memref<10000x16xf32, #tpu.memory_space<hbm>> -> memref<10000x16xf32, #tpu.memory_space<hbm>>
        tpu.wait_indirect_dma semaphore(%arg18 : memref<!tpu.dma_semaphore, #tpu.memory_space<semaphore_mem>>) src(%dma_wait3A_237 : memref<10000x16xf32, #tpu.memory_space<hbm>>) dst(%dma_wait3A_232 : memref<128x16xf32, #tpu.memory_space<vmem>>)
        %dma_wait3A_238 = arith.constant 384 : i32
        %dma_wait3A_239 = arith.constant 0 : i32
        %dma_wait3A_240 = tpu.memref_slice %arg15[%dma_wait3A_238, %dma_wait3A_239] : memref<1280x16xf32, #tpu.memory_space<vmem>> -> memref<128x16xf32, #tpu.memory_space<vmem>>
        %dma_wait3A_241 = arith.constant 384 : i32
        %dma_wait3A_242 = tpu.memref_slice %arg11[%dma_wait3A_241] : memref<1280xi32, #tpu.memory_space<vmem>> -> memref<128xi32, #tpu.memory_space<vmem>>
        %dma_wait3A_243 = arith.constant 0 : i32
        %dma_wait3A_244 = arith.constant 0 : i32
        %dma_wait3A_245 = tpu.memref_slice %arg2[%dma_wait3A_243, %dma_wait3A_244] : memref<10000x16xf32, #tpu.memory_space<hbm>> -> memref<10000x16xf32, #tpu.memory_space<hbm>>
        tpu.wait_indirect_dma semaphore(%arg18 : memref<!tpu.dma_semaphore, #tpu.memory_space<semaphore_mem>>) src(%dma_wait3A_245 : memref<10000x16xf32, #tpu.memory_space<hbm>>) dst(%dma_wait3A_240 : memref<128x16xf32, #tpu.memory_space<vmem>>)
        %dma_wait3A_246 = arith.constant 384 : i32
        %dma_wait3A_247 = arith.constant 0 : i32
        %dma_wait3A_248 = tpu.memref_slice %arg16[%dma_wait3A_246, %dma_wait3A_247] : memref<1280x16xf32, #tpu.memory_space<vmem>> -> memref<128x16xf32, #tpu.memory_space<vmem>>
        %dma_wait3A_249 = arith.constant 384 : i32
        %dma_wait3A_250 = tpu.memref_slice %arg12[%dma_wait3A_249] : memref<1280xi32, #tpu.memory_space<vmem>> -> memref<128xi32, #tpu.memory_space<vmem>>
        %dma_wait3A_251 = arith.constant 0 : i32
        %dma_wait3A_252 = arith.constant 0 : i32
        %dma_wait3A_253 = tpu.memref_slice %arg2[%dma_wait3A_251, %dma_wait3A_252] : memref<10000x16xf32, #tpu.memory_space<hbm>> -> memref<10000x16xf32, #tpu.memory_space<hbm>>
        tpu.wait_indirect_dma semaphore(%arg18 : memref<!tpu.dma_semaphore, #tpu.memory_space<semaphore_mem>>) src(%dma_wait3A_253 : memref<10000x16xf32, #tpu.memory_space<hbm>>) dst(%dma_wait3A_248 : memref<128x16xf32, #tpu.memory_space<vmem>>)
        %dma_wait3A_254 = arith.constant 512 : i32
        %dma_wait3A_255 = arith.constant 0 : i32
        %dma_wait3A_256 = tpu.memref_slice %arg15[%dma_wait3A_254, %dma_wait3A_255] : memref<1280x16xf32, #tpu.memory_space<vmem>> -> memref<128x16xf32, #tpu.memory_space<vmem>>
        %dma_wait3A_257 = arith.constant 512 : i32
        %dma_wait3A_258 = tpu.memref_slice %arg11[%dma_wait3A_257] : memref<1280xi32, #tpu.memory_space<vmem>> -> memref<128xi32, #tpu.memory_space<vmem>>
        %dma_wait3A_259 = arith.constant 0 : i32
        %dma_wait3A_260 = arith.constant 0 : i32
        %dma_wait3A_261 = tpu.memref_slice %arg2[%dma_wait3A_259, %dma_wait3A_260] : memref<10000x16xf32, #tpu.memory_space<hbm>> -> memref<10000x16xf32, #tpu.memory_space<hbm>>
        tpu.wait_indirect_dma semaphore(%arg18 : memref<!tpu.dma_semaphore, #tpu.memory_space<semaphore_mem>>) src(%dma_wait3A_261 : memref<10000x16xf32, #tpu.memory_space<hbm>>) dst(%dma_wait3A_256 : memref<128x16xf32, #tpu.memory_space<vmem>>)
        %dma_wait3A_262 = arith.constant 512 : i32
        %dma_wait3A_263 = arith.constant 0 : i32
        %dma_wait3A_264 = tpu.memref_slice %arg16[%dma_wait3A_262, %dma_wait3A_263] : memref<1280x16xf32, #tpu.memory_space<vmem>> -> memref<128x16xf32, #tpu.memory_space<vmem>>
        %dma_wait3A_265 = arith.constant 512 : i32
        %dma_wait3A_266 = tpu.memref_slice %arg12[%dma_wait3A_265] : memref<1280xi32, #tpu.memory_space<vmem>> -> memref<128xi32, #tpu.memory_space<vmem>>
        %dma_wait3A_267 = arith.constant 0 : i32
        %dma_wait3A_268 = arith.constant 0 : i32
        %dma_wait3A_269 = tpu.memref_slice %arg2[%dma_wait3A_267, %dma_wait3A_268] : memref<10000x16xf32, #tpu.memory_space<hbm>> -> memref<10000x16xf32, #tpu.memory_space<hbm>>
        tpu.wait_indirect_dma semaphore(%arg18 : memref<!tpu.dma_semaphore, #tpu.memory_space<semaphore_mem>>) src(%dma_wait3A_269 : memref<10000x16xf32, #tpu.memory_space<hbm>>) dst(%dma_wait3A_264 : memref<128x16xf32, #tpu.memory_space<vmem>>)
        %dma_wait3A_270 = arith.constant 640 : i32
        %dma_wait3A_271 = arith.constant 0 : i32
        %dma_wait3A_272 = tpu.memref_slice %arg15[%dma_wait3A_270, %dma_wait3A_271] : memref<1280x16xf32, #tpu.memory_space<vmem>> -> memref<128x16xf32, #tpu.memory_space<vmem>>
        %dma_wait3A_273 = arith.constant 640 : i32
        %dma_wait3A_274 = tpu.memref_slice %arg11[%dma_wait3A_273] : memref<1280xi32, #tpu.memory_space<vmem>> -> memref<128xi32, #tpu.memory_space<vmem>>
        %dma_wait3A_275 = arith.constant 0 : i32
        %dma_wait3A_276 = arith.constant 0 : i32
        %dma_wait3A_277 = tpu.memref_slice %arg2[%dma_wait3A_275, %dma_wait3A_276] : memref<10000x16xf32, #tpu.memory_space<hbm>> -> memref<10000x16xf32, #tpu.memory_space<hbm>>
        tpu.wait_indirect_dma semaphore(%arg18 : memref<!tpu.dma_semaphore, #tpu.memory_space<semaphore_mem>>) src(%dma_wait3A_277 : memref<10000x16xf32, #tpu.memory_space<hbm>>) dst(%dma_wait3A_272 : memref<128x16xf32, #tpu.memory_space<vmem>>)
        %dma_wait3A_278 = arith.constant 640 : i32
        %dma_wait3A_279 = arith.constant 0 : i32
        %dma_wait3A_280 = tpu.memref_slice %arg16[%dma_wait3A_278, %dma_wait3A_279] : memref<1280x16xf32, #tpu.memory_space<vmem>> -> memref<128x16xf32, #tpu.memory_space<vmem>>
        %dma_wait3A_281 = arith.constant 640 : i32
        %dma_wait3A_282 = tpu.memref_slice %arg12[%dma_wait3A_281] : memref<1280xi32, #tpu.memory_space<vmem>> -> memref<128xi32, #tpu.memory_space<vmem>>
        %dma_wait3A_283 = arith.constant 0 : i32
        %dma_wait3A_284 = arith.constant 0 : i32
        %dma_wait3A_285 = tpu.memref_slice %arg2[%dma_wait3A_283, %dma_wait3A_284] : memref<10000x16xf32, #tpu.memory_space<hbm>> -> memref<10000x16xf32, #tpu.memory_space<hbm>>
        tpu.wait_indirect_dma semaphore(%arg18 : memref<!tpu.dma_semaphore, #tpu.memory_space<semaphore_mem>>) src(%dma_wait3A_285 : memref<10000x16xf32, #tpu.memory_space<hbm>>) dst(%dma_wait3A_280 : memref<128x16xf32, #tpu.memory_space<vmem>>)
        %dma_wait3A_286 = arith.constant 768 : i32
        %dma_wait3A_287 = arith.constant 0 : i32
        %dma_wait3A_288 = tpu.memref_slice %arg15[%dma_wait3A_286, %dma_wait3A_287] : memref<1280x16xf32, #tpu.memory_space<vmem>> -> memref<128x16xf32, #tpu.memory_space<vmem>>
        %dma_wait3A_289 = arith.constant 768 : i32
        %dma_wait3A_290 = tpu.memref_slice %arg11[%dma_wait3A_289] : memref<1280xi32, #tpu.memory_space<vmem>> -> memref<128xi32, #tpu.memory_space<vmem>>
        %dma_wait3A_291 = arith.constant 0 : i32
        %dma_wait3A_292 = arith.constant 0 : i32
        %dma_wait3A_293 = tpu.memref_slice %arg2[%dma_wait3A_291, %dma_wait3A_292] : memref<10000x16xf32, #tpu.memory_space<hbm>> -> memref<10000x16xf32, #tpu.memory_space<hbm>>
        tpu.wait_indirect_dma semaphore(%arg18 : memref<!tpu.dma_semaphore, #tpu.memory_space<semaphore_mem>>) src(%dma_wait3A_293 : memref<10000x16xf32, #tpu.memory_space<hbm>>) dst(%dma_wait3A_288 : memref<128x16xf32, #tpu.memory_space<vmem>>)
        %dma_wait3A_294 = arith.constant 768 : i32
        %dma_wait3A_295 = arith.constant 0 : i32
        %dma_wait3A_296 = tpu.memref_slice %arg16[%dma_wait3A_294, %dma_wait3A_295] : memref<1280x16xf32, #tpu.memory_space<vmem>> -> memref<128x16xf32, #tpu.memory_space<vmem>>
        %dma_wait3A_297 = arith.constant 768 : i32
        %dma_wait3A_298 = tpu.memref_slice %arg12[%dma_wait3A_297] : memref<1280xi32, #tpu.memory_space<vmem>> -> memref<128xi32, #tpu.memory_space<vmem>>
        %dma_wait3A_299 = arith.constant 0 : i32
        %dma_wait3A_300 = arith.constant 0 : i32
        %dma_wait3A_301 = tpu.memref_slice %arg2[%dma_wait3A_299, %dma_wait3A_300] : memref<10000x16xf32, #tpu.memory_space<hbm>> -> memref<10000x16xf32, #tpu.memory_space<hbm>>
        tpu.wait_indirect_dma semaphore(%arg18 : memref<!tpu.dma_semaphore, #tpu.memory_space<semaphore_mem>>) src(%dma_wait3A_301 : memref<10000x16xf32, #tpu.memory_space<hbm>>) dst(%dma_wait3A_296 : memref<128x16xf32, #tpu.memory_space<vmem>>)
        %dma_wait3A_302 = arith.constant 896 : i32
        %dma_wait3A_303 = arith.constant 0 : i32
        %dma_wait3A_304 = tpu.memref_slice %arg15[%dma_wait3A_302, %dma_wait3A_303] : memref<1280x16xf32, #tpu.memory_space<vmem>> -> memref<128x16xf32, #tpu.memory_space<vmem>>
        %dma_wait3A_305 = arith.constant 896 : i32
        %dma_wait3A_306 = tpu.memref_slice %arg11[%dma_wait3A_305] : memref<1280xi32, #tpu.memory_space<vmem>> -> memref<128xi32, #tpu.memory_space<vmem>>
        %dma_wait3A_307 = arith.constant 0 : i32
        %dma_wait3A_308 = arith.constant 0 : i32
        %dma_wait3A_309 = tpu.memref_slice %arg2[%dma_wait3A_307, %dma_wait3A_308] : memref<10000x16xf32, #tpu.memory_space<hbm>> -> memref<10000x16xf32, #tpu.memory_space<hbm>>
        tpu.wait_indirect_dma semaphore(%arg18 : memref<!tpu.dma_semaphore, #tpu.memory_space<semaphore_mem>>) src(%dma_wait3A_309 : memref<10000x16xf32, #tpu.memory_space<hbm>>) dst(%dma_wait3A_304 : memref<128x16xf32, #tpu.memory_space<vmem>>)
        %dma_wait3A_310 = arith.constant 896 : i32
        %dma_wait3A_311 = arith.constant 0 : i32
        %dma_wait3A_312 = tpu.memref_slice %arg16[%dma_wait3A_310, %dma_wait3A_311] : memref<1280x16xf32, #tpu.memory_space<vmem>> -> memref<128x16xf32, #tpu.memory_space<vmem>>
        %dma_wait3A_313 = arith.constant 896 : i32
        %dma_wait3A_314 = tpu.memref_slice %arg12[%dma_wait3A_313] : memref<1280xi32, #tpu.memory_space<vmem>> -> memref<128xi32, #tpu.memory_space<vmem>>
        %dma_wait3A_315 = arith.constant 0 : i32
        %dma_wait3A_316 = arith.constant 0 : i32
        %dma_wait3A_317 = tpu.memref_slice %arg2[%dma_wait3A_315, %dma_wait3A_316] : memref<10000x16xf32, #tpu.memory_space<hbm>> -> memref<10000x16xf32, #tpu.memory_space<hbm>>
        tpu.wait_indirect_dma semaphore(%arg18 : memref<!tpu.dma_semaphore, #tpu.memory_space<semaphore_mem>>) src(%dma_wait3A_317 : memref<10000x16xf32, #tpu.memory_space<hbm>>) dst(%dma_wait3A_312 : memref<128x16xf32, #tpu.memory_space<vmem>>)
        %dma_wait3A_318 = arith.constant 1024 : i32
        %dma_wait3A_319 = arith.constant 0 : i32
        %dma_wait3A_320 = tpu.memref_slice %arg15[%dma_wait3A_318, %dma_wait3A_319] : memref<1280x16xf32, #tpu.memory_space<vmem>> -> memref<128x16xf32, #tpu.memory_space<vmem>>
        %dma_wait3A_321 = arith.constant 1024 : i32
        %dma_wait3A_322 = tpu.memref_slice %arg11[%dma_wait3A_321] : memref<1280xi32, #tpu.memory_space<vmem>> -> memref<128xi32, #tpu.memory_space<vmem>>
        %dma_wait3A_323 = arith.constant 0 : i32
        %dma_wait3A_324 = arith.constant 0 : i32
        %dma_wait3A_325 = tpu.memref_slice %arg2[%dma_wait3A_323, %dma_wait3A_324] : memref<10000x16xf32, #tpu.memory_space<hbm>> -> memref<10000x16xf32, #tpu.memory_space<hbm>>
        tpu.wait_indirect_dma semaphore(%arg18 : memref<!tpu.dma_semaphore, #tpu.memory_space<semaphore_mem>>) src(%dma_wait3A_325 : memref<10000x16xf32, #tpu.memory_space<hbm>>) dst(%dma_wait3A_320 : memref<128x16xf32, #tpu.memory_space<vmem>>)
        %dma_wait3A_326 = arith.constant 1024 : i32
        %dma_wait3A_327 = arith.constant 0 : i32
        %dma_wait3A_328 = tpu.memref_slice %arg16[%dma_wait3A_326, %dma_wait3A_327] : memref<1280x16xf32, #tpu.memory_space<vmem>> -> memref<128x16xf32, #tpu.memory_space<vmem>>
        %dma_wait3A_329 = arith.constant 1024 : i32
        %dma_wait3A_330 = tpu.memref_slice %arg12[%dma_wait3A_329] : memref<1280xi32, #tpu.memory_space<vmem>> -> memref<128xi32, #tpu.memory_space<vmem>>
        %dma_wait3A_331 = arith.constant 0 : i32
        %dma_wait3A_332 = arith.constant 0 : i32
        %dma_wait3A_333 = tpu.memref_slice %arg2[%dma_wait3A_331, %dma_wait3A_332] : memref<10000x16xf32, #tpu.memory_space<hbm>> -> memref<10000x16xf32, #tpu.memory_space<hbm>>
        tpu.wait_indirect_dma semaphore(%arg18 : memref<!tpu.dma_semaphore, #tpu.memory_space<semaphore_mem>>) src(%dma_wait3A_333 : memref<10000x16xf32, #tpu.memory_space<hbm>>) dst(%dma_wait3A_328 : memref<128x16xf32, #tpu.memory_space<vmem>>)
        %dma_wait3A_334 = arith.constant 1152 : i32
        %dma_wait3A_335 = arith.constant 0 : i32
        %dma_wait3A_336 = tpu.memref_slice %arg15[%dma_wait3A_334, %dma_wait3A_335] : memref<1280x16xf32, #tpu.memory_space<vmem>> -> memref<128x16xf32, #tpu.memory_space<vmem>>
        %dma_wait3A_337 = arith.constant 1152 : i32
        %dma_wait3A_338 = tpu.memref_slice %arg11[%dma_wait3A_337] : memref<1280xi32, #tpu.memory_space<vmem>> -> memref<128xi32, #tpu.memory_space<vmem>>
        %dma_wait3A_339 = arith.constant 0 : i32
        %dma_wait3A_340 = arith.constant 0 : i32
        %dma_wait3A_341 = tpu.memref_slice %arg2[%dma_wait3A_339, %dma_wait3A_340] : memref<10000x16xf32, #tpu.memory_space<hbm>> -> memref<10000x16xf32, #tpu.memory_space<hbm>>
        tpu.wait_indirect_dma semaphore(%arg18 : memref<!tpu.dma_semaphore, #tpu.memory_space<semaphore_mem>>) src(%dma_wait3A_341 : memref<10000x16xf32, #tpu.memory_space<hbm>>) dst(%dma_wait3A_336 : memref<128x16xf32, #tpu.memory_space<vmem>>)
        %dma_wait3A_342 = arith.constant 1152 : i32
        %dma_wait3A_343 = arith.constant 0 : i32
        %dma_wait3A_344 = tpu.memref_slice %arg16[%dma_wait3A_342, %dma_wait3A_343] : memref<1280x16xf32, #tpu.memory_space<vmem>> -> memref<128x16xf32, #tpu.memory_space<vmem>>
        %dma_wait3A_345 = arith.constant 1152 : i32
        %dma_wait3A_346 = tpu.memref_slice %arg12[%dma_wait3A_345] : memref<1280xi32, #tpu.memory_space<vmem>> -> memref<128xi32, #tpu.memory_space<vmem>>
        %dma_wait3A_347 = arith.constant 0 : i32
        %dma_wait3A_348 = arith.constant 0 : i32
        %dma_wait3A_349 = tpu.memref_slice %arg2[%dma_wait3A_347, %dma_wait3A_348] : memref<10000x16xf32, #tpu.memory_space<hbm>> -> memref<10000x16xf32, #tpu.memory_space<hbm>>
        tpu.wait_indirect_dma semaphore(%arg18 : memref<!tpu.dma_semaphore, #tpu.memory_space<semaphore_mem>>) src(%dma_wait3A_349 : memref<10000x16xf32, #tpu.memory_space<hbm>>) dst(%dma_wait3A_344 : memref<128x16xf32, #tpu.memory_space<vmem>>)
        "tpu.region"() ({
          %run_scoped3A = tpu.sem_alloc : memref<!tpu.dma_semaphore, #tpu.memory_space<semaphore_mem>>
          %dma_start3A_350 = arith.constant 0 : i32
          %dma_start3A_351 = tpu.memref_slice %arg6[%mul3A_23, %dma_start3A_350] : memref<160000x16xf32, #tpu.memory_space<hbm>> -> memref<1280x16xf32, #tpu.memory_space<hbm>>
          %dma_start3A_352 = arith.constant 0 : i32
          %dma_start3A_353 = tpu.memref_slice %arg6[%mul3A_23, %dma_start3A_352] : memref<160000x16xf32, #tpu.memory_space<hbm>> -> memref<1280x16xf32, #tpu.memory_space<hbm>>
          tpu.enqueue_dma source(%arg15 : memref<1280x16xf32, #tpu.memory_space<vmem>>) target(%dma_start3A_353 : memref<1280x16xf32, #tpu.memory_space<hbm>>) target_semaphore(%run_scoped3A : memref<!tpu.dma_semaphore, #tpu.memory_space<semaphore_mem>>)
          %dma_wait3A_354 = arith.constant 0 : i32
          %dma_wait3A_355 = tpu.memref_slice %arg6[%mul3A_23, %dma_wait3A_354] : memref<160000x16xf32, #tpu.memory_space<hbm>> -> memref<1280x16xf32, #tpu.memory_space<hbm>>
          %dma_wait3A_356 = arith.constant 0 : i32
          %dma_wait3A_357 = tpu.memref_slice %arg6[%mul3A_23, %dma_wait3A_356] : memref<160000x16xf32, #tpu.memory_space<hbm>> -> memref<1280x16xf32, #tpu.memory_space<hbm>>
          tpu.wait_dma2 semaphore(%run_scoped3A : memref<!tpu.dma_semaphore, #tpu.memory_space<semaphore_mem>>) src(%arg15 : memref<1280x16xf32, #tpu.memory_space<vmem>>) dst(%dma_wait3A_357 : memref<1280x16xf32, #tpu.memory_space<hbm>>)
          tpu.yield
        }) : () -> ()
        "tpu.region"() ({
          %run_scoped3A = tpu.sem_alloc : memref<!tpu.dma_semaphore, #tpu.memory_space<semaphore_mem>>
          %dma_start3A_350 = arith.constant 0 : i32
          %dma_start3A_351 = tpu.memref_slice %arg7[%mul3A_23, %dma_start3A_350] : memref<160000x16xf32, #tpu.memory_space<hbm>> -> memref<1280x16xf32, #tpu.memory_space<hbm>>
          %dma_start3A_352 = arith.constant 0 : i32
          %dma_start3A_353 = tpu.memref_slice %arg7[%mul3A_23, %dma_start3A_352] : memref<160000x16xf32, #tpu.memory_space<hbm>> -> memref<1280x16xf32, #tpu.memory_space<hbm>>
          tpu.enqueue_dma source(%arg16 : memref<1280x16xf32, #tpu.memory_space<vmem>>) target(%dma_start3A_353 : memref<1280x16xf32, #tpu.memory_space<hbm>>) target_semaphore(%run_scoped3A : memref<!tpu.dma_semaphore, #tpu.memory_space<semaphore_mem>>)
          %dma_wait3A_354 = arith.constant 0 : i32
          %dma_wait3A_355 = tpu.memref_slice %arg7[%mul3A_23, %dma_wait3A_354] : memref<160000x16xf32, #tpu.memory_space<hbm>> -> memref<1280x16xf32, #tpu.memory_space<hbm>>
          %dma_wait3A_356 = arith.constant 0 : i32
          %dma_wait3A_357 = tpu.memref_slice %arg7[%mul3A_23, %dma_wait3A_356] : memref<160000x16xf32, #tpu.memory_space<hbm>> -> memref<1280x16xf32, #tpu.memory_space<hbm>>
          tpu.wait_dma2 semaphore(%run_scoped3A : memref<!tpu.dma_semaphore, #tpu.memory_space<semaphore_mem>>) src(%arg16 : memref<1280x16xf32, #tpu.memory_space<vmem>>) dst(%dma_wait3A_357 : memref<1280x16xf32, #tpu.memory_space<hbm>>)
          tpu.yield
        }) : () -> ()
      } else {
      }
    }
    %scan3A_9 = arith.constant 4 : i32
    %scan3A_10 = arith.constant 0 : i32
    %scan3A_11 = arith.constant 0 : i32
    %scan3A_12 = arith.constant 13 : i32
    %scan3A_13 = arith.addi %scan3A_11, %scan3A_12 : i32
    %scan3A_14 = arith.constant 1 : i32
    scf.for %scan3A_16 = %scan3A_11 to %scan3A_13 step %scan3A_14  : i32 {
      %mul3A_17 = arith.constant 32 : i32
      %mul3A_18 = arith.muli %scan3A_16, %mul3A_17 : i32
      %add3A_19 = arith.addi %add3A, %mul3A_18 : i32
      %lt3A = arith.constant 400 : i32
      %lt3A_20 = arith.cmpi slt, %add3A_19, %lt3A : i32
      %convert_element_type3A = arith.extui %lt3A_20 : i1 to i32
      %cond3A = arith.constant 0 : i32
      %cond3A_21 = arith.cmpi ne, %convert_element_type3A, %cond3A : i32
      scf.if %cond3A_21 {
        %jit3A = arith.constant 50 : i32
        %div3A = arith.divsi %add3A_19, %jit3A : i32
        %sign3A = arith.constant 0 : i32
        %sign3A_22 = arith.cmpi sgt, %add3A_19, %sign3A : i32
        %sign3A_23 = arith.extui %sign3A_22 : i1 to i32
        %sign3A_24 = arith.constant 0 : i32
        %sign3A_25 = arith.cmpi slt, %add3A_19, %sign3A_24 : i32
        %sign3A_26 = arith.extui %sign3A_25 : i1 to i32
        %sign3A_27 = arith.subi %sign3A_23, %sign3A_26 : i32
        %sign3A_28 = arith.constant 0 : i32
        %sign3A_29 = arith.cmpi sgt, %jit3A, %sign3A_28 : i32
        %sign3A_30 = arith.extui %sign3A_29 : i1 to i32
        %sign3A_31 = arith.constant 0 : i32
        %sign3A_32 = arith.cmpi slt, %jit3A, %sign3A_31 : i32
        %sign3A_33 = arith.extui %sign3A_32 : i1 to i32
        %sign3A_34 = arith.subi %sign3A_30, %sign3A_33 : i32
        %ne3A = arith.cmpi ne, %sign3A_27, %sign3A_34 : i32
        %rem3A = arith.remsi %add3A_19, %jit3A : i32
        %ne3A_35 = arith.constant 0 : i32
        %ne3A_36 = arith.cmpi ne, %rem3A, %ne3A_35 : i32
        %and3A_37 = arith.andi %ne3A, %ne3A_36 : i1
        %sub3A = arith.constant 1 : i32
        %sub3A_38 = arith.subi %div3A, %sub3A : i32
        %select_n3A = arith.select %and3A_37, %sub3A_38, %div3A : i32
        %mul3A_39 = arith.constant 50 : i32
        %mul3A_40 = arith.muli %select_n3A, %mul3A_39 : i32
        %sub3A_41 = arith.subi %add3A_19, %mul3A_40 : i32
        %mul3A_42 = arith.constant 400 : i32
        %mul3A_43 = arith.muli %sub3A_41, %mul3A_42 : i32
        "tpu.region"() ({
          %run_scoped3A = tpu.sem_alloc : memref<!tpu.dma_semaphore, #tpu.memory_space<semaphore_mem>>
          %dma_start3A_136 = arith.constant 0 : i32
          %dma_start3A_137 = tpu.memref_slice %arg4[%mul3A_43, %dma_start3A_136] : memref<20000x8xi32, #tpu.memory_space<hbm>> -> memref<400x8xi32, #tpu.memory_space<hbm>>
          %dma_start3A_138 = arith.constant 0 : i32
          %dma_start3A_139 = tpu.memref_slice %arg4[%mul3A_43, %dma_start3A_138] : memref<20000x8xi32, #tpu.memory_space<hbm>> -> memref<400x8xi32, #tpu.memory_space<hbm>>
          tpu.enqueue_dma source(%dma_start3A_139 : memref<400x8xi32, #tpu.memory_space<hbm>>) target(%arg13 : memref<400x8xi32, #tpu.memory_space<vmem>>) target_semaphore(%run_scoped3A : memref<!tpu.dma_semaphore, #tpu.memory_space<semaphore_mem>>)
          %dma_wait3A_140 = arith.constant 0 : i32
          %dma_wait3A_141 = tpu.memref_slice %arg4[%mul3A_43, %dma_wait3A_140] : memref<20000x8xi32, #tpu.memory_space<hbm>> -> memref<400x8xi32, #tpu.memory_space<hbm>>
          %dma_wait3A_142 = arith.constant 0 : i32
          %dma_wait3A_143 = tpu.memref_slice %arg4[%mul3A_43, %dma_wait3A_142] : memref<20000x8xi32, #tpu.memory_space<hbm>> -> memref<400x8xi32, #tpu.memory_space<hbm>>
          tpu.wait_dma2 semaphore(%run_scoped3A : memref<!tpu.dma_semaphore, #tpu.memory_space<semaphore_mem>>) src(%dma_wait3A_143 : memref<400x8xi32, #tpu.memory_space<hbm>>) dst(%arg13 : memref<400x8xi32, #tpu.memory_space<vmem>>)
          tpu.yield
        }) : () -> ()
        %broadcast_in_dim3A = arith.constant 0 : i32
        %broadcast_in_dim3A_44 = vector.broadcast %broadcast_in_dim3A : i32 to vector<16xi32>
        %add3A_45 = vector.broadcast %select_n3A : i32 to vector<16xi32>
        %add3A_46 = arith.addi %broadcast_in_dim3A_44, %add3A_45 : vector<16xi32>
        %scan3A_47 = arith.constant 0 : i32
        %scan3A_48 = arith.constant 0 : i32
        %scan3A_49 = arith.constant 25 : i32
        %scan3A_50 = arith.addi %scan3A_48, %scan3A_49 : i32
        %scan3A_51 = arith.constant 1 : i32
        scf.for %scan3A_136 = %scan3A_48 to %scan3A_50 step %scan3A_51  : i32 {
          %mul3A_137 = arith.constant 16 : i32
          %mul3A_138 = arith.muli %scan3A_136, %mul3A_137 : i32
          %add3A_139 = vector.broadcast %mul3A_138 : i32 to vector<16xi32>
          %add3A_140 = arith.addi %add3A_139, %iota3A : vector<16xi32>
          %gather3A = tpu.vector_load_idx %arg13[%add3A_140, %add3A_46] : memref<400x8xi32, #tpu.memory_space<vmem>>[vector<16xi32>, vector<16xi32>], vector<16xi32>,
          %mul3A_141 = arith.constant 16 : i32
          %mul3A_142 = arith.muli %scan3A_136, %mul3A_141 : i32
          %swap3A = arith.index_cast %mul3A_142 : i32 to index
          %swap3A_143 = tpu.vector_load %arg14[%swap3A] {strides = array<i32>} : memref<400xi32, #tpu.memory_space<vmem>>, vector<16xi32>,
          tpu.vector_store %arg14[%swap3A], %gather3A {strides = array<i32>} : memref<400xi32, #tpu.memory_space<vmem>>, vector<16xi32>,
        }
        %scan3A_52 = arith.constant 25 : i32
        %dma_start3A = arith.constant 0 : i32
        %dma_start3A_53 = arith.constant 0 : i32
        %dma_start3A_54 = tpu.memref_slice %arg17[%dma_start3A, %dma_start3A_53] : memref<400x128xf32, #tpu.memory_space<vmem>> -> memref<80x128xf32, #tpu.memory_space<vmem>>
        %dma_start3A_55 = arith.constant 0 : i32
        %dma_start3A_56 = tpu.memref_slice %arg14[%dma_start3A_55] : memref<400xi32, #tpu.memory_space<vmem>> -> memref<80xi32, #tpu.memory_space<vmem>>
        %dma_start3A_57 = arith.constant 0 : i32
        %dma_start3A_58 = arith.constant 0 : i32
        %dma_start3A_59 = tpu.memref_slice %arg3[%dma_start3A_57, %dma_start3A_58] : memref<10000x128xf32, #tpu.memory_space<hbm>> -> memref<10000x128xf32, #tpu.memory_space<hbm>>
        tpu.enqueue_indirect_dma source(%dma_start3A_59 : memref<10000x128xf32, #tpu.memory_space<hbm>>) target(%dma_start3A_54 : memref<80x128xf32, #tpu.memory_space<vmem>>) offsets(%dma_start3A_56 : memref<80xi32, #tpu.memory_space<vmem>>) semaphore(%arg18 : memref<!tpu.dma_semaphore, #tpu.memory_space<semaphore_mem>>)
        %dma_start3A_60 = arith.constant 80 : i32
        %dma_start3A_61 = arith.constant 0 : i32
        %dma_start3A_62 = tpu.memref_slice %arg17[%dma_start3A_60, %dma_start3A_61] : memref<400x128xf32, #tpu.memory_space<vmem>> -> memref<80x128xf32, #tpu.memory_space<vmem>>
        %dma_start3A_63 = arith.constant 80 : i32
        %dma_start3A_64 = tpu.memref_slice %arg14[%dma_start3A_63] : memref<400xi32, #tpu.memory_space<vmem>> -> memref<80xi32, #tpu.memory_space<vmem>>
        %dma_start3A_65 = arith.constant 0 : i32
        %dma_start3A_66 = arith.constant 0 : i32
        %dma_start3A_67 = tpu.memref_slice %arg3[%dma_start3A_65, %dma_start3A_66] : memref<10000x128xf32, #tpu.memory_space<hbm>> -> memref<10000x128xf32, #tpu.memory_space<hbm>>
        tpu.enqueue_indirect_dma source(%dma_start3A_67 : memref<10000x128xf32, #tpu.memory_space<hbm>>) target(%dma_start3A_62 : memref<80x128xf32, #tpu.memory_space<vmem>>) offsets(%dma_start3A_64 : memref<80xi32, #tpu.memory_space<vmem>>) semaphore(%arg18 : memref<!tpu.dma_semaphore, #tpu.memory_space<semaphore_mem>>)
        %dma_start3A_68 = arith.constant 160 : i32
        %dma_start3A_69 = arith.constant 0 : i32
        %dma_start3A_70 = tpu.memref_slice %arg17[%dma_start3A_68, %dma_start3A_69] : memref<400x128xf32, #tpu.memory_space<vmem>> -> memref<80x128xf32, #tpu.memory_space<vmem>>
        %dma_start3A_71 = arith.constant 160 : i32
        %dma_start3A_72 = tpu.memref_slice %arg14[%dma_start3A_71] : memref<400xi32, #tpu.memory_space<vmem>> -> memref<80xi32, #tpu.memory_space<vmem>>
        %dma_start3A_73 = arith.constant 0 : i32
        %dma_start3A_74 = arith.constant 0 : i32
        %dma_start3A_75 = tpu.memref_slice %arg3[%dma_start3A_73, %dma_start3A_74] : memref<10000x128xf32, #tpu.memory_space<hbm>> -> memref<10000x128xf32, #tpu.memory_space<hbm>>
        tpu.enqueue_indirect_dma source(%dma_start3A_75 : memref<10000x128xf32, #tpu.memory_space<hbm>>) target(%dma_start3A_70 : memref<80x128xf32, #tpu.memory_space<vmem>>) offsets(%dma_start3A_72 : memref<80xi32, #tpu.memory_space<vmem>>) semaphore(%arg18 : memref<!tpu.dma_semaphore, #tpu.memory_space<semaphore_mem>>)
        %dma_start3A_76 = arith.constant 240 : i32
        %dma_start3A_77 = arith.constant 0 : i32
        %dma_start3A_78 = tpu.memref_slice %arg17[%dma_start3A_76, %dma_start3A_77] : memref<400x128xf32, #tpu.memory_space<vmem>> -> memref<80x128xf32, #tpu.memory_space<vmem>>
        %dma_start3A_79 = arith.constant 240 : i32
        %dma_start3A_80 = tpu.memref_slice %arg14[%dma_start3A_79] : memref<400xi32, #tpu.memory_space<vmem>> -> memref<80xi32, #tpu.memory_space<vmem>>
        %dma_start3A_81 = arith.constant 0 : i32
        %dma_start3A_82 = arith.constant 0 : i32
        %dma_start3A_83 = tpu.memref_slice %arg3[%dma_start3A_81, %dma_start3A_82] : memref<10000x128xf32, #tpu.memory_space<hbm>> -> memref<10000x128xf32, #tpu.memory_space<hbm>>
        tpu.enqueue_indirect_dma source(%dma_start3A_83 : memref<10000x128xf32, #tpu.memory_space<hbm>>) target(%dma_start3A_78 : memref<80x128xf32, #tpu.memory_space<vmem>>) offsets(%dma_start3A_80 : memref<80xi32, #tpu.memory_space<vmem>>) semaphore(%arg18 : memref<!tpu.dma_semaphore, #tpu.memory_space<semaphore_mem>>)
        %dma_start3A_84 = arith.constant 320 : i32
        %dma_start3A_85 = arith.constant 0 : i32
        %dma_start3A_86 = tpu.memref_slice %arg17[%dma_start3A_84, %dma_start3A_85] : memref<400x128xf32, #tpu.memory_space<vmem>> -> memref<80x128xf32, #tpu.memory_space<vmem>>
        %dma_start3A_87 = arith.constant 320 : i32
        %dma_start3A_88 = tpu.memref_slice %arg14[%dma_start3A_87] : memref<400xi32, #tpu.memory_space<vmem>> -> memref<80xi32, #tpu.memory_space<vmem>>
        %dma_start3A_89 = arith.constant 0 : i32
        %dma_start3A_90 = arith.constant 0 : i32
        %dma_start3A_91 = tpu.memref_slice %arg3[%dma_start3A_89, %dma_start3A_90] : memref<10000x128xf32, #tpu.memory_space<hbm>> -> memref<10000x128xf32, #tpu.memory_space<hbm>>
        tpu.enqueue_indirect_dma source(%dma_start3A_91 : memref<10000x128xf32, #tpu.memory_space<hbm>>) target(%dma_start3A_86 : memref<80x128xf32, #tpu.memory_space<vmem>>) offsets(%dma_start3A_88 : memref<80xi32, #tpu.memory_space<vmem>>) semaphore(%arg18 : memref<!tpu.dma_semaphore, #tpu.memory_space<semaphore_mem>>)
        %dma_wait3A = arith.constant 0 : i32
        %dma_wait3A_92 = arith.constant 0 : i32
        %dma_wait3A_93 = tpu.memref_slice %arg17[%dma_wait3A, %dma_wait3A_92] : memref<400x128xf32, #tpu.memory_space<vmem>> -> memref<80x128xf32, #tpu.memory_space<vmem>>
        %dma_wait3A_94 = arith.constant 0 : i32
        %dma_wait3A_95 = tpu.memref_slice %arg14[%dma_wait3A_94] : memref<400xi32, #tpu.memory_space<vmem>> -> memref<80xi32, #tpu.memory_space<vmem>>
        %dma_wait3A_96 = arith.constant 0 : i32
        %dma_wait3A_97 = arith.constant 0 : i32
        %dma_wait3A_98 = tpu.memref_slice %arg3[%dma_wait3A_96, %dma_wait3A_97] : memref<10000x128xf32, #tpu.memory_space<hbm>> -> memref<10000x128xf32, #tpu.memory_space<hbm>>
        tpu.wait_indirect_dma semaphore(%arg18 : memref<!tpu.dma_semaphore, #tpu.memory_space<semaphore_mem>>) src(%dma_wait3A_98 : memref<10000x128xf32, #tpu.memory_space<hbm>>) dst(%dma_wait3A_93 : memref<80x128xf32, #tpu.memory_space<vmem>>)
        %dma_wait3A_99 = arith.constant 80 : i32
        %dma_wait3A_100 = arith.constant 0 : i32
        %dma_wait3A_101 = tpu.memref_slice %arg17[%dma_wait3A_99, %dma_wait3A_100] : memref<400x128xf32, #tpu.memory_space<vmem>> -> memref<80x128xf32, #tpu.memory_space<vmem>>
        %dma_wait3A_102 = arith.constant 80 : i32
        %dma_wait3A_103 = tpu.memref_slice %arg14[%dma_wait3A_102] : memref<400xi32, #tpu.memory_space<vmem>> -> memref<80xi32, #tpu.memory_space<vmem>>
        %dma_wait3A_104 = arith.constant 0 : i32
        %dma_wait3A_105 = arith.constant 0 : i32
        %dma_wait3A_106 = tpu.memref_slice %arg3[%dma_wait3A_104, %dma_wait3A_105] : memref<10000x128xf32, #tpu.memory_space<hbm>> -> memref<10000x128xf32, #tpu.memory_space<hbm>>
        tpu.wait_indirect_dma semaphore(%arg18 : memref<!tpu.dma_semaphore, #tpu.memory_space<semaphore_mem>>) src(%dma_wait3A_106 : memref<10000x128xf32, #tpu.memory_space<hbm>>) dst(%dma_wait3A_101 : memref<80x128xf32, #tpu.memory_space<vmem>>)
        %dma_wait3A_107 = arith.constant 160 : i32
        %dma_wait3A_108 = arith.constant 0 : i32
        %dma_wait3A_109 = tpu.memref_slice %arg17[%dma_wait3A_107, %dma_wait3A_108] : memref<400x128xf32, #tpu.memory_space<vmem>> -> memref<80x128xf32, #tpu.memory_space<vmem>>
        %dma_wait3A_110 = arith.constant 160 : i32
        %dma_wait3A_111 = tpu.memref_slice %arg14[%dma_wait3A_110] : memref<400xi32, #tpu.memory_space<vmem>> -> memref<80xi32, #tpu.memory_space<vmem>>
        %dma_wait3A_112 = arith.constant 0 : i32
        %dma_wait3A_113 = arith.constant 0 : i32
        %dma_wait3A_114 = tpu.memref_slice %arg3[%dma_wait3A_112, %dma_wait3A_113] : memref<10000x128xf32, #tpu.memory_space<hbm>> -> memref<10000x128xf32, #tpu.memory_space<hbm>>
        tpu.wait_indirect_dma semaphore(%arg18 : memref<!tpu.dma_semaphore, #tpu.memory_space<semaphore_mem>>) src(%dma_wait3A_114 : memref<10000x128xf32, #tpu.memory_space<hbm>>) dst(%dma_wait3A_109 : memref<80x128xf32, #tpu.memory_space<vmem>>)
        %dma_wait3A_115 = arith.constant 240 : i32
        %dma_wait3A_116 = arith.constant 0 : i32
        %dma_wait3A_117 = tpu.memref_slice %arg17[%dma_wait3A_115, %dma_wait3A_116] : memref<400x128xf32, #tpu.memory_space<vmem>> -> memref<80x128xf32, #tpu.memory_space<vmem>>
        %dma_wait3A_118 = arith.constant 240 : i32
        %dma_wait3A_119 = tpu.memref_slice %arg14[%dma_wait3A_118] : memref<400xi32, #tpu.memory_space<vmem>> -> memref<80xi32, #tpu.memory_space<vmem>>
        %dma_wait3A_120 = arith.constant 0 : i32
        %dma_wait3A_121 = arith.constant 0 : i32
        %dma_wait3A_122 = tpu.memref_slice %arg3[%dma_wait3A_120, %dma_wait3A_121] : memref<10000x128xf32, #tpu.memory_space<hbm>> -> memref<10000x128xf32, #tpu.memory_space<hbm>>
        tpu.wait_indirect_dma semaphore(%arg18 : memref<!tpu.dma_semaphore, #tpu.memory_space<semaphore_mem>>) src(%dma_wait3A_122 : memref<10000x128xf32, #tpu.memory_space<hbm>>) dst(%dma_wait3A_117 : memref<80x128xf32, #tpu.memory_space<vmem>>)
        %dma_wait3A_123 = arith.constant 320 : i32
        %dma_wait3A_124 = arith.constant 0 : i32
        %dma_wait3A_125 = tpu.memref_slice %arg17[%dma_wait3A_123, %dma_wait3A_124] : memref<400x128xf32, #tpu.memory_space<vmem>> -> memref<80x128xf32, #tpu.memory_space<vmem>>
        %dma_wait3A_126 = arith.constant 320 : i32
        %dma_wait3A_127 = tpu.memref_slice %arg14[%dma_wait3A_126] : memref<400xi32, #tpu.memory_space<vmem>> -> memref<80xi32, #tpu.memory_space<vmem>>
        %dma_wait3A_128 = arith.constant 0 : i32
        %dma_wait3A_129 = arith.constant 0 : i32
        %dma_wait3A_130 = tpu.memref_slice %arg3[%dma_wait3A_128, %dma_wait3A_129] : memref<10000x128xf32, #tpu.memory_space<hbm>> -> memref<10000x128xf32, #tpu.memory_space<hbm>>
        tpu.wait_indirect_dma semaphore(%arg18 : memref<!tpu.dma_semaphore, #tpu.memory_space<semaphore_mem>>) src(%dma_wait3A_130 : memref<10000x128xf32, #tpu.memory_space<hbm>>) dst(%dma_wait3A_125 : memref<80x128xf32, #tpu.memory_space<vmem>>)
        %mul3A_131 = arith.constant 20000 : i32
        %mul3A_132 = arith.muli %select_n3A, %mul3A_131 : i32
        %mul3A_133 = arith.constant 400 : i32
        %mul3A_134 = arith.muli %sub3A_41, %mul3A_133 : i32
        %add3A_135 = arith.addi %mul3A_132, %mul3A_134 : i32
        "tpu.region"() ({
          %run_scoped3A = tpu.sem_alloc : memref<!tpu.dma_semaphore, #tpu.memory_space<semaphore_mem>>
          %dma_start3A_136 = arith.constant 0 : i32
          %dma_start3A_137 = tpu.memref_slice %arg8[%add3A_135, %dma_start3A_136] : memref<160000x128xf32, #tpu.memory_space<hbm>> -> memref<400x128xf32, #tpu.memory_space<hbm>>
          %dma_start3A_138 = arith.constant 0 : i32
          %dma_start3A_139 = tpu.memref_slice %arg8[%add3A_135, %dma_start3A_138] : memref<160000x128xf32, #tpu.memory_space<hbm>> -> memref<400x128xf32, #tpu.memory_space<hbm>>
          tpu.enqueue_dma source(%arg17 : memref<400x128xf32, #tpu.memory_space<vmem>>) target(%dma_start3A_139 : memref<400x128xf32, #tpu.memory_space<hbm>>) target_semaphore(%run_scoped3A : memref<!tpu.dma_semaphore, #tpu.memory_space<semaphore_mem>>)
          %dma_wait3A_140 = arith.constant 0 : i32
          %dma_wait3A_141 = tpu.memref_slice %arg8[%add3A_135, %dma_wait3A_140] : memref<160000x128xf32, #tpu.memory_space<hbm>> -> memref<400x128xf32, #tpu.memory_space<hbm>>
          %dma_wait3A_142 = arith.constant 0 : i32
          %dma_wait3A_143 = tpu.memref_slice %arg8[%add3A_135, %dma_wait3A_142] : memref<160000x128xf32, #tpu.memory_space<hbm>> -> memref<400x128xf32, #tpu.memory_space<hbm>>
          tpu.wait_dma2 semaphore(%run_scoped3A : memref<!tpu.dma_semaphore, #tpu.memory_space<semaphore_mem>>) src(%arg17 : memref<400x128xf32, #tpu.memory_space<vmem>>) dst(%dma_wait3A_143 : memref<400x128xf32, #tpu.memory_space<hbm>>)
          tpu.yield
        }) : () -> ()
      } else {
      }
    }
    %scan3A_15 = arith.constant 13 : i32
    return
  }
}

#map = affine_map<(d0, d1) -> (0, 0)>
#map1 = affine_map<(d0, d1) -> (0, 0, 0)>
module attributes {stable_mosaic.version = 14 : i64} {
  func.func @_sc_scatter(%arg0: i32, %arg1: i32, %arg2: memref<80000x32xf32, #tpu.memory_space<hbm>>, %arg3: memref<80000x32xf32, #tpu.memory_space<hbm>>, %arg4: memref<20000x8xi32, #tpu.memory_space<hbm>>, %arg5: memref<640x32xf32, #tpu.memory_space<hbm>>, %arg6: memref<2x10240x32xf32, #tpu.memory_space<hbm>>, %arg7: memref<128xi32, #tpu.memory_space<vmem>>, %arg8: memref<128xi32, #tpu.memory_space<vmem>>, %arg9: memref<128xi32, #tpu.memory_space<vmem>>, %arg10: memref<128xi32, #tpu.memory_space<vmem>>, %arg11: memref<128xi32, #tpu.memory_space<vmem>>, %arg12: memref<160x8xi32, #tpu.memory_space<vmem>>, %arg13: memref<640x32xf32, #tpu.memory_space<vmem>>, %arg14: memref<640x32xf32, #tpu.memory_space<vmem>>, %arg15: memref<10240x32xf32, #tpu.memory_space<vmem_shared>>) attributes {dimension_semantics = [#tpu.dimension_semantics<core_parallel>, #tpu.dimension_semantics<subcore_parallel>], iteration_bounds = array<i64: 2, 16>, scalar_prefetch = 0 : i64, scratch_operands = 9 : i64, tpu.core_type = #tpu.core_type<sc_vector_subcore>, window_params = [{transform_indices = #map}, {transform_indices = #map}, {transform_indices = #map}, {transform_indices = #map}, {transform_indices = #map1}]} {
    %mul3A = arith.constant 2 : i32
    %mul3A_0 = arith.muli %arg1, %mul3A : i32
    %add3A = arith.addi %mul3A_0, %arg0 : i32
    %mul3A_1 = arith.constant 640 : i32
    %mul3A_2 = arith.muli %arg1, %mul3A_1 : i32
    "tpu.region"() ({
      %run_scoped3A = tpu.sem_alloc : memref<!tpu.dma_semaphore, #tpu.memory_space<semaphore_mem>>
      %dma_start3A = arith.constant 0 : i32
      %dma_start3A_17 = tpu.memref_slice %arg15[%mul3A_2, %dma_start3A] : memref<10240x32xf32, #tpu.memory_space<vmem_shared>> -> memref<640x32xf32, #tpu.memory_space<vmem_shared>>
      tpu.enqueue_dma source(%arg5 : memref<640x32xf32, #tpu.memory_space<hbm>>) target(%dma_start3A_17 : memref<640x32xf32, #tpu.memory_space<vmem_shared>>) target_semaphore(%run_scoped3A : memref<!tpu.dma_semaphore, #tpu.memory_space<semaphore_mem>>)
      %dma_wait3A = arith.constant 0 : i32
      %dma_wait3A_18 = tpu.memref_slice %arg15[%mul3A_2, %dma_wait3A] : memref<10240x32xf32, #tpu.memory_space<vmem_shared>> -> memref<640x32xf32, #tpu.memory_space<vmem_shared>>
      tpu.wait_dma2 semaphore(%run_scoped3A : memref<!tpu.dma_semaphore, #tpu.memory_space<semaphore_mem>>) src(%arg5 : memref<640x32xf32, #tpu.memory_space<hbm>>) dst(%dma_wait3A_18 : memref<640x32xf32, #tpu.memory_space<vmem_shared>>)
      tpu.yield
    }) : () -> ()
    %barrier3A = arith.constant 0 : index
    tpu.barrier barrier_id(%barrier3A)
    %iota3A = tpu.iota {dimensions = array<i32: 0>} : vector<16xi32>
    %shift_right_logical3A = arith.constant 2 : i32
    %shift_right_logical3A_3 = vector.broadcast %shift_right_logical3A : i32 to vector<16xi32>
    %shift_right_logical3A_4 = arith.shrui %iota3A, %shift_right_logical3A_3 : vector<16xi32>
    %and3A = arith.constant 3 : i32
    %and3A_5 = vector.broadcast %and3A : i32 to vector<16xi32>
    %and3A_6 = arith.andi %iota3A, %and3A_5 : vector<16xi32>
    %scan3A = arith.constant 0 : i32
    %scan3A_7 = arith.constant 0 : i32
    %scan3A_8 = arith.constant 8 : i32
    %scan3A_9 = arith.addi %scan3A_7, %scan3A_8 : i32
    %scan3A_10 = arith.constant 1 : i32
    scf.for %scan3A_17 = %scan3A_7 to %scan3A_9 step %scan3A_10  : i32 {
      %mul3A_18 = arith.constant 32 : i32
      %mul3A_19 = arith.muli %scan3A_17, %mul3A_18 : i32
      %add3A_20 = arith.addi %add3A, %mul3A_19 : i32
      %lt3A = arith.constant 125 : i32
      %lt3A_21 = arith.cmpi slt, %add3A_20, %lt3A : i32
      %convert_element_type3A = arith.extui %lt3A_21 : i1 to i32
      %cond3A = arith.constant 0 : i32
      %cond3A_22 = arith.cmpi ne, %convert_element_type3A, %cond3A : i32
      scf.if %cond3A_22 {
        %mul3A_30 = arith.constant 640 : i32
        %mul3A_31 = arith.muli %add3A_20, %mul3A_30 : i32
        "tpu.region"() ({
          %run_scoped3A = tpu.sem_alloc : memref<!tpu.dma_semaphore, #tpu.memory_space<semaphore_mem>>
          %dma_start3A = arith.constant 0 : i32
          %dma_start3A_64 = tpu.memref_slice %arg2[%mul3A_31, %dma_start3A] : memref<80000x32xf32, #tpu.memory_space<hbm>> -> memref<640x32xf32, #tpu.memory_space<hbm>>
          %dma_start3A_65 = arith.constant 0 : i32
          %dma_start3A_66 = tpu.memref_slice %arg2[%mul3A_31, %dma_start3A_65] : memref<80000x32xf32, #tpu.memory_space<hbm>> -> memref<640x32xf32, #tpu.memory_space<hbm>>
          tpu.enqueue_dma source(%dma_start3A_66 : memref<640x32xf32, #tpu.memory_space<hbm>>) target(%arg13 : memref<640x32xf32, #tpu.memory_space<vmem>>) target_semaphore(%run_scoped3A : memref<!tpu.dma_semaphore, #tpu.memory_space<semaphore_mem>>)
          %dma_wait3A = arith.constant 0 : i32
          %dma_wait3A_67 = tpu.memref_slice %arg2[%mul3A_31, %dma_wait3A] : memref<80000x32xf32, #tpu.memory_space<hbm>> -> memref<640x32xf32, #tpu.memory_space<hbm>>
          %dma_wait3A_68 = arith.constant 0 : i32
          %dma_wait3A_69 = tpu.memref_slice %arg2[%mul3A_31, %dma_wait3A_68] : memref<80000x32xf32, #tpu.memory_space<hbm>> -> memref<640x32xf32, #tpu.memory_space<hbm>>
          tpu.wait_dma2 semaphore(%run_scoped3A : memref<!tpu.dma_semaphore, #tpu.memory_space<semaphore_mem>>) src(%dma_wait3A_69 : memref<640x32xf32, #tpu.memory_space<hbm>>) dst(%arg13 : memref<640x32xf32, #tpu.memory_space<vmem>>)
          tpu.yield
        }) : () -> ()
        %mul3A_32 = arith.constant 160 : i32
        %mul3A_33 = arith.muli %add3A_20, %mul3A_32 : i32
        "tpu.region"() ({
          %run_scoped3A = tpu.sem_alloc : memref<!tpu.dma_semaphore, #tpu.memory_space<semaphore_mem>>
          %dma_start3A = arith.constant 0 : i32
          %dma_start3A_64 = tpu.memref_slice %arg4[%mul3A_33, %dma_start3A] : memref<20000x8xi32, #tpu.memory_space<hbm>> -> memref<160x8xi32, #tpu.memory_space<hbm>>
          %dma_start3A_65 = arith.constant 0 : i32
          %dma_start3A_66 = tpu.memref_slice %arg4[%mul3A_33, %dma_start3A_65] : memref<20000x8xi32, #tpu.memory_space<hbm>> -> memref<160x8xi32, #tpu.memory_space<hbm>>
          tpu.enqueue_dma source(%dma_start3A_66 : memref<160x8xi32, #tpu.memory_space<hbm>>) target(%arg12 : memref<160x8xi32, #tpu.memory_space<vmem>>) target_semaphore(%run_scoped3A : memref<!tpu.dma_semaphore, #tpu.memory_space<semaphore_mem>>)
          %dma_wait3A = arith.constant 0 : i32
          %dma_wait3A_67 = tpu.memref_slice %arg4[%mul3A_33, %dma_wait3A] : memref<20000x8xi32, #tpu.memory_space<hbm>> -> memref<160x8xi32, #tpu.memory_space<hbm>>
          %dma_wait3A_68 = arith.constant 0 : i32
          %dma_wait3A_69 = tpu.memref_slice %arg4[%mul3A_33, %dma_wait3A_68] : memref<20000x8xi32, #tpu.memory_space<hbm>> -> memref<160x8xi32, #tpu.memory_space<hbm>>
          tpu.wait_dma2 semaphore(%run_scoped3A : memref<!tpu.dma_semaphore, #tpu.memory_space<semaphore_mem>>) src(%dma_wait3A_69 : memref<160x8xi32, #tpu.memory_space<hbm>>) dst(%arg12 : memref<160x8xi32, #tpu.memory_space<vmem>>)
          tpu.yield
        }) : () -> ()
        %scan3A_34 = arith.constant 0 : i32
        %scan3A_35 = arith.constant 0 : i32
        %scan3A_36 = arith.constant 8 : i32
        %scan3A_37 = arith.addi %scan3A_35, %scan3A_36 : i32
        %scan3A_38 = arith.constant 1 : i32
        scf.for %scan3A_64 = %scan3A_35 to %scan3A_37 step %scan3A_38  : i32 {
          %mul3A_65 = arith.constant 4 : i32
          %mul3A_66 = arith.muli %scan3A_64, %mul3A_65 : i32
          %add3A_67 = arith.constant 0 : i32
          %add3A_68 = arith.addi %add3A_67, %mul3A_66 : i32
          %add3A_69 = vector.broadcast %add3A_68 : i32 to vector<16xi32>
          %add3A_70 = arith.addi %add3A_69, %shift_right_logical3A_4 : vector<16xi32>
          %add3A_71 = arith.constant 0 : i32
          %add3A_72 = vector.broadcast %add3A_71 : i32 to vector<16xi32>
          %add3A_73 = arith.addi %and3A_6, %add3A_72 : vector<16xi32>
          %gather3A = tpu.vector_load_idx %arg12[%add3A_70, %add3A_73] : memref<160x8xi32, #tpu.memory_space<vmem>>[vector<16xi32>, vector<16xi32>], vector<16xi32>,
          %mul3A_74 = arith.constant 16 : i32
          %mul3A_75 = arith.muli %scan3A_64, %mul3A_74 : i32
          %swap3A = arith.index_cast %mul3A_75 : i32 to index
          %swap3A_76 = tpu.vector_load %arg7[%swap3A] {strides = array<i32>} : memref<128xi32, #tpu.memory_space<vmem>>, vector<16xi32>,
          tpu.vector_store %arg7[%swap3A], %gather3A {strides = array<i32>} : memref<128xi32, #tpu.memory_space<vmem>>, vector<16xi32>,
        }
        %scan3A_39 = arith.constant 8 : i32
        %scan3A_40 = arith.constant 0 : i32
        %scan3A_41 = arith.constant 0 : i32
        %scan3A_42 = arith.constant 8 : i32
        %scan3A_43 = arith.addi %scan3A_41, %scan3A_42 : i32
        %scan3A_44 = arith.constant 1 : i32
        scf.for %scan3A_64 = %scan3A_41 to %scan3A_43 step %scan3A_44  : i32 {
          %mul3A_65 = arith.constant 4 : i32
          %mul3A_66 = arith.muli %scan3A_64, %mul3A_65 : i32
          %add3A_67 = arith.constant 32 : i32
          %add3A_68 = arith.addi %add3A_67, %mul3A_66 : i32
          %add3A_69 = vector.broadcast %add3A_68 : i32 to vector<16xi32>
          %add3A_70 = arith.addi %add3A_69, %shift_right_logical3A_4 : vector<16xi32>
          %add3A_71 = arith.constant 0 : i32
          %add3A_72 = vector.broadcast %add3A_71 : i32 to vector<16xi32>
          %add3A_73 = arith.addi %and3A_6, %add3A_72 : vector<16xi32>
          %gather3A = tpu.vector_load_idx %arg12[%add3A_70, %add3A_73] : memref<160x8xi32, #tpu.memory_space<vmem>>[vector<16xi32>, vector<16xi32>], vector<16xi32>,
          %mul3A_74 = arith.constant 16 : i32
          %mul3A_75 = arith.muli %scan3A_64, %mul3A_74 : i32
          %swap3A = arith.index_cast %mul3A_75 : i32 to index
          %swap3A_76 = tpu.vector_load %arg8[%swap3A] {strides = array<i32>} : memref<128xi32, #tpu.memory_space<vmem>>, vector<16xi32>,
          tpu.vector_store %arg8[%swap3A], %gather3A {strides = array<i32>} : memref<128xi32, #tpu.memory_space<vmem>>, vector<16xi32>,
        }
        %scan3A_45 = arith.constant 8 : i32
        %scan3A_46 = arith.constant 0 : i32
        %scan3A_47 = arith.constant 0 : i32
        %scan3A_48 = arith.constant 8 : i32
        %scan3A_49 = arith.addi %scan3A_47, %scan3A_48 : i32
        %scan3A_50 = arith.constant 1 : i32
        scf.for %scan3A_64 = %scan3A_47 to %scan3A_49 step %scan3A_50  : i32 {
          %mul3A_65 = arith.constant 4 : i32
          %mul3A_66 = arith.muli %scan3A_64, %mul3A_65 : i32
          %add3A_67 = arith.constant 64 : i32
          %add3A_68 = arith.addi %add3A_67, %mul3A_66 : i32
          %add3A_69 = vector.broadcast %add3A_68 : i32 to vector<16xi32>
          %add3A_70 = arith.addi %add3A_69, %shift_right_logical3A_4 : vector<16xi32>
          %add3A_71 = arith.constant 0 : i32
          %add3A_72 = vector.broadcast %add3A_71 : i32 to vector<16xi32>
          %add3A_73 = arith.addi %and3A_6, %add3A_72 : vector<16xi32>
          %gather3A = tpu.vector_load_idx %arg12[%add3A_70, %add3A_73] : memref<160x8xi32, #tpu.memory_space<vmem>>[vector<16xi32>, vector<16xi32>], vector<16xi32>,
          %mul3A_74 = arith.constant 16 : i32
          %mul3A_75 = arith.muli %scan3A_64, %mul3A_74 : i32
          %swap3A = arith.index_cast %mul3A_75 : i32 to index
          %swap3A_76 = tpu.vector_load %arg9[%swap3A] {strides = array<i32>} : memref<128xi32, #tpu.memory_space<vmem>>, vector<16xi32>,
          tpu.vector_store %arg9[%swap3A], %gather3A {strides = array<i32>} : memref<128xi32, #tpu.memory_space<vmem>>, vector<16xi32>,
        }
        %scan3A_51 = arith.constant 8 : i32
        %scan3A_52 = arith.constant 0 : i32
        %scan3A_53 = arith.constant 0 : i32
        %scan3A_54 = arith.constant 8 : i32
        %scan3A_55 = arith.addi %scan3A_53, %scan3A_54 : i32
        %scan3A_56 = arith.constant 1 : i32
        scf.for %scan3A_64 = %scan3A_53 to %scan3A_55 step %scan3A_56  : i32 {
          %mul3A_65 = arith.constant 4 : i32
          %mul3A_66 = arith.muli %scan3A_64, %mul3A_65 : i32
          %add3A_67 = arith.constant 96 : i32
          %add3A_68 = arith.addi %add3A_67, %mul3A_66 : i32
          %add3A_69 = vector.broadcast %add3A_68 : i32 to vector<16xi32>
          %add3A_70 = arith.addi %add3A_69, %shift_right_logical3A_4 : vector<16xi32>
          %add3A_71 = arith.constant 0 : i32
          %add3A_72 = vector.broadcast %add3A_71 : i32 to vector<16xi32>
          %add3A_73 = arith.addi %and3A_6, %add3A_72 : vector<16xi32>
          %gather3A = tpu.vector_load_idx %arg12[%add3A_70, %add3A_73] : memref<160x8xi32, #tpu.memory_space<vmem>>[vector<16xi32>, vector<16xi32>], vector<16xi32>,
          %mul3A_74 = arith.constant 16 : i32
          %mul3A_75 = arith.muli %scan3A_64, %mul3A_74 : i32
          %swap3A = arith.index_cast %mul3A_75 : i32 to index
          %swap3A_76 = tpu.vector_load %arg10[%swap3A] {strides = array<i32>} : memref<128xi32, #tpu.memory_space<vmem>>, vector<16xi32>,
          tpu.vector_store %arg10[%swap3A], %gather3A {strides = array<i32>} : memref<128xi32, #tpu.memory_space<vmem>>, vector<16xi32>,
        }
        %scan3A_57 = arith.constant 8 : i32
        %scan3A_58 = arith.constant 0 : i32
        %scan3A_59 = arith.constant 0 : i32
        %scan3A_60 = arith.constant 8 : i32
        %scan3A_61 = arith.addi %scan3A_59, %scan3A_60 : i32
        %scan3A_62 = arith.constant 1 : i32
        scf.for %scan3A_64 = %scan3A_59 to %scan3A_61 step %scan3A_62  : i32 {
          %mul3A_65 = arith.constant 4 : i32
          %mul3A_66 = arith.muli %scan3A_64, %mul3A_65 : i32
          %add3A_67 = arith.constant 128 : i32
          %add3A_68 = arith.addi %add3A_67, %mul3A_66 : i32
          %add3A_69 = vector.broadcast %add3A_68 : i32 to vector<16xi32>
          %add3A_70 = arith.addi %add3A_69, %shift_right_logical3A_4 : vector<16xi32>
          %add3A_71 = arith.constant 0 : i32
          %add3A_72 = vector.broadcast %add3A_71 : i32 to vector<16xi32>
          %add3A_73 = arith.addi %and3A_6, %add3A_72 : vector<16xi32>
          %gather3A = tpu.vector_load_idx %arg12[%add3A_70, %add3A_73] : memref<160x8xi32, #tpu.memory_space<vmem>>[vector<16xi32>, vector<16xi32>], vector<16xi32>,
          %mul3A_74 = arith.constant 16 : i32
          %mul3A_75 = arith.muli %scan3A_64, %mul3A_74 : i32
          %swap3A = arith.index_cast %mul3A_75 : i32 to index
          %swap3A_76 = tpu.vector_load %arg11[%swap3A] {strides = array<i32>} : memref<128xi32, #tpu.memory_space<vmem>>, vector<16xi32>,
          tpu.vector_store %arg11[%swap3A], %gather3A {strides = array<i32>} : memref<128xi32, #tpu.memory_space<vmem>>, vector<16xi32>,
        }
        %scan3A_63 = arith.constant 8 : i32
        "tpu.region"() ({
          %run_scoped3A = tpu.sem_alloc : memref<!tpu.dma_semaphore, #tpu.memory_space<semaphore_mem>>
          %dma_start3A = arith.constant 0 : i32
          %dma_start3A_64 = arith.constant 0 : i32
          %dma_start3A_65 = tpu.memref_slice %arg13[%dma_start3A, %dma_start3A_64] : memref<640x32xf32, #tpu.memory_space<vmem>> -> memref<128x32xf32, #tpu.memory_space<vmem>>
          %dma_start3A_66 = arith.constant 0 : i32
          %dma_start3A_67 = arith.constant 0 : i32
          %dma_start3A_68 = tpu.memref_slice %arg15[%dma_start3A_66, %dma_start3A_67] : memref<10240x32xf32, #tpu.memory_space<vmem_shared>> -> memref<10240x32xf32, #tpu.memory_space<vmem_shared>>
          tpu.enqueue_indirect_dma source(%dma_start3A_65 : memref<128x32xf32, #tpu.memory_space<vmem>>) target(%dma_start3A_68 : memref<10240x32xf32, #tpu.memory_space<vmem_shared>>) offsets(%arg7 : memref<128xi32, #tpu.memory_space<vmem>>) semaphore(%run_scoped3A : memref<!tpu.dma_semaphore, #tpu.memory_space<semaphore_mem>>) {add = true}
          %dma_wait3A = arith.constant 0 : i32
          %dma_wait3A_69 = arith.constant 0 : i32
          %dma_wait3A_70 = tpu.memref_slice %arg13[%dma_wait3A, %dma_wait3A_69] : memref<640x32xf32, #tpu.memory_space<vmem>> -> memref<128x32xf32, #tpu.memory_space<vmem>>
          %dma_wait3A_71 = arith.constant 0 : i32
          %dma_wait3A_72 = arith.constant 0 : i32
          %dma_wait3A_73 = tpu.memref_slice %arg15[%dma_wait3A_71, %dma_wait3A_72] : memref<10240x32xf32, #tpu.memory_space<vmem_shared>> -> memref<10240x32xf32, #tpu.memory_space<vmem_shared>>
          tpu.wait_indirect_dma semaphore(%run_scoped3A : memref<!tpu.dma_semaphore, #tpu.memory_space<semaphore_mem>>) src(%dma_wait3A_70 : memref<128x32xf32, #tpu.memory_space<vmem>>) dst(%dma_wait3A_73 : memref<10240x32xf32, #tpu.memory_space<vmem_shared>>)
          tpu.yield
        }) : () -> ()
        "tpu.region"() ({
          %run_scoped3A = tpu.sem_alloc : memref<!tpu.dma_semaphore, #tpu.memory_space<semaphore_mem>>
          %dma_start3A = arith.constant 128 : i32
          %dma_start3A_64 = arith.constant 0 : i32
          %dma_start3A_65 = tpu.memref_slice %arg13[%dma_start3A, %dma_start3A_64] : memref<640x32xf32, #tpu.memory_space<vmem>> -> memref<128x32xf32, #tpu.memory_space<vmem>>
          %dma_start3A_66 = arith.constant 0 : i32
          %dma_start3A_67 = arith.constant 0 : i32
          %dma_start3A_68 = tpu.memref_slice %arg15[%dma_start3A_66, %dma_start3A_67] : memref<10240x32xf32, #tpu.memory_space<vmem_shared>> -> memref<10240x32xf32, #tpu.memory_space<vmem_shared>>
          tpu.enqueue_indirect_dma source(%dma_start3A_65 : memref<128x32xf32, #tpu.memory_space<vmem>>) target(%dma_start3A_68 : memref<10240x32xf32, #tpu.memory_space<vmem_shared>>) offsets(%arg8 : memref<128xi32, #tpu.memory_space<vmem>>) semaphore(%run_scoped3A : memref<!tpu.dma_semaphore, #tpu.memory_space<semaphore_mem>>) {add = true}
          %dma_wait3A = arith.constant 128 : i32
          %dma_wait3A_69 = arith.constant 0 : i32
          %dma_wait3A_70 = tpu.memref_slice %arg13[%dma_wait3A, %dma_wait3A_69] : memref<640x32xf32, #tpu.memory_space<vmem>> -> memref<128x32xf32, #tpu.memory_space<vmem>>
          %dma_wait3A_71 = arith.constant 0 : i32
          %dma_wait3A_72 = arith.constant 0 : i32
          %dma_wait3A_73 = tpu.memref_slice %arg15[%dma_wait3A_71, %dma_wait3A_72] : memref<10240x32xf32, #tpu.memory_space<vmem_shared>> -> memref<10240x32xf32, #tpu.memory_space<vmem_shared>>
          tpu.wait_indirect_dma semaphore(%run_scoped3A : memref<!tpu.dma_semaphore, #tpu.memory_space<semaphore_mem>>) src(%dma_wait3A_70 : memref<128x32xf32, #tpu.memory_space<vmem>>) dst(%dma_wait3A_73 : memref<10240x32xf32, #tpu.memory_space<vmem_shared>>)
          tpu.yield
        }) : () -> ()
        "tpu.region"() ({
          %run_scoped3A = tpu.sem_alloc : memref<!tpu.dma_semaphore, #tpu.memory_space<semaphore_mem>>
          %dma_start3A = arith.constant 256 : i32
          %dma_start3A_64 = arith.constant 0 : i32
          %dma_start3A_65 = tpu.memref_slice %arg13[%dma_start3A, %dma_start3A_64] : memref<640x32xf32, #tpu.memory_space<vmem>> -> memref<128x32xf32, #tpu.memory_space<vmem>>
          %dma_start3A_66 = arith.constant 0 : i32
          %dma_start3A_67 = arith.constant 0 : i32
          %dma_start3A_68 = tpu.memref_slice %arg15[%dma_start3A_66, %dma_start3A_67] : memref<10240x32xf32, #tpu.memory_space<vmem_shared>> -> memref<10240x32xf32, #tpu.memory_space<vmem_shared>>
          tpu.enqueue_indirect_dma source(%dma_start3A_65 : memref<128x32xf32, #tpu.memory_space<vmem>>) target(%dma_start3A_68 : memref<10240x32xf32, #tpu.memory_space<vmem_shared>>) offsets(%arg9 : memref<128xi32, #tpu.memory_space<vmem>>) semaphore(%run_scoped3A : memref<!tpu.dma_semaphore, #tpu.memory_space<semaphore_mem>>) {add = true}
          %dma_wait3A = arith.constant 256 : i32
          %dma_wait3A_69 = arith.constant 0 : i32
          %dma_wait3A_70 = tpu.memref_slice %arg13[%dma_wait3A, %dma_wait3A_69] : memref<640x32xf32, #tpu.memory_space<vmem>> -> memref<128x32xf32, #tpu.memory_space<vmem>>
          %dma_wait3A_71 = arith.constant 0 : i32
          %dma_wait3A_72 = arith.constant 0 : i32
          %dma_wait3A_73 = tpu.memref_slice %arg15[%dma_wait3A_71, %dma_wait3A_72] : memref<10240x32xf32, #tpu.memory_space<vmem_shared>> -> memref<10240x32xf32, #tpu.memory_space<vmem_shared>>
          tpu.wait_indirect_dma semaphore(%run_scoped3A : memref<!tpu.dma_semaphore, #tpu.memory_space<semaphore_mem>>) src(%dma_wait3A_70 : memref<128x32xf32, #tpu.memory_space<vmem>>) dst(%dma_wait3A_73 : memref<10240x32xf32, #tpu.memory_space<vmem_shared>>)
          tpu.yield
        }) : () -> ()
        "tpu.region"() ({
          %run_scoped3A = tpu.sem_alloc : memref<!tpu.dma_semaphore, #tpu.memory_space<semaphore_mem>>
          %dma_start3A = arith.constant 384 : i32
          %dma_start3A_64 = arith.constant 0 : i32
          %dma_start3A_65 = tpu.memref_slice %arg13[%dma_start3A, %dma_start3A_64] : memref<640x32xf32, #tpu.memory_space<vmem>> -> memref<128x32xf32, #tpu.memory_space<vmem>>
          %dma_start3A_66 = arith.constant 0 : i32
          %dma_start3A_67 = arith.constant 0 : i32
          %dma_start3A_68 = tpu.memref_slice %arg15[%dma_start3A_66, %dma_start3A_67] : memref<10240x32xf32, #tpu.memory_space<vmem_shared>> -> memref<10240x32xf32, #tpu.memory_space<vmem_shared>>
          tpu.enqueue_indirect_dma source(%dma_start3A_65 : memref<128x32xf32, #tpu.memory_space<vmem>>) target(%dma_start3A_68 : memref<10240x32xf32, #tpu.memory_space<vmem_shared>>) offsets(%arg10 : memref<128xi32, #tpu.memory_space<vmem>>) semaphore(%run_scoped3A : memref<!tpu.dma_semaphore, #tpu.memory_space<semaphore_mem>>) {add = true}
          %dma_wait3A = arith.constant 384 : i32
          %dma_wait3A_69 = arith.constant 0 : i32
          %dma_wait3A_70 = tpu.memref_slice %arg13[%dma_wait3A, %dma_wait3A_69] : memref<640x32xf32, #tpu.memory_space<vmem>> -> memref<128x32xf32, #tpu.memory_space<vmem>>
          %dma_wait3A_71 = arith.constant 0 : i32
          %dma_wait3A_72 = arith.constant 0 : i32
          %dma_wait3A_73 = tpu.memref_slice %arg15[%dma_wait3A_71, %dma_wait3A_72] : memref<10240x32xf32, #tpu.memory_space<vmem_shared>> -> memref<10240x32xf32, #tpu.memory_space<vmem_shared>>
          tpu.wait_indirect_dma semaphore(%run_scoped3A : memref<!tpu.dma_semaphore, #tpu.memory_space<semaphore_mem>>) src(%dma_wait3A_70 : memref<128x32xf32, #tpu.memory_space<vmem>>) dst(%dma_wait3A_73 : memref<10240x32xf32, #tpu.memory_space<vmem_shared>>)
          tpu.yield
        }) : () -> ()
        "tpu.region"() ({
          %run_scoped3A = tpu.sem_alloc : memref<!tpu.dma_semaphore, #tpu.memory_space<semaphore_mem>>
          %dma_start3A = arith.constant 512 : i32
          %dma_start3A_64 = arith.constant 0 : i32
          %dma_start3A_65 = tpu.memref_slice %arg13[%dma_start3A, %dma_start3A_64] : memref<640x32xf32, #tpu.memory_space<vmem>> -> memref<128x32xf32, #tpu.memory_space<vmem>>
          %dma_start3A_66 = arith.constant 0 : i32
          %dma_start3A_67 = arith.constant 0 : i32
          %dma_start3A_68 = tpu.memref_slice %arg15[%dma_start3A_66, %dma_start3A_67] : memref<10240x32xf32, #tpu.memory_space<vmem_shared>> -> memref<10240x32xf32, #tpu.memory_space<vmem_shared>>
          tpu.enqueue_indirect_dma source(%dma_start3A_65 : memref<128x32xf32, #tpu.memory_space<vmem>>) target(%dma_start3A_68 : memref<10240x32xf32, #tpu.memory_space<vmem_shared>>) offsets(%arg11 : memref<128xi32, #tpu.memory_space<vmem>>) semaphore(%run_scoped3A : memref<!tpu.dma_semaphore, #tpu.memory_space<semaphore_mem>>) {add = true}
          %dma_wait3A = arith.constant 512 : i32
          %dma_wait3A_69 = arith.constant 0 : i32
          %dma_wait3A_70 = tpu.memref_slice %arg13[%dma_wait3A, %dma_wait3A_69] : memref<640x32xf32, #tpu.memory_space<vmem>> -> memref<128x32xf32, #tpu.memory_space<vmem>>
          %dma_wait3A_71 = arith.constant 0 : i32
          %dma_wait3A_72 = arith.constant 0 : i32
          %dma_wait3A_73 = tpu.memref_slice %arg15[%dma_wait3A_71, %dma_wait3A_72] : memref<10240x32xf32, #tpu.memory_space<vmem_shared>> -> memref<10240x32xf32, #tpu.memory_space<vmem_shared>>
          tpu.wait_indirect_dma semaphore(%run_scoped3A : memref<!tpu.dma_semaphore, #tpu.memory_space<semaphore_mem>>) src(%dma_wait3A_70 : memref<128x32xf32, #tpu.memory_space<vmem>>) dst(%dma_wait3A_73 : memref<10240x32xf32, #tpu.memory_space<vmem_shared>>)
          tpu.yield
        }) : () -> ()
      } else {
      }
      %ge3A = arith.constant 125 : i32
      %ge3A_23 = arith.cmpi sge, %add3A_20, %ge3A : i32
      %lt3A_24 = arith.constant 250 : i32
      %lt3A_25 = arith.cmpi slt, %add3A_20, %lt3A_24 : i32
      %and3A_26 = arith.andi %ge3A_23, %lt3A_25 : i1
      %convert_element_type3A_27 = arith.extui %and3A_26 : i1 to i32
      %cond3A_28 = arith.constant 0 : i32
      %cond3A_29 = arith.cmpi ne, %convert_element_type3A_27, %cond3A_28 : i32
      scf.if %cond3A_29 {
        %sub3A = arith.constant 125 : i32
        %sub3A_30 = arith.subi %add3A_20, %sub3A : i32
        %mul3A_31 = arith.constant 640 : i32
        %mul3A_32 = arith.muli %sub3A_30, %mul3A_31 : i32
        "tpu.region"() ({
          %run_scoped3A = tpu.sem_alloc : memref<!tpu.dma_semaphore, #tpu.memory_space<semaphore_mem>>
          %dma_start3A = arith.constant 0 : i32
          %dma_start3A_65 = tpu.memref_slice %arg3[%mul3A_32, %dma_start3A] : memref<80000x32xf32, #tpu.memory_space<hbm>> -> memref<640x32xf32, #tpu.memory_space<hbm>>
          %dma_start3A_66 = arith.constant 0 : i32
          %dma_start3A_67 = tpu.memref_slice %arg3[%mul3A_32, %dma_start3A_66] : memref<80000x32xf32, #tpu.memory_space<hbm>> -> memref<640x32xf32, #tpu.memory_space<hbm>>
          tpu.enqueue_dma source(%dma_start3A_67 : memref<640x32xf32, #tpu.memory_space<hbm>>) target(%arg13 : memref<640x32xf32, #tpu.memory_space<vmem>>) target_semaphore(%run_scoped3A : memref<!tpu.dma_semaphore, #tpu.memory_space<semaphore_mem>>)
          %dma_wait3A = arith.constant 0 : i32
          %dma_wait3A_68 = tpu.memref_slice %arg3[%mul3A_32, %dma_wait3A] : memref<80000x32xf32, #tpu.memory_space<hbm>> -> memref<640x32xf32, #tpu.memory_space<hbm>>
          %dma_wait3A_69 = arith.constant 0 : i32
          %dma_wait3A_70 = tpu.memref_slice %arg3[%mul3A_32, %dma_wait3A_69] : memref<80000x32xf32, #tpu.memory_space<hbm>> -> memref<640x32xf32, #tpu.memory_space<hbm>>
          tpu.wait_dma2 semaphore(%run_scoped3A : memref<!tpu.dma_semaphore, #tpu.memory_space<semaphore_mem>>) src(%dma_wait3A_70 : memref<640x32xf32, #tpu.memory_space<hbm>>) dst(%arg13 : memref<640x32xf32, #tpu.memory_space<vmem>>)
          tpu.yield
        }) : () -> ()
        %mul3A_33 = arith.constant 160 : i32
        %mul3A_34 = arith.muli %sub3A_30, %mul3A_33 : i32
        "tpu.region"() ({
          %run_scoped3A = tpu.sem_alloc : memref<!tpu.dma_semaphore, #tpu.memory_space<semaphore_mem>>
          %dma_start3A = arith.constant 0 : i32
          %dma_start3A_65 = tpu.memref_slice %arg4[%mul3A_34, %dma_start3A] : memref<20000x8xi32, #tpu.memory_space<hbm>> -> memref<160x8xi32, #tpu.memory_space<hbm>>
          %dma_start3A_66 = arith.constant 0 : i32
          %dma_start3A_67 = tpu.memref_slice %arg4[%mul3A_34, %dma_start3A_66] : memref<20000x8xi32, #tpu.memory_space<hbm>> -> memref<160x8xi32, #tpu.memory_space<hbm>>
          tpu.enqueue_dma source(%dma_start3A_67 : memref<160x8xi32, #tpu.memory_space<hbm>>) target(%arg12 : memref<160x8xi32, #tpu.memory_space<vmem>>) target_semaphore(%run_scoped3A : memref<!tpu.dma_semaphore, #tpu.memory_space<semaphore_mem>>)
          %dma_wait3A = arith.constant 0 : i32
          %dma_wait3A_68 = tpu.memref_slice %arg4[%mul3A_34, %dma_wait3A] : memref<20000x8xi32, #tpu.memory_space<hbm>> -> memref<160x8xi32, #tpu.memory_space<hbm>>
          %dma_wait3A_69 = arith.constant 0 : i32
          %dma_wait3A_70 = tpu.memref_slice %arg4[%mul3A_34, %dma_wait3A_69] : memref<20000x8xi32, #tpu.memory_space<hbm>> -> memref<160x8xi32, #tpu.memory_space<hbm>>
          tpu.wait_dma2 semaphore(%run_scoped3A : memref<!tpu.dma_semaphore, #tpu.memory_space<semaphore_mem>>) src(%dma_wait3A_70 : memref<160x8xi32, #tpu.memory_space<hbm>>) dst(%arg12 : memref<160x8xi32, #tpu.memory_space<vmem>>)
          tpu.yield
        }) : () -> ()
        %scan3A_35 = arith.constant 0 : i32
        %scan3A_36 = arith.constant 0 : i32
        %scan3A_37 = arith.constant 8 : i32
        %scan3A_38 = arith.addi %scan3A_36, %scan3A_37 : i32
        %scan3A_39 = arith.constant 1 : i32
        scf.for %scan3A_65 = %scan3A_36 to %scan3A_38 step %scan3A_39  : i32 {
          %mul3A_66 = arith.constant 4 : i32
          %mul3A_67 = arith.muli %scan3A_65, %mul3A_66 : i32
          %add3A_68 = arith.constant 0 : i32
          %add3A_69 = arith.addi %add3A_68, %mul3A_67 : i32
          %add3A_70 = vector.broadcast %add3A_69 : i32 to vector<16xi32>
          %add3A_71 = arith.addi %add3A_70, %shift_right_logical3A_4 : vector<16xi32>
          %add3A_72 = arith.constant 4 : i32
          %add3A_73 = vector.broadcast %add3A_72 : i32 to vector<16xi32>
          %add3A_74 = arith.addi %and3A_6, %add3A_73 : vector<16xi32>
          %gather3A = tpu.vector_load_idx %arg12[%add3A_71, %add3A_74] : memref<160x8xi32, #tpu.memory_space<vmem>>[vector<16xi32>, vector<16xi32>], vector<16xi32>,
          %mul3A_75 = arith.constant 16 : i32
          %mul3A_76 = arith.muli %scan3A_65, %mul3A_75 : i32
          %swap3A = arith.index_cast %mul3A_76 : i32 to index
          %swap3A_77 = tpu.vector_load %arg7[%swap3A] {strides = array<i32>} : memref<128xi32, #tpu.memory_space<vmem>>, vector<16xi32>,
          tpu.vector_store %arg7[%swap3A], %gather3A {strides = array<i32>} : memref<128xi32, #tpu.memory_space<vmem>>, vector<16xi32>,
        }
        %scan3A_40 = arith.constant 8 : i32
        %scan3A_41 = arith.constant 0 : i32
        %scan3A_42 = arith.constant 0 : i32
        %scan3A_43 = arith.constant 8 : i32
        %scan3A_44 = arith.addi %scan3A_42, %scan3A_43 : i32
        %scan3A_45 = arith.constant 1 : i32
        scf.for %scan3A_65 = %scan3A_42 to %scan3A_44 step %scan3A_45  : i32 {
          %mul3A_66 = arith.constant 4 : i32
          %mul3A_67 = arith.muli %scan3A_65, %mul3A_66 : i32
          %add3A_68 = arith.constant 32 : i32
          %add3A_69 = arith.addi %add3A_68, %mul3A_67 : i32
          %add3A_70 = vector.broadcast %add3A_69 : i32 to vector<16xi32>
          %add3A_71 = arith.addi %add3A_70, %shift_right_logical3A_4 : vector<16xi32>
          %add3A_72 = arith.constant 4 : i32
          %add3A_73 = vector.broadcast %add3A_72 : i32 to vector<16xi32>
          %add3A_74 = arith.addi %and3A_6, %add3A_73 : vector<16xi32>
          %gather3A = tpu.vector_load_idx %arg12[%add3A_71, %add3A_74] : memref<160x8xi32, #tpu.memory_space<vmem>>[vector<16xi32>, vector<16xi32>], vector<16xi32>,
          %mul3A_75 = arith.constant 16 : i32
          %mul3A_76 = arith.muli %scan3A_65, %mul3A_75 : i32
          %swap3A = arith.index_cast %mul3A_76 : i32 to index
          %swap3A_77 = tpu.vector_load %arg8[%swap3A] {strides = array<i32>} : memref<128xi32, #tpu.memory_space<vmem>>, vector<16xi32>,
          tpu.vector_store %arg8[%swap3A], %gather3A {strides = array<i32>} : memref<128xi32, #tpu.memory_space<vmem>>, vector<16xi32>,
        }
        %scan3A_46 = arith.constant 8 : i32
        %scan3A_47 = arith.constant 0 : i32
        %scan3A_48 = arith.constant 0 : i32
        %scan3A_49 = arith.constant 8 : i32
        %scan3A_50 = arith.addi %scan3A_48, %scan3A_49 : i32
        %scan3A_51 = arith.constant 1 : i32
        scf.for %scan3A_65 = %scan3A_48 to %scan3A_50 step %scan3A_51  : i32 {
          %mul3A_66 = arith.constant 4 : i32
          %mul3A_67 = arith.muli %scan3A_65, %mul3A_66 : i32
          %add3A_68 = arith.constant 64 : i32
          %add3A_69 = arith.addi %add3A_68, %mul3A_67 : i32
          %add3A_70 = vector.broadcast %add3A_69 : i32 to vector<16xi32>
          %add3A_71 = arith.addi %add3A_70, %shift_right_logical3A_4 : vector<16xi32>
          %add3A_72 = arith.constant 4 : i32
          %add3A_73 = vector.broadcast %add3A_72 : i32 to vector<16xi32>
          %add3A_74 = arith.addi %and3A_6, %add3A_73 : vector<16xi32>
          %gather3A = tpu.vector_load_idx %arg12[%add3A_71, %add3A_74] : memref<160x8xi32, #tpu.memory_space<vmem>>[vector<16xi32>, vector<16xi32>], vector<16xi32>,
          %mul3A_75 = arith.constant 16 : i32
          %mul3A_76 = arith.muli %scan3A_65, %mul3A_75 : i32
          %swap3A = arith.index_cast %mul3A_76 : i32 to index
          %swap3A_77 = tpu.vector_load %arg9[%swap3A] {strides = array<i32>} : memref<128xi32, #tpu.memory_space<vmem>>, vector<16xi32>,
          tpu.vector_store %arg9[%swap3A], %gather3A {strides = array<i32>} : memref<128xi32, #tpu.memory_space<vmem>>, vector<16xi32>,
        }
        %scan3A_52 = arith.constant 8 : i32
        %scan3A_53 = arith.constant 0 : i32
        %scan3A_54 = arith.constant 0 : i32
        %scan3A_55 = arith.constant 8 : i32
        %scan3A_56 = arith.addi %scan3A_54, %scan3A_55 : i32
        %scan3A_57 = arith.constant 1 : i32
        scf.for %scan3A_65 = %scan3A_54 to %scan3A_56 step %scan3A_57  : i32 {
          %mul3A_66 = arith.constant 4 : i32
          %mul3A_67 = arith.muli %scan3A_65, %mul3A_66 : i32
          %add3A_68 = arith.constant 96 : i32
          %add3A_69 = arith.addi %add3A_68, %mul3A_67 : i32
          %add3A_70 = vector.broadcast %add3A_69 : i32 to vector<16xi32>
          %add3A_71 = arith.addi %add3A_70, %shift_right_logical3A_4 : vector<16xi32>
          %add3A_72 = arith.constant 4 : i32
          %add3A_73 = vector.broadcast %add3A_72 : i32 to vector<16xi32>
          %add3A_74 = arith.addi %and3A_6, %add3A_73 : vector<16xi32>
          %gather3A = tpu.vector_load_idx %arg12[%add3A_71, %add3A_74] : memref<160x8xi32, #tpu.memory_space<vmem>>[vector<16xi32>, vector<16xi32>], vector<16xi32>,
          %mul3A_75 = arith.constant 16 : i32
          %mul3A_76 = arith.muli %scan3A_65, %mul3A_75 : i32
          %swap3A = arith.index_cast %mul3A_76 : i32 to index
          %swap3A_77 = tpu.vector_load %arg10[%swap3A] {strides = array<i32>} : memref<128xi32, #tpu.memory_space<vmem>>, vector<16xi32>,
          tpu.vector_store %arg10[%swap3A], %gather3A {strides = array<i32>} : memref<128xi32, #tpu.memory_space<vmem>>, vector<16xi32>,
        }
        %scan3A_58 = arith.constant 8 : i32
        %scan3A_59 = arith.constant 0 : i32
        %scan3A_60 = arith.constant 0 : i32
        %scan3A_61 = arith.constant 8 : i32
        %scan3A_62 = arith.addi %scan3A_60, %scan3A_61 : i32
        %scan3A_63 = arith.constant 1 : i32
        scf.for %scan3A_65 = %scan3A_60 to %scan3A_62 step %scan3A_63  : i32 {
          %mul3A_66 = arith.constant 4 : i32
          %mul3A_67 = arith.muli %scan3A_65, %mul3A_66 : i32
          %add3A_68 = arith.constant 128 : i32
          %add3A_69 = arith.addi %add3A_68, %mul3A_67 : i32
          %add3A_70 = vector.broadcast %add3A_69 : i32 to vector<16xi32>
          %add3A_71 = arith.addi %add3A_70, %shift_right_logical3A_4 : vector<16xi32>
          %add3A_72 = arith.constant 4 : i32
          %add3A_73 = vector.broadcast %add3A_72 : i32 to vector<16xi32>
          %add3A_74 = arith.addi %and3A_6, %add3A_73 : vector<16xi32>
          %gather3A = tpu.vector_load_idx %arg12[%add3A_71, %add3A_74] : memref<160x8xi32, #tpu.memory_space<vmem>>[vector<16xi32>, vector<16xi32>], vector<16xi32>,
          %mul3A_75 = arith.constant 16 : i32
          %mul3A_76 = arith.muli %scan3A_65, %mul3A_75 : i32
          %swap3A = arith.index_cast %mul3A_76 : i32 to index
          %swap3A_77 = tpu.vector_load %arg11[%swap3A] {strides = array<i32>} : memref<128xi32, #tpu.memory_space<vmem>>, vector<16xi32>,
          tpu.vector_store %arg11[%swap3A], %gather3A {strides = array<i32>} : memref<128xi32, #tpu.memory_space<vmem>>, vector<16xi32>,
        }
        %scan3A_64 = arith.constant 8 : i32
        "tpu.region"() ({
          %run_scoped3A = tpu.sem_alloc : memref<!tpu.dma_semaphore, #tpu.memory_space<semaphore_mem>>
          %dma_start3A = arith.constant 0 : i32
          %dma_start3A_65 = arith.constant 0 : i32
          %dma_start3A_66 = tpu.memref_slice %arg13[%dma_start3A, %dma_start3A_65] : memref<640x32xf32, #tpu.memory_space<vmem>> -> memref<128x32xf32, #tpu.memory_space<vmem>>
          %dma_start3A_67 = arith.constant 0 : i32
          %dma_start3A_68 = arith.constant 0 : i32
          %dma_start3A_69 = tpu.memref_slice %arg15[%dma_start3A_67, %dma_start3A_68] : memref<10240x32xf32, #tpu.memory_space<vmem_shared>> -> memref<10240x32xf32, #tpu.memory_space<vmem_shared>>
          tpu.enqueue_indirect_dma source(%dma_start3A_66 : memref<128x32xf32, #tpu.memory_space<vmem>>) target(%dma_start3A_69 : memref<10240x32xf32, #tpu.memory_space<vmem_shared>>) offsets(%arg7 : memref<128xi32, #tpu.memory_space<vmem>>) semaphore(%run_scoped3A : memref<!tpu.dma_semaphore, #tpu.memory_space<semaphore_mem>>) {add = true}
          %dma_wait3A = arith.constant 0 : i32
          %dma_wait3A_70 = arith.constant 0 : i32
          %dma_wait3A_71 = tpu.memref_slice %arg13[%dma_wait3A, %dma_wait3A_70] : memref<640x32xf32, #tpu.memory_space<vmem>> -> memref<128x32xf32, #tpu.memory_space<vmem>>
          %dma_wait3A_72 = arith.constant 0 : i32
          %dma_wait3A_73 = arith.constant 0 : i32
          %dma_wait3A_74 = tpu.memref_slice %arg15[%dma_wait3A_72, %dma_wait3A_73] : memref<10240x32xf32, #tpu.memory_space<vmem_shared>> -> memref<10240x32xf32, #tpu.memory_space<vmem_shared>>
          tpu.wait_indirect_dma semaphore(%run_scoped3A : memref<!tpu.dma_semaphore, #tpu.memory_space<semaphore_mem>>) src(%dma_wait3A_71 : memref<128x32xf32, #tpu.memory_space<vmem>>) dst(%dma_wait3A_74 : memref<10240x32xf32, #tpu.memory_space<vmem_shared>>)
          tpu.yield
        }) : () -> ()
        "tpu.region"() ({
          %run_scoped3A = tpu.sem_alloc : memref<!tpu.dma_semaphore, #tpu.memory_space<semaphore_mem>>
          %dma_start3A = arith.constant 128 : i32
          %dma_start3A_65 = arith.constant 0 : i32
          %dma_start3A_66 = tpu.memref_slice %arg13[%dma_start3A, %dma_start3A_65] : memref<640x32xf32, #tpu.memory_space<vmem>> -> memref<128x32xf32, #tpu.memory_space<vmem>>
          %dma_start3A_67 = arith.constant 0 : i32
          %dma_start3A_68 = arith.constant 0 : i32
          %dma_start3A_69 = tpu.memref_slice %arg15[%dma_start3A_67, %dma_start3A_68] : memref<10240x32xf32, #tpu.memory_space<vmem_shared>> -> memref<10240x32xf32, #tpu.memory_space<vmem_shared>>
          tpu.enqueue_indirect_dma source(%dma_start3A_66 : memref<128x32xf32, #tpu.memory_space<vmem>>) target(%dma_start3A_69 : memref<10240x32xf32, #tpu.memory_space<vmem_shared>>) offsets(%arg8 : memref<128xi32, #tpu.memory_space<vmem>>) semaphore(%run_scoped3A : memref<!tpu.dma_semaphore, #tpu.memory_space<semaphore_mem>>) {add = true}
          %dma_wait3A = arith.constant 128 : i32
          %dma_wait3A_70 = arith.constant 0 : i32
          %dma_wait3A_71 = tpu.memref_slice %arg13[%dma_wait3A, %dma_wait3A_70] : memref<640x32xf32, #tpu.memory_space<vmem>> -> memref<128x32xf32, #tpu.memory_space<vmem>>
          %dma_wait3A_72 = arith.constant 0 : i32
          %dma_wait3A_73 = arith.constant 0 : i32
          %dma_wait3A_74 = tpu.memref_slice %arg15[%dma_wait3A_72, %dma_wait3A_73] : memref<10240x32xf32, #tpu.memory_space<vmem_shared>> -> memref<10240x32xf32, #tpu.memory_space<vmem_shared>>
          tpu.wait_indirect_dma semaphore(%run_scoped3A : memref<!tpu.dma_semaphore, #tpu.memory_space<semaphore_mem>>) src(%dma_wait3A_71 : memref<128x32xf32, #tpu.memory_space<vmem>>) dst(%dma_wait3A_74 : memref<10240x32xf32, #tpu.memory_space<vmem_shared>>)
          tpu.yield
        }) : () -> ()
        "tpu.region"() ({
          %run_scoped3A = tpu.sem_alloc : memref<!tpu.dma_semaphore, #tpu.memory_space<semaphore_mem>>
          %dma_start3A = arith.constant 256 : i32
          %dma_start3A_65 = arith.constant 0 : i32
          %dma_start3A_66 = tpu.memref_slice %arg13[%dma_start3A, %dma_start3A_65] : memref<640x32xf32, #tpu.memory_space<vmem>> -> memref<128x32xf32, #tpu.memory_space<vmem>>
          %dma_start3A_67 = arith.constant 0 : i32
          %dma_start3A_68 = arith.constant 0 : i32
          %dma_start3A_69 = tpu.memref_slice %arg15[%dma_start3A_67, %dma_start3A_68] : memref<10240x32xf32, #tpu.memory_space<vmem_shared>> -> memref<10240x32xf32, #tpu.memory_space<vmem_shared>>
          tpu.enqueue_indirect_dma source(%dma_start3A_66 : memref<128x32xf32, #tpu.memory_space<vmem>>) target(%dma_start3A_69 : memref<10240x32xf32, #tpu.memory_space<vmem_shared>>) offsets(%arg9 : memref<128xi32, #tpu.memory_space<vmem>>) semaphore(%run_scoped3A : memref<!tpu.dma_semaphore, #tpu.memory_space<semaphore_mem>>) {add = true}
          %dma_wait3A = arith.constant 256 : i32
          %dma_wait3A_70 = arith.constant 0 : i32
          %dma_wait3A_71 = tpu.memref_slice %arg13[%dma_wait3A, %dma_wait3A_70] : memref<640x32xf32, #tpu.memory_space<vmem>> -> memref<128x32xf32, #tpu.memory_space<vmem>>
          %dma_wait3A_72 = arith.constant 0 : i32
          %dma_wait3A_73 = arith.constant 0 : i32
          %dma_wait3A_74 = tpu.memref_slice %arg15[%dma_wait3A_72, %dma_wait3A_73] : memref<10240x32xf32, #tpu.memory_space<vmem_shared>> -> memref<10240x32xf32, #tpu.memory_space<vmem_shared>>
          tpu.wait_indirect_dma semaphore(%run_scoped3A : memref<!tpu.dma_semaphore, #tpu.memory_space<semaphore_mem>>) src(%dma_wait3A_71 : memref<128x32xf32, #tpu.memory_space<vmem>>) dst(%dma_wait3A_74 : memref<10240x32xf32, #tpu.memory_space<vmem_shared>>)
          tpu.yield
        }) : () -> ()
        "tpu.region"() ({
          %run_scoped3A = tpu.sem_alloc : memref<!tpu.dma_semaphore, #tpu.memory_space<semaphore_mem>>
          %dma_start3A = arith.constant 384 : i32
          %dma_start3A_65 = arith.constant 0 : i32
          %dma_start3A_66 = tpu.memref_slice %arg13[%dma_start3A, %dma_start3A_65] : memref<640x32xf32, #tpu.memory_space<vmem>> -> memref<128x32xf32, #tpu.memory_space<vmem>>
          %dma_start3A_67 = arith.constant 0 : i32
          %dma_start3A_68 = arith.constant 0 : i32
          %dma_start3A_69 = tpu.memref_slice %arg15[%dma_start3A_67, %dma_start3A_68] : memref<10240x32xf32, #tpu.memory_space<vmem_shared>> -> memref<10240x32xf32, #tpu.memory_space<vmem_shared>>
          tpu.enqueue_indirect_dma source(%dma_start3A_66 : memref<128x32xf32, #tpu.memory_space<vmem>>) target(%dma_start3A_69 : memref<10240x32xf32, #tpu.memory_space<vmem_shared>>) offsets(%arg10 : memref<128xi32, #tpu.memory_space<vmem>>) semaphore(%run_scoped3A : memref<!tpu.dma_semaphore, #tpu.memory_space<semaphore_mem>>) {add = true}
          %dma_wait3A = arith.constant 384 : i32
          %dma_wait3A_70 = arith.constant 0 : i32
          %dma_wait3A_71 = tpu.memref_slice %arg13[%dma_wait3A, %dma_wait3A_70] : memref<640x32xf32, #tpu.memory_space<vmem>> -> memref<128x32xf32, #tpu.memory_space<vmem>>
          %dma_wait3A_72 = arith.constant 0 : i32
          %dma_wait3A_73 = arith.constant 0 : i32
          %dma_wait3A_74 = tpu.memref_slice %arg15[%dma_wait3A_72, %dma_wait3A_73] : memref<10240x32xf32, #tpu.memory_space<vmem_shared>> -> memref<10240x32xf32, #tpu.memory_space<vmem_shared>>
          tpu.wait_indirect_dma semaphore(%run_scoped3A : memref<!tpu.dma_semaphore, #tpu.memory_space<semaphore_mem>>) src(%dma_wait3A_71 : memref<128x32xf32, #tpu.memory_space<vmem>>) dst(%dma_wait3A_74 : memref<10240x32xf32, #tpu.memory_space<vmem_shared>>)
          tpu.yield
        }) : () -> ()
        "tpu.region"() ({
          %run_scoped3A = tpu.sem_alloc : memref<!tpu.dma_semaphore, #tpu.memory_space<semaphore_mem>>
          %dma_start3A = arith.constant 512 : i32
          %dma_start3A_65 = arith.constant 0 : i32
          %dma_start3A_66 = tpu.memref_slice %arg13[%dma_start3A, %dma_start3A_65] : memref<640x32xf32, #tpu.memory_space<vmem>> -> memref<128x32xf32, #tpu.memory_space<vmem>>
          %dma_start3A_67 = arith.constant 0 : i32
          %dma_start3A_68 = arith.constant 0 : i32
          %dma_start3A_69 = tpu.memref_slice %arg15[%dma_start3A_67, %dma_start3A_68] : memref<10240x32xf32, #tpu.memory_space<vmem_shared>> -> memref<10240x32xf32, #tpu.memory_space<vmem_shared>>
          tpu.enqueue_indirect_dma source(%dma_start3A_66 : memref<128x32xf32, #tpu.memory_space<vmem>>) target(%dma_start3A_69 : memref<10240x32xf32, #tpu.memory_space<vmem_shared>>) offsets(%arg11 : memref<128xi32, #tpu.memory_space<vmem>>) semaphore(%run_scoped3A : memref<!tpu.dma_semaphore, #tpu.memory_space<semaphore_mem>>) {add = true}
          %dma_wait3A = arith.constant 512 : i32
          %dma_wait3A_70 = arith.constant 0 : i32
          %dma_wait3A_71 = tpu.memref_slice %arg13[%dma_wait3A, %dma_wait3A_70] : memref<640x32xf32, #tpu.memory_space<vmem>> -> memref<128x32xf32, #tpu.memory_space<vmem>>
          %dma_wait3A_72 = arith.constant 0 : i32
          %dma_wait3A_73 = arith.constant 0 : i32
          %dma_wait3A_74 = tpu.memref_slice %arg15[%dma_wait3A_72, %dma_wait3A_73] : memref<10240x32xf32, #tpu.memory_space<vmem_shared>> -> memref<10240x32xf32, #tpu.memory_space<vmem_shared>>
          tpu.wait_indirect_dma semaphore(%run_scoped3A : memref<!tpu.dma_semaphore, #tpu.memory_space<semaphore_mem>>) src(%dma_wait3A_71 : memref<128x32xf32, #tpu.memory_space<vmem>>) dst(%dma_wait3A_74 : memref<10240x32xf32, #tpu.memory_space<vmem_shared>>)
          tpu.yield
        }) : () -> ()
      } else {
      }
    }
    %scan3A_11 = arith.constant 8 : i32
    %barrier3A_12 = arith.constant 0 : index
    tpu.barrier barrier_id(%barrier3A_12)
    %mul3A_13 = arith.constant 640 : i32
    %mul3A_14 = arith.muli %arg1, %mul3A_13 : i32
    "tpu.region"() ({
      %run_scoped3A = tpu.sem_alloc : memref<!tpu.dma_semaphore, #tpu.memory_space<semaphore_mem>>
      %dma_start3A = arith.constant 0 : i32
      %dma_start3A_17 = tpu.memref_slice %arg15[%mul3A_14, %dma_start3A] : memref<10240x32xf32, #tpu.memory_space<vmem_shared>> -> memref<640x32xf32, #tpu.memory_space<vmem_shared>>
      %dma_start3A_18 = arith.constant 0 : i32
      %dma_start3A_19 = tpu.memref_slice %arg15[%mul3A_14, %dma_start3A_18] : memref<10240x32xf32, #tpu.memory_space<vmem_shared>> -> memref<640x32xf32, #tpu.memory_space<vmem_shared>>
      tpu.enqueue_dma source(%dma_start3A_19 : memref<640x32xf32, #tpu.memory_space<vmem_shared>>) target(%arg14 : memref<640x32xf32, #tpu.memory_space<vmem>>) target_semaphore(%run_scoped3A : memref<!tpu.dma_semaphore, #tpu.memory_space<semaphore_mem>>)
      %dma_wait3A = arith.constant 0 : i32
      %dma_wait3A_20 = tpu.memref_slice %arg15[%mul3A_14, %dma_wait3A] : memref<10240x32xf32, #tpu.memory_space<vmem_shared>> -> memref<640x32xf32, #tpu.memory_space<vmem_shared>>
      %dma_wait3A_21 = arith.constant 0 : i32
      %dma_wait3A_22 = tpu.memref_slice %arg15[%mul3A_14, %dma_wait3A_21] : memref<10240x32xf32, #tpu.memory_space<vmem_shared>> -> memref<640x32xf32, #tpu.memory_space<vmem_shared>>
      tpu.wait_dma2 semaphore(%run_scoped3A : memref<!tpu.dma_semaphore, #tpu.memory_space<semaphore_mem>>) src(%dma_wait3A_22 : memref<640x32xf32, #tpu.memory_space<vmem_shared>>) dst(%arg14 : memref<640x32xf32, #tpu.memory_space<vmem>>)
      tpu.yield
    }) : () -> ()
    %mul3A_15 = arith.constant 640 : i32
    %mul3A_16 = arith.muli %arg1, %mul3A_15 : i32
    "tpu.region"() ({
      %run_scoped3A = tpu.sem_alloc : memref<!tpu.dma_semaphore, #tpu.memory_space<semaphore_mem>>
      %dma_start3A = arith.constant 0 : i32
      %dma_start3A_17 = tpu.memref_slice %arg6[%arg0, %mul3A_16, %dma_start3A] : memref<2x10240x32xf32, #tpu.memory_space<hbm>> -> memref<1x640x32xf32, #tpu.memory_space<hbm>>
      %dma_start3A_18 = tpu.memref_squeeze %dma_start3A_17 : memref<1x640x32xf32, #tpu.memory_space<hbm>> -> memref<640x32xf32, #tpu.memory_space<hbm>>
      %dma_start3A_19 = arith.constant 0 : i32
      %dma_start3A_20 = tpu.memref_slice %arg6[%arg0, %mul3A_16, %dma_start3A_19] : memref<2x10240x32xf32, #tpu.memory_space<hbm>> -> memref<1x640x32xf32, #tpu.memory_space<hbm>>
      %dma_start3A_21 = tpu.memref_squeeze %dma_start3A_20 : memref<1x640x32xf32, #tpu.memory_space<hbm>> -> memref<640x32xf32, #tpu.memory_space<hbm>>
      tpu.enqueue_dma source(%arg14 : memref<640x32xf32, #tpu.memory_space<vmem>>) target(%dma_start3A_21 : memref<640x32xf32, #tpu.memory_space<hbm>>) target_semaphore(%run_scoped3A : memref<!tpu.dma_semaphore, #tpu.memory_space<semaphore_mem>>)
      %dma_wait3A = arith.constant 0 : i32
      %dma_wait3A_22 = tpu.memref_slice %arg6[%arg0, %mul3A_16, %dma_wait3A] : memref<2x10240x32xf32, #tpu.memory_space<hbm>> -> memref<1x640x32xf32, #tpu.memory_space<hbm>>
      %dma_wait3A_23 = tpu.memref_squeeze %dma_wait3A_22 : memref<1x640x32xf32, #tpu.memory_space<hbm>> -> memref<640x32xf32, #tpu.memory_space<hbm>>
      %dma_wait3A_24 = arith.constant 0 : i32
      %dma_wait3A_25 = tpu.memref_slice %arg6[%arg0, %mul3A_16, %dma_wait3A_24] : memref<2x10240x32xf32, #tpu.memory_space<hbm>> -> memref<1x640x32xf32, #tpu.memory_space<hbm>>
      %dma_wait3A_26 = tpu.memref_squeeze %dma_wait3A_25 : memref<1x640x32xf32, #tpu.memory_space<hbm>> -> memref<640x32xf32, #tpu.memory_space<hbm>>
      tpu.wait_dma2 semaphore(%run_scoped3A : memref<!tpu.dma_semaphore, #tpu.memory_space<semaphore_mem>>) src(%arg14 : memref<640x32xf32, #tpu.memory_space<vmem>>) dst(%dma_wait3A_26 : memref<640x32xf32, #tpu.memory_space<hbm>>)
      tpu.yield
    }) : () -> ()
    return
  }
}

module attributes {stable_mosaic.version = 14 : i64} {
  func.func @_edge_body(%arg0: i32, %arg1: memref<800x128xf32, #tpu.memory_space<vmem>>, %arg2: memref<800x128xf32, #tpu.memory_space<vmem>>, %arg3: memref<800x128xf32, #tpu.memory_space<vmem>>, %arg4: memref<800x128xf32, #tpu.memory_space<vmem>>, %arg5: memref<800x128xf32, #tpu.memory_space<vmem>>, %arg6: memref<800x128xf32, #tpu.memory_space<vmem>>, %arg7: memref<800x128xf32, #tpu.memory_space<vmem>>, %arg8: memref<800x128xf32, #tpu.memory_space<vmem>>, %arg9: memref<800x128xf32, #tpu.memory_space<vmem>>, %arg10: memref<800x128xf32, #tpu.memory_space<vmem>>, %arg11: memref<16x8xf32, #tpu.memory_space<vmem>>, %arg12: memref<8x128xf32, #tpu.memory_space<vmem>>, %arg13: memref<128x32xf32, #tpu.memory_space<vmem>>, %arg14: memref<16x32xf32, #tpu.memory_space<vmem>>, %arg15: memref<800x128xf32, #tpu.memory_space<vmem>>, %arg16: memref<800x128xf32, #tpu.memory_space<vmem>>) attributes {dimension_semantics = [#tpu.dimension_semantics<arbitrary>], iteration_bounds = array<i64: 25>, scalar_prefetch = 0 : i64, scratch_operands = 0 : i64, tpu.core_type = #tpu.core_type<tc>, window_params = [{transform_indices = @transform_0, window_bounds = array<i64: 800, 128>}, {transform_indices = @transform_1, window_bounds = array<i64: 800, 128>}, {transform_indices = @transform_2, window_bounds = array<i64: 800, 128>}, {transform_indices = @transform_3, window_bounds = array<i64: 800, 128>}, {transform_indices = @transform_4, window_bounds = array<i64: 800, 128>}, {transform_indices = @transform_5, window_bounds = array<i64: 800, 128>}, {transform_indices = @transform_6, window_bounds = array<i64: 800, 128>}, {transform_indices = @transform_7, window_bounds = array<i64: 800, 128>}, {transform_indices = @transform_8, window_bounds = array<i64: 800, 128>}, {transform_indices = @transform_9, window_bounds = array<i64: 800, 128>}, {pipeline_mode = #tpu.pipeline_mode<synchronous>, transform_indices = @transform_10, window_bounds = array<i64: 16, 8>}, {pipeline_mode = #tpu.pipeline_mode<synchronous>, transform_indices = @transform_11, window_bounds = array<i64: 8, 128>}, {pipeline_mode = #tpu.pipeline_mode<synchronous>, transform_indices = @transform_12, window_bounds = array<i64: 128, 32>}, {pipeline_mode = #tpu.pipeline_mode<synchronous>, transform_indices = @transform_13, window_bounds = array<i64: 16, 32>}, {transform_indices = @transform_14, window_bounds = array<i64: 800, 128>}, {transform_indices = @transform_15, window_bounds = array<i64: 800, 128>}]} {
    %get3A = arith.constant 0 : index
    %get3A_0 = arith.constant 0 : index
    %get3A_1 = vector.load %arg1[%get3A, %get3A_0] : memref<800x128xf32, #tpu.memory_space<vmem>>, vector<800x128xf32>
    %get3A_2 = arith.constant 0 : index
    %get3A_3 = arith.constant 0 : index
    %get3A_4 = vector.load %arg2[%get3A_2, %get3A_3] : memref<800x128xf32, #tpu.memory_space<vmem>>, vector<800x128xf32>
    %sub3A = arith.subf %get3A_1, %get3A_4 : vector<800x128xf32>
    %transpose3A = tpu.transpose %sub3A, [1, 0] : vector<800x128xf32> -> vector<128x800xf32>
    %slice3A = vector.extract_strided_slice %transpose3A {offsets = [0, 0], sizes = [16, 800], strides = [1, 1]} : vector<128x800xf32> to vector<16x800xf32>
    %slice3A_5 = vector.extract_strided_slice %transpose3A {offsets = [16, 0], sizes = [16, 800], strides = [1, 1]} : vector<128x800xf32> to vector<16x800xf32>
    %slice3A_6 = vector.extract_strided_slice %transpose3A {offsets = [32, 0], sizes = [16, 800], strides = [1, 1]} : vector<128x800xf32> to vector<16x800xf32>
    %slice3A_7 = vector.extract_strided_slice %transpose3A {offsets = [48, 0], sizes = [16, 800], strides = [1, 1]} : vector<128x800xf32> to vector<16x800xf32>
    %slice3A_8 = vector.extract_strided_slice %transpose3A {offsets = [64, 0], sizes = [16, 800], strides = [1, 1]} : vector<128x800xf32> to vector<16x800xf32>
    %slice3A_9 = vector.extract_strided_slice %transpose3A {offsets = [80, 0], sizes = [16, 800], strides = [1, 1]} : vector<128x800xf32> to vector<16x800xf32>
    %slice3A_10 = vector.extract_strided_slice %transpose3A {offsets = [96, 0], sizes = [16, 800], strides = [1, 1]} : vector<128x800xf32> to vector<16x800xf32>
    %slice3A_11 = vector.extract_strided_slice %transpose3A {offsets = [112, 0], sizes = [16, 800], strides = [1, 1]} : vector<128x800xf32> to vector<16x800xf32>
    %concatenate3A = tpu.concatenate %slice3A, %slice3A_5, %slice3A_6, %slice3A_7, %slice3A_8, %slice3A_9, %slice3A_10, %slice3A_11 in 1 : vector<16x800xf32>, vector<16x800xf32>, vector<16x800xf32>, vector<16x800xf32>, vector<16x800xf32>, vector<16x800xf32>, vector<16x800xf32>, vector<16x800xf32> -> vector<16x6400xf32>
    %mul3A = arith.mulf %concatenate3A, %concatenate3A : vector<16x6400xf32>
    %reduce_sum3A = arith.constant dense<0.000000e+00> : vector<6400xf32>
    %reduce_sum3A_12 = vector.multi_reduction <add>, %mul3A, %reduce_sum3A [0] : vector<16x6400xf32> to vector<6400xf32>
    %broadcast_in_dim3A = vector.shape_cast %reduce_sum3A_12 : vector<6400xf32> to vector<1x6400xf32>
    %sqrt3A = math.sqrt %broadcast_in_dim3A : vector<1x6400xf32>
    %gt3A = arith.constant 0.000000e+00 : f32
    %gt3A_13 = vector.broadcast %gt3A : f32 to vector<1x6400xf32>
    %gt3A_14 = arith.cmpf ogt, %broadcast_in_dim3A, %gt3A_13 : vector<1x6400xf32>
    %rsqrt3A = math.rsqrt %broadcast_in_dim3A : vector<1x6400xf32>
    %jit3A = arith.constant 0.000000e+00 : f32
    %broadcast_in_dim3A_15 = vector.broadcast %jit3A : f32 to vector<1x6400xf32>
    %select_n3A = arith.select %gt3A_14, %rsqrt3A, %broadcast_in_dim3A_15 : vector<1x6400xi1>, vector<1x6400xf32>
    %lt3A = arith.constant 6.000000e+00 : f32
    %lt3A_16 = vector.broadcast %lt3A : f32 to vector<1x6400xf32>
    %lt3A_17 = arith.cmpf olt, %sqrt3A, %lt3A_16 : vector<1x6400xf32>
    %jit3A_18 = arith.constant 0.000000e+00 : f32
    %broadcast_in_dim3A_19 = vector.broadcast %jit3A_18 : f32 to vector<1x6400xf32>
    %select_n3A_20 = arith.select %lt3A_17, %select_n3A, %broadcast_in_dim3A_19 : vector<1x6400xi1>, vector<1x6400xf32>
    %iota3A = tpu.iota {dimensions = array<i32: 0>} : vector<16x6400xi32>
    %convert_element_type3A = arith.sitofp %iota3A : vector<16x6400xi32> to vector<16x6400xf32>
    %add3A = arith.constant 1.000000e+00 : f32
    %add3A_21 = vector.broadcast %add3A : f32 to vector<16x6400xf32>
    %add3A_22 = arith.addf %convert_element_type3A, %add3A_21 : vector<16x6400xf32>
    %mul3A_23 = arith.constant 0.52359879 : f32
    %mul3A_24 = vector.broadcast %mul3A_23 : f32 to vector<16x6400xf32>
    %mul3A_25 = arith.mulf %add3A_22, %mul3A_24 : vector<16x6400xf32>
    %mul3A_26 = vector.broadcast %sqrt3A : vector<1x6400xf32> to vector<16x6400xf32>
    %mul3A_27 = arith.mulf %mul3A_25, %mul3A_26 : vector<16x6400xf32>
    %sin3A = math.sin %mul3A_27 : vector<16x6400xf32>
    %mul3A_28 = arith.constant 2.30940104 : f32
    %mul3A_29 = vector.broadcast %mul3A_28 : f32 to vector<16x6400xf32>
    %mul3A_30 = arith.mulf %mul3A_29, %sin3A : vector<16x6400xf32>
    %mul3A_31 = vector.broadcast %select_n3A_20 : vector<1x6400xf32> to vector<16x6400xf32>
    %mul3A_32 = arith.mulf %mul3A_30, %mul3A_31 : vector<16x6400xf32>
    %get3A_33 = arith.constant 0 : index
    %get3A_34 = arith.constant 0 : index
    %get3A_35 = vector.load %arg11[%get3A_33, %get3A_34] : memref<16x8xf32, #tpu.memory_space<vmem>>, vector<16x8xf32>
    %dot_general3A = arith.constant dense<0.000000e+00> : vector<8x6400xf32>
    %dot_general3A_36 = tpu.matmul %get3A_35, %mul3A_32, %dot_general3A {dimension_numbers = #tpu.dot_dimension_numbers<[0], [0], [1], [1], [0, 1, 1, 1], [], []>, transpose_lhs_hint = false} : vector<16x8xf32>, vector<16x6400xf32>, vector<8x6400xf32> -> vector<8x6400xf32>
    %mul3A_37 = arith.constant 2.500000e-01 : f32
    %mul3A_38 = vector.broadcast %mul3A_37 : f32 to vector<8x6400xf32>
    %mul3A_39 = arith.mulf %dot_general3A_36, %mul3A_38 : vector<8x6400xf32>
    %neg3A = arith.constant 0.000000e+00 : f32
    %neg3A_40 = vector.broadcast %neg3A : f32 to vector<8x6400xf32>
    %neg3A_41 = arith.subf %neg3A_40, %mul3A_39 : vector<8x6400xf32>
    %exp3A = math.exp %neg3A_41 : vector<8x6400xf32>
    %add3A_42 = arith.constant 1.000000e+00 : f32
    %add3A_43 = vector.broadcast %add3A_42 : f32 to vector<8x6400xf32>
    %add3A_44 = arith.addf %add3A_43, %exp3A : vector<8x6400xf32>
    %div3A = arith.constant 1.000000e+00 : f32
    %div3A_45 = vector.broadcast %div3A : f32 to vector<8x6400xf32>
    %div3A_46 = arith.divf %div3A_45, %add3A_44 : vector<8x6400xf32>
    %mul3A_47 = arith.constant 1.67653251 : f32
    %mul3A_48 = vector.broadcast %mul3A_47 : f32 to vector<8x6400xf32>
    %mul3A_49 = arith.mulf %mul3A_48, %mul3A_39 : vector<8x6400xf32>
    %mul3A_50 = arith.mulf %mul3A_49, %div3A_46 : vector<8x6400xf32>
    %get3A_51 = arith.constant 0 : index
    %get3A_52 = arith.constant 0 : index
    %get3A_53 = vector.load %arg12[%get3A_51, %get3A_52] : memref<8x128xf32, #tpu.memory_space<vmem>>, vector<8x128xf32>
    %dot_general3A_54 = arith.constant dense<0.000000e+00> : vector<6400x128xf32>
    %dot_general3A_55 = tpu.matmul %mul3A_50, %get3A_53, %dot_general3A_54 {dimension_numbers = #tpu.dot_dimension_numbers<[0], [0], [1], [1], [0, 1, 1, 1], [], []>, transpose_lhs_hint = false} : vector<8x6400xf32>, vector<8x128xf32>, vector<6400x128xf32> -> vector<6400x128xf32>
    %mul3A_56 = vector.broadcast %select_n3A : vector<1x6400xf32> to vector<16x6400xf32>
    %mul3A_57 = arith.mulf %concatenate3A, %mul3A_56 : vector<16x6400xf32>
    %get3A_58 = arith.constant 0 : index
    %get3A_59 = arith.constant 0 : index
    %get3A_60 = vector.load %arg14[%get3A_58, %get3A_59] : memref<16x32xf32, #tpu.memory_space<vmem>>, vector<16x32xf32>
    %dot_general3A_61 = arith.constant dense<0.000000e+00> : vector<6400x32xf32>
    %dot_general3A_62 = tpu.matmul %mul3A_57, %get3A_60, %dot_general3A_61 {dimension_numbers = #tpu.dot_dimension_numbers<[0], [0], [1], [1], [0, 1, 1, 1], [], []>, transpose_lhs_hint = false} : vector<16x6400xf32>, vector<16x32xf32>, vector<6400x32xf32> -> vector<6400x32xf32>
    %iota3A_63 = tpu.iota {dimensions = array<i32: 1>} : vector<800x32xi32>
    %lt3A_64 = arith.constant 8 : i32
    %lt3A_65 = vector.broadcast %lt3A_64 : i32 to vector<800x32xi32>
    %lt3A_66 = arith.cmpi slt, %iota3A_63, %lt3A_65 : vector<800x32xi32>
    %jit3A_67 = arith.constant 1.000000e+00 : f32
    %jit3A_68 = arith.constant 0.000000e+00 : f32
    %broadcast_in_dim3A_69 = vector.broadcast %jit3A_67 : f32 to vector<800x32xf32>
    %broadcast_in_dim3A_70 = vector.broadcast %jit3A_68 : f32 to vector<800x32xf32>
    %select_n3A_71 = arith.select %lt3A_66, %broadcast_in_dim3A_69, %broadcast_in_dim3A_70 : vector<800x32xi1>, vector<800x32xf32>
    %slice3A_72 = vector.extract_strided_slice %dot_general3A_55 {offsets = [0, 0], sizes = [800, 128], strides = [1, 1]} : vector<6400x128xf32> to vector<800x128xf32>
    %get3A_73 = arith.constant 0 : index
    %get3A_74 = arith.constant 0 : index
    %get3A_75 = vector.load %arg3[%get3A_73, %get3A_74] : memref<800x128xf32, #tpu.memory_space<vmem>>, vector<800x128xf32>
    %mul3A_76 = arith.mulf %slice3A_72, %get3A_75 : vector<800x128xf32>
    %get3A_77 = arith.constant 0 : index
    %get3A_78 = arith.constant 0 : index
    %get3A_79 = vector.load %arg13[%get3A_77, %get3A_78] : memref<128x32xf32, #tpu.memory_space<vmem>>, vector<128x32xf32>
    %dot_general3A_80 = arith.constant dense<0.000000e+00> : vector<800x32xf32>
    %dot_general3A_81 = tpu.matmul %mul3A_76, %get3A_79, %dot_general3A_80 {dimension_numbers = #tpu.dot_dimension_numbers<[1], [0], [0], [1], [0, 0, 1, 1], [], []>, transpose_lhs_hint = false} : vector<800x128xf32>, vector<128x32xf32>, vector<800x32xf32> -> vector<800x32xf32>
    %slice3A_82 = vector.extract_strided_slice %dot_general3A_62 {offsets = [0, 0], sizes = [800, 32], strides = [1, 1]} : vector<6400x32xf32> to vector<800x32xf32>
    %add3A_83 = arith.addf %select_n3A_71, %slice3A_82 : vector<800x32xf32>
    %mul3A_84 = arith.mulf %dot_general3A_81, %add3A_83 : vector<800x32xf32>
    %slice3A_85 = vector.extract_strided_slice %dot_general3A_55 {offsets = [800, 0], sizes = [800, 128], strides = [1, 1]} : vector<6400x128xf32> to vector<800x128xf32>
    %get3A_86 = arith.constant 0 : index
    %get3A_87 = arith.constant 0 : index
    %get3A_88 = vector.load %arg4[%get3A_86, %get3A_87] : memref<800x128xf32, #tpu.memory_space<vmem>>, vector<800x128xf32>
    %mul3A_89 = arith.mulf %slice3A_85, %get3A_88 : vector<800x128xf32>
    %get3A_90 = arith.constant 0 : index
    %get3A_91 = arith.constant 0 : index
    %get3A_92 = vector.load %arg13[%get3A_90, %get3A_91] : memref<128x32xf32, #tpu.memory_space<vmem>>, vector<128x32xf32>
    %dot_general3A_93 = arith.constant dense<0.000000e+00> : vector<800x32xf32>
    %dot_general3A_94 = tpu.matmul %mul3A_89, %get3A_92, %dot_general3A_93 {dimension_numbers = #tpu.dot_dimension_numbers<[1], [0], [0], [1], [0, 0, 1, 1], [], []>, transpose_lhs_hint = false} : vector<800x128xf32>, vector<128x32xf32>, vector<800x32xf32> -> vector<800x32xf32>
    %slice3A_95 = vector.extract_strided_slice %dot_general3A_62 {offsets = [800, 0], sizes = [800, 32], strides = [1, 1]} : vector<6400x32xf32> to vector<800x32xf32>
    %add3A_96 = arith.addf %select_n3A_71, %slice3A_95 : vector<800x32xf32>
    %mul3A_97 = arith.mulf %dot_general3A_94, %add3A_96 : vector<800x32xf32>
    %slice3A_98 = vector.extract_strided_slice %dot_general3A_55 {offsets = [1600, 0], sizes = [800, 128], strides = [1, 1]} : vector<6400x128xf32> to vector<800x128xf32>
    %get3A_99 = arith.constant 0 : index
    %get3A_100 = arith.constant 0 : index
    %get3A_101 = vector.load %arg5[%get3A_99, %get3A_100] : memref<800x128xf32, #tpu.memory_space<vmem>>, vector<800x128xf32>
    %mul3A_102 = arith.mulf %slice3A_98, %get3A_101 : vector<800x128xf32>
    %get3A_103 = arith.constant 0 : index
    %get3A_104 = arith.constant 0 : index
    %get3A_105 = vector.load %arg13[%get3A_103, %get3A_104] : memref<128x32xf32, #tpu.memory_space<vmem>>, vector<128x32xf32>
    %dot_general3A_106 = arith.constant dense<0.000000e+00> : vector<800x32xf32>
    %dot_general3A_107 = tpu.matmul %mul3A_102, %get3A_105, %dot_general3A_106 {dimension_numbers = #tpu.dot_dimension_numbers<[1], [0], [0], [1], [0, 0, 1, 1], [], []>, transpose_lhs_hint = false} : vector<800x128xf32>, vector<128x32xf32>, vector<800x32xf32> -> vector<800x32xf32>
    %slice3A_108 = vector.extract_strided_slice %dot_general3A_62 {offsets = [1600, 0], sizes = [800, 32], strides = [1, 1]} : vector<6400x32xf32> to vector<800x32xf32>
    %add3A_109 = arith.addf %select_n3A_71, %slice3A_108 : vector<800x32xf32>
    %mul3A_110 = arith.mulf %dot_general3A_107, %add3A_109 : vector<800x32xf32>
    %slice3A_111 = vector.extract_strided_slice %dot_general3A_55 {offsets = [2400, 0], sizes = [800, 128], strides = [1, 1]} : vector<6400x128xf32> to vector<800x128xf32>
    %get3A_112 = arith.constant 0 : index
    %get3A_113 = arith.constant 0 : index
    %get3A_114 = vector.load %arg6[%get3A_112, %get3A_113] : memref<800x128xf32, #tpu.memory_space<vmem>>, vector<800x128xf32>
    %mul3A_115 = arith.mulf %slice3A_111, %get3A_114 : vector<800x128xf32>
    %get3A_116 = arith.constant 0 : index
    %get3A_117 = arith.constant 0 : index
    %get3A_118 = vector.load %arg13[%get3A_116, %get3A_117] : memref<128x32xf32, #tpu.memory_space<vmem>>, vector<128x32xf32>
    %dot_general3A_119 = arith.constant dense<0.000000e+00> : vector<800x32xf32>
    %dot_general3A_120 = tpu.matmul %mul3A_115, %get3A_118, %dot_general3A_119 {dimension_numbers = #tpu.dot_dimension_numbers<[1], [0], [0], [1], [0, 0, 1, 1], [], []>, transpose_lhs_hint = false} : vector<800x128xf32>, vector<128x32xf32>, vector<800x32xf32> -> vector<800x32xf32>
    %slice3A_121 = vector.extract_strided_slice %dot_general3A_62 {offsets = [2400, 0], sizes = [800, 32], strides = [1, 1]} : vector<6400x32xf32> to vector<800x32xf32>
    %add3A_122 = arith.addf %select_n3A_71, %slice3A_121 : vector<800x32xf32>
    %mul3A_123 = arith.mulf %dot_general3A_120, %add3A_122 : vector<800x32xf32>
    %slice3A_124 = vector.extract_strided_slice %dot_general3A_55 {offsets = [3200, 0], sizes = [800, 128], strides = [1, 1]} : vector<6400x128xf32> to vector<800x128xf32>
    %get3A_125 = arith.constant 0 : index
    %get3A_126 = arith.constant 0 : index
    %get3A_127 = vector.load %arg7[%get3A_125, %get3A_126] : memref<800x128xf32, #tpu.memory_space<vmem>>, vector<800x128xf32>
    %mul3A_128 = arith.mulf %slice3A_124, %get3A_127 : vector<800x128xf32>
    %get3A_129 = arith.constant 0 : index
    %get3A_130 = arith.constant 0 : index
    %get3A_131 = vector.load %arg13[%get3A_129, %get3A_130] : memref<128x32xf32, #tpu.memory_space<vmem>>, vector<128x32xf32>
    %dot_general3A_132 = arith.constant dense<0.000000e+00> : vector<800x32xf32>
    %dot_general3A_133 = tpu.matmul %mul3A_128, %get3A_131, %dot_general3A_132 {dimension_numbers = #tpu.dot_dimension_numbers<[1], [0], [0], [1], [0, 0, 1, 1], [], []>, transpose_lhs_hint = false} : vector<800x128xf32>, vector<128x32xf32>, vector<800x32xf32> -> vector<800x32xf32>
    %slice3A_134 = vector.extract_strided_slice %dot_general3A_62 {offsets = [3200, 0], sizes = [800, 32], strides = [1, 1]} : vector<6400x32xf32> to vector<800x32xf32>
    %add3A_135 = arith.addf %select_n3A_71, %slice3A_134 : vector<800x32xf32>
    %mul3A_136 = arith.mulf %dot_general3A_133, %add3A_135 : vector<800x32xf32>
    %slice3A_137 = vector.extract_strided_slice %dot_general3A_55 {offsets = [4000, 0], sizes = [800, 128], strides = [1, 1]} : vector<6400x128xf32> to vector<800x128xf32>
    %get3A_138 = arith.constant 0 : index
    %get3A_139 = arith.constant 0 : index
    %get3A_140 = vector.load %arg8[%get3A_138, %get3A_139] : memref<800x128xf32, #tpu.memory_space<vmem>>, vector<800x128xf32>
    %mul3A_141 = arith.mulf %slice3A_137, %get3A_140 : vector<800x128xf32>
    %get3A_142 = arith.constant 0 : index
    %get3A_143 = arith.constant 0 : index
    %get3A_144 = vector.load %arg13[%get3A_142, %get3A_143] : memref<128x32xf32, #tpu.memory_space<vmem>>, vector<128x32xf32>
    %dot_general3A_145 = arith.constant dense<0.000000e+00> : vector<800x32xf32>
    %dot_general3A_146 = tpu.matmul %mul3A_141, %get3A_144, %dot_general3A_145 {dimension_numbers = #tpu.dot_dimension_numbers<[1], [0], [0], [1], [0, 0, 1, 1], [], []>, transpose_lhs_hint = false} : vector<800x128xf32>, vector<128x32xf32>, vector<800x32xf32> -> vector<800x32xf32>
    %slice3A_147 = vector.extract_strided_slice %dot_general3A_62 {offsets = [4000, 0], sizes = [800, 32], strides = [1, 1]} : vector<6400x32xf32> to vector<800x32xf32>
    %add3A_148 = arith.addf %select_n3A_71, %slice3A_147 : vector<800x32xf32>
    %mul3A_149 = arith.mulf %dot_general3A_146, %add3A_148 : vector<800x32xf32>
    %slice3A_150 = vector.extract_strided_slice %dot_general3A_55 {offsets = [4800, 0], sizes = [800, 128], strides = [1, 1]} : vector<6400x128xf32> to vector<800x128xf32>
    %get3A_151 = arith.constant 0 : index
    %get3A_152 = arith.constant 0 : index
    %get3A_153 = vector.load %arg9[%get3A_151, %get3A_152] : memref<800x128xf32, #tpu.memory_space<vmem>>, vector<800x128xf32>
    %mul3A_154 = arith.mulf %slice3A_150, %get3A_153 : vector<800x128xf32>
    %get3A_155 = arith.constant 0 : index
    %get3A_156 = arith.constant 0 : index
    %get3A_157 = vector.load %arg13[%get3A_155, %get3A_156] : memref<128x32xf32, #tpu.memory_space<vmem>>, vector<128x32xf32>
    %dot_general3A_158 = arith.constant dense<0.000000e+00> : vector<800x32xf32>
    %dot_general3A_159 = tpu.matmul %mul3A_154, %get3A_157, %dot_general3A_158 {dimension_numbers = #tpu.dot_dimension_numbers<[1], [0], [0], [1], [0, 0, 1, 1], [], []>, transpose_lhs_hint = false} : vector<800x128xf32>, vector<128x32xf32>, vector<800x32xf32> -> vector<800x32xf32>
    %slice3A_160 = vector.extract_strided_slice %dot_general3A_62 {offsets = [4800, 0], sizes = [800, 32], strides = [1, 1]} : vector<6400x32xf32> to vector<800x32xf32>
    %add3A_161 = arith.addf %select_n3A_71, %slice3A_160 : vector<800x32xf32>
    %mul3A_162 = arith.mulf %dot_general3A_159, %add3A_161 : vector<800x32xf32>
    %slice3A_163 = vector.extract_strided_slice %dot_general3A_55 {offsets = [5600, 0], sizes = [800, 128], strides = [1, 1]} : vector<6400x128xf32> to vector<800x128xf32>
    %get3A_164 = arith.constant 0 : index
    %get3A_165 = arith.constant 0 : index
    %get3A_166 = vector.load %arg10[%get3A_164, %get3A_165] : memref<800x128xf32, #tpu.memory_space<vmem>>, vector<800x128xf32>
    %mul3A_167 = arith.mulf %slice3A_163, %get3A_166 : vector<800x128xf32>
    %get3A_168 = arith.constant 0 : index
    %get3A_169 = arith.constant 0 : index
    %get3A_170 = vector.load %arg13[%get3A_168, %get3A_169] : memref<128x32xf32, #tpu.memory_space<vmem>>, vector<128x32xf32>
    %dot_general3A_171 = arith.constant dense<0.000000e+00> : vector<800x32xf32>
    %dot_general3A_172 = tpu.matmul %mul3A_167, %get3A_170, %dot_general3A_171 {dimension_numbers = #tpu.dot_dimension_numbers<[1], [0], [0], [1], [0, 0, 1, 1], [], []>, transpose_lhs_hint = false} : vector<800x128xf32>, vector<128x32xf32>, vector<800x32xf32> -> vector<800x32xf32>
    %slice3A_173 = vector.extract_strided_slice %dot_general3A_62 {offsets = [5600, 0], sizes = [800, 32], strides = [1, 1]} : vector<6400x32xf32> to vector<800x32xf32>
    %add3A_174 = arith.addf %select_n3A_71, %slice3A_173 : vector<800x32xf32>
    %mul3A_175 = arith.mulf %dot_general3A_172, %add3A_174 : vector<800x32xf32>
    %concatenate3A_176 = tpu.concatenate %mul3A_84, %mul3A_97, %mul3A_110, %mul3A_123 in 1 : vector<800x32xf32>, vector<800x32xf32>, vector<800x32xf32>, vector<800x32xf32> -> vector<800x128xf32>
    %swap3A = arith.constant 0 : index
    %swap3A_177 = arith.constant 0 : index
    %swap3A_178 = vector.load %arg15[%swap3A, %swap3A_177] : memref<800x128xf32, #tpu.memory_space<vmem>>, vector<800x128xf32>
    tpu.vector_store %arg15[%swap3A, %swap3A_177], %concatenate3A_176 {strides = array<i32>} : memref<800x128xf32, #tpu.memory_space<vmem>>, vector<800x128xf32>,
    %concatenate3A_179 = tpu.concatenate %mul3A_136, %mul3A_149, %mul3A_162, %mul3A_175 in 1 : vector<800x32xf32>, vector<800x32xf32>, vector<800x32xf32>, vector<800x32xf32> -> vector<800x128xf32>
    %swap3A_180 = arith.constant 0 : index
    %swap3A_181 = arith.constant 0 : index
    %swap3A_182 = vector.load %arg16[%swap3A_180, %swap3A_181] : memref<800x128xf32, #tpu.memory_space<vmem>>, vector<800x128xf32>
    tpu.vector_store %arg16[%swap3A_180, %swap3A_181], %concatenate3A_179 {strides = array<i32>} : memref<800x128xf32, #tpu.memory_space<vmem>>, vector<800x128xf32>,
    return
  }
  func.func @transform_0(%arg0: i32) -> (i32, i32) {
    %c0_i32 = arith.constant 0 : i32
    %c0_i32_0 = arith.constant 0 : i32
    return %arg0, %c0_i32 : i32, i32
  }
  func.func @transform_1(%arg0: i32) -> (i32, i32) {
    %c0_i32 = arith.constant 0 : i32
    %c0_i32_0 = arith.constant 0 : i32
    return %arg0, %c0_i32 : i32, i32
  }
  func.func @transform_2(%arg0: i32) -> (i32, i32) {
    %add3A = arith.constant 0 : i32
    %add3A_0 = arith.addi %add3A, %arg0 : i32
    %c0_i32 = arith.constant 0 : i32
    %c0_i32_1 = arith.constant 0 : i32
    return %add3A_0, %c0_i32 : i32, i32
  }
  func.func @transform_3(%arg0: i32) -> (i32, i32) {
    %add3A = arith.constant 25 : i32
    %add3A_0 = arith.addi %add3A, %arg0 : i32
    %c0_i32 = arith.constant 0 : i32
    %c0_i32_1 = arith.constant 0 : i32
    return %add3A_0, %c0_i32 : i32, i32
  }
  func.func @transform_4(%arg0: i32) -> (i32, i32) {
    %add3A = arith.constant 50 : i32
    %add3A_0 = arith.addi %add3A, %arg0 : i32
    %c0_i32 = arith.constant 0 : i32
    %c0_i32_1 = arith.constant 0 : i32
    return %add3A_0, %c0_i32 : i32, i32
  }
  func.func @transform_5(%arg0: i32) -> (i32, i32) {
    %add3A = arith.constant 75 : i32
    %add3A_0 = arith.addi %add3A, %arg0 : i32
    %c0_i32 = arith.constant 0 : i32
    %c0_i32_1 = arith.constant 0 : i32
    return %add3A_0, %c0_i32 : i32, i32
  }
  func.func @transform_6(%arg0: i32) -> (i32, i32) {
    %add3A = arith.constant 100 : i32
    %add3A_0 = arith.addi %add3A, %arg0 : i32
    %c0_i32 = arith.constant 0 : i32
    %c0_i32_1 = arith.constant 0 : i32
    return %add3A_0, %c0_i32 : i32, i32
  }
  func.func @transform_7(%arg0: i32) -> (i32, i32) {
    %add3A = arith.constant 125 : i32
    %add3A_0 = arith.addi %add3A, %arg0 : i32
    %c0_i32 = arith.constant 0 : i32
    %c0_i32_1 = arith.constant 0 : i32
    return %add3A_0, %c0_i32 : i32, i32
  }
  func.func @transform_8(%arg0: i32) -> (i32, i32) {
    %add3A = arith.constant 150 : i32
    %add3A_0 = arith.addi %add3A, %arg0 : i32
    %c0_i32 = arith.constant 0 : i32
    %c0_i32_1 = arith.constant 0 : i32
    return %add3A_0, %c0_i32 : i32, i32
  }
  func.func @transform_9(%arg0: i32) -> (i32, i32) {
    %add3A = arith.constant 175 : i32
    %add3A_0 = arith.addi %add3A, %arg0 : i32
    %c0_i32 = arith.constant 0 : i32
    %c0_i32_1 = arith.constant 0 : i32
    return %add3A_0, %c0_i32 : i32, i32
  }
  func.func @transform_10(%arg0: i32) -> (i32, i32) {
    %c0_i32 = arith.constant 0 : i32
    %c0_i32_0 = arith.constant 0 : i32
    %c0_i32_1 = arith.constant 0 : i32
    return %c0_i32, %c0_i32_0 : i32, i32
  }
  func.func @transform_11(%arg0: i32) -> (i32, i32) {
    %c0_i32 = arith.constant 0 : i32
    %c0_i32_0 = arith.constant 0 : i32
    %c0_i32_1 = arith.constant 0 : i32
    return %c0_i32, %c0_i32_0 : i32, i32
  }
  func.func @transform_12(%arg0: i32) -> (i32, i32) {
    %c0_i32 = arith.constant 0 : i32
    %c0_i32_0 = arith.constant 0 : i32
    %c0_i32_1 = arith.constant 0 : i32
    return %c0_i32, %c0_i32_0 : i32, i32
  }
  func.func @transform_13(%arg0: i32) -> (i32, i32) {
    %c0_i32 = arith.constant 0 : i32
    %c0_i32_0 = arith.constant 0 : i32
    %c0_i32_1 = arith.constant 0 : i32
    return %c0_i32, %c0_i32_0 : i32, i32
  }
  func.func @transform_14(%arg0: i32) -> (i32, i32) {
    %c0_i32 = arith.constant 0 : i32
    %c0_i32_0 = arith.constant 0 : i32
    return %arg0, %c0_i32 : i32, i32
  }
  func.func @transform_15(%arg0: i32) -> (i32, i32) {
    %c0_i32 = arith.constant 0 : i32
    %c0_i32_0 = arith.constant 0 : i32
    return %arg0, %c0_i32 : i32, i32
  }
}

module attributes {stable_mosaic.version = 14 : i64} {
  func.func @_node_body(%arg0: memref<10000x64xf32, #tpu.memory_space<vmem>>, %arg1: memref<64x128xf32, #tpu.memory_space<vmem>>, %arg2: memref<10000x128xf32, #tpu.memory_space<vmem>>) attributes {dimension_semantics = [], scalar_prefetch = 0 : i64, scratch_operands = 0 : i64, tpu.core_type = #tpu.core_type<tc>} {
    %get3A = arith.constant 0 : index
    %get3A_0 = arith.constant 0 : index
    %get3A_1 = vector.load %arg0[%get3A, %get3A_0] : memref<10000x64xf32, #tpu.memory_space<vmem>>, vector<10000x64xf32>
    %get3A_2 = arith.constant 0 : index
    %get3A_3 = arith.constant 0 : index
    %get3A_4 = vector.load %arg1[%get3A_2, %get3A_3] : memref<64x128xf32, #tpu.memory_space<vmem>>, vector<64x128xf32>
    %dot_general3A = arith.constant dense<0.000000e+00> : vector<10000x128xf32>
    %dot_general3A_5 = tpu.matmul %get3A_1, %get3A_4, %dot_general3A {dimension_numbers = #tpu.dot_dimension_numbers<[1], [0], [0], [1], [0, 0, 1, 1], [], []>, transpose_lhs_hint = false} : vector<10000x64xf32>, vector<64x128xf32>, vector<10000x128xf32> -> vector<10000x128xf32>
    %swap3A = arith.constant 0 : index
    %swap3A_6 = arith.constant 0 : index
    %swap3A_7 = vector.load %arg2[%swap3A, %swap3A_6] : memref<10000x128xf32, #tpu.memory_space<vmem>>, vector<10000x128xf32>
    tpu.vector_store %arg2[%swap3A, %swap3A_6], %dot_general3A_5 {strides = array<i32>} : memref<10000x128xf32, #tpu.memory_space<vmem>>, vector<10000x128xf32>,
    return
  }
}

module attributes {stable_mosaic.version = 14 : i64} {
  func.func @_combine_body(%arg0: memref<2x2560x128xf32, #tpu.memory_space<vmem>>, %arg1: memref<2560x128xf32, #tpu.memory_space<vmem>>) attributes {dimension_semantics = [], scalar_prefetch = 0 : i64, scratch_operands = 0 : i64, tpu.core_type = #tpu.core_type<tc>} {
    %get3A = arith.constant 0 : index
    %get3A_0 = arith.constant 0 : index
    %get3A_1 = arith.constant 0 : index
    %get3A_2 = vector.load %arg0[%get3A, %get3A_0, %get3A_1] : memref<2x2560x128xf32, #tpu.memory_space<vmem>>, vector<1x2560x128xf32>
    %get3A_3 = vector.shape_cast %get3A_2 : vector<1x2560x128xf32> to vector<2560x128xf32>
    %get3A_4 = arith.constant 1 : index
    %get3A_5 = arith.constant 0 : index
    %get3A_6 = arith.constant 0 : index
    %get3A_7 = vector.load %arg0[%get3A_4, %get3A_5, %get3A_6] : memref<2x2560x128xf32, #tpu.memory_space<vmem>>, vector<1x2560x128xf32>
    %get3A_8 = vector.shape_cast %get3A_7 : vector<1x2560x128xf32> to vector<2560x128xf32>
    %add3A = arith.addf %get3A_3, %get3A_8 : vector<2560x128xf32>
    %swap3A = arith.constant 0 : index
    %swap3A_9 = arith.constant 0 : index
    %swap3A_10 = vector.load %arg1[%swap3A, %swap3A_9] : memref<2560x128xf32, #tpu.memory_space<vmem>>, vector<2560x128xf32>
    tpu.vector_store %arg1[%swap3A, %swap3A_9], %add3A {strides = array<i32>} : memref<2560x128xf32, #tpu.memory_space<vmem>>, vector<2560x128xf32>,
    return
  }
}

</mosaic_0001>

<sc_bundles>
// kernel: kernel.10.cloned.1.call-start
scs
__scs_entry_jumppad:
0x0: {  	(pc) =	sbr.rel $0x88, $3  }
0x1: {  	(tag) =	ssettag $0x0;
	lr =	simm.s32 $0x1  }
0x2: {  	[smem:$0x3F9C] =	sst lr;
	_ =	strace $0xD0000000  }
0x3: {  	_ = 	snop  }
0x4: {  	_ = 	snop  }
0x5: {  	_ = 	snop  }
0x6: {  	_ = 	snop  }
0x7: {  	_ = 	snop  }
__scs_overlays_trampoline_lowered:
0x8: {  	[smem:$0x3FAB] =	sst s0  }
0x9: {  	[smem:$0x3FAC] =	sst s1  }
0xa: {  	[smem:$0x3FAD] =	sst s2  }
0xb: {  	[smem:$0x3FAE] =	sst s3  }
0xc: {  	[smem:$0x3FAF] =	sst s4  }
0xd: {  	[smem:$0x3FB0] =	sst s5  }
0xe: {  	[smem:$0x3FB1] =	sst s6  }
0xf: {  	[smem:$0x3FB2] =	sst s7  }
0x10: {  	[smem:$0x3FB3] =	sst s8  }
0x11: {  	[smem:$0x3FB4] =	sst s9;
	s0 =	simm.s32 @!p0 $0x0  }
0x12: {  	s1 =	sld [smem:$0x3F9A];
	s0 =	simm.s32 @p0 $0x1  }
0x13: {  	[smem:$0x3FB5] =	sst s0;
	s0 =	simm.s32 @!p1 $0x0  }
0x14: {  	s2 =	sld [smem:$0x3F99];
	s0 =	simm.s32 @p1 $0x1  }
0x15: {  	[smem:$0x3FB6] =	sst s0;
	s0 =	simm.s32 @!p2 $0x0  }
0x16: {  	s3 =	sld [smem:$0x3FDB];
	s0 =	simm.s32 @p2 $0x1  }
0x17: {  	s4 =	simm.s32 $0x1BF5;
	[smem:$0x3FB8] =	sst s0  }
0x18: {  	s0 =	sld [smem:$0x3F9B];
	_ =	swait.ge [sflag:s4], $0x0  }
0x19: {  	s7 =	sld [smem:$0x3F9C]  }
0x1a: {  	s8 =	sadd.s32 $0xFFFFE003, lr  }
0x1b: {  	s9 =	sadd.s32 $0xFFFFFEF7, lr;
	s5 =	simm.s32 $0xFFFFFFFF;
	p2 =	slt.u32 s8, $0xFFFFF086  }
0x1c: {  	p1 =	slt.u32 s9, $0xF7A;
	s5 =	simm.s32 @!p2 $0x0  }
0x1d: {  	s5 =	simm.s32 @p1 $0x1;
	p0 =	seq.s32 s7, s2  }
0x1e: {  	s7 =	smul.u32 @!p0 $0xF7A, s2;
	p2 =	seq.s32 @!p0 s5, $0x0  }
0x1f: {  	s9 =	smul.u32 $0xF7A, s1;
	s8 =	simm.s32 @!p0 $0x1BF5;
	p2 =	por !p2, p0  }
0x20: {  	[sflag:s8] =	ssyncset.s32 @!p0 $0xFFFFF086;
	s6 =	sadd.s32 @!p0 s3, s7;
	s7 =	simm.s32 @!p0 $0x108  }
0x21: {  	s3 =	sadd.s32 s3, s9;
	s6 =	sadd.s32 @!p0 $0x88, s6;
	s7 =	simm.s32 @p2 $0x1082  }
0x22: {  	[simem:s7], [sflag:s8] =	dma.local @!p0 [hbm:s6], $0xF7A  }
0x23: {  	s9 =	sor.u32 $0xD0000000, s2;
	s6 =	simm.s32 $0x108;
	_ =	swait.ge @!p0 [sflag:s8], $0x0  }
0x24: {  	s3 =	sadd.s32 $0x88, s3;
	s6 =	simm.s32 @!p1 $0x1082;
	[sflag:s4] =	ssyncset.s32 $0xFFFFF086  }
0x25: {  	[simem:s6], [sflag:s4] =	dma.local [hbm:s3], $0xF7A  }
0x26: {  	[smem:$0x3F9C] =	sst s1;
	(tag) =	ssettag s2;
	_ =	strace s9  }
0x27: {  	s1 =	sld [smem:$0x3FAC]  }
0x28: {  	s2 =	sld [smem:$0x3FAD]  }
0x29: {  	s4 =	sld [smem:$0x3FAF]  }
0x2a: {  	p0 =	seq.s32 s5, $0x0;
	s5 =	sld [smem:$0x3FB0]  }
0x2b: {  	s6 =	sld [smem:$0x3FB1]  }
0x2c: {  	s7 =	sld [smem:$0x3FB2]  }
0x2d: {  	s3 =	simm.s32 $0x108;
	s8 =	sld [smem:$0x3FB3]  }
0x2e: {  	s3 =	simm.s32 @!p0 $0x1082;
	s9 =	sld [smem:$0x3FB4]  }
0x2f: {  	lr =	sadd.s32 s0, s3;
	s0 =	sld [smem:$0x3FAB]  }
0x30: {  	s3 =	sld [smem:$0x3FAE]  }
0x31: {  	[smem:$0x3FB7] =	sst s10  }
0x32: {  	s10 =	sld [smem:$0x3FB5];
	_ =	sdelay $0x3  }
0x33: {  	p0 =	seq.s32 s10, $0x1;
	s10 =	sld [smem:$0x3FB7];
	_ =	sdelay $0x3  }
0x34: {  	[smem:$0x3FB7] =	sst s10  }
0x35: {  	s10 =	sld [smem:$0x3FB6];
	_ =	sdelay $0x3  }
0x36: {  	p1 =	seq.s32 s10, $0x1;
	s10 =	sld [smem:$0x3FB7];
	_ =	sdelay $0x3  }
0x37: {  	[smem:$0x3FB7] =	sst s10  }
0x38: {  	s10 =	sld [smem:$0x3FB8]  }
0x39: {  	_ = 	snop;
	(pc) =	sbr.ind lr, $3  }
0x3a: {  	_ = 	snop  }
0x3b: {  	_ = 	snop  }
0x3c: {  	p2 =	seq.s32 s10, $0x1;
	s10 =	sld [smem:$0x3FB7]  }
0x3d: {  	_ =	shalt  }
0x3e: {  	_ =	shalt  }
0x3f: {  	_ =	shalt  }
0x40: {  	_ =	shalt  }
0x41: {  	_ =	shalt  }
0x42: {  	_ =	shalt  }
0x43: {  	_ =	shalt  }
0x44: {  	_ =	shalt  }
0x45: {  	_ =	shalt  }
0x46: {  	_ =	shalt  }
0x47: {  	_ =	shalt  }
0x48: {  	_ =	shalt  }
0x49: {  	_ =	shalt  }
0x4a: {  	_ =	shalt  }
0x4b: {  	_ =	shalt  }
0x4c: {  	_ =	shalt  }
0x4d: {  	_ =	shalt  }
0x4e: {  	_ =	shalt  }
0x4f: {  	_ =	shalt  }
0x50: {  	_ =	shalt  }
0x51: {  	_ =	shalt  }
0x52: {  	_ =	shalt  }
0x53: {  	_ =	shalt  }
0x54: {  	_ =	shalt  }
0x55: {  	_ =	shalt  }
0x56: {  	_ =	shalt  }
0x57: {  	_ =	shalt  }
0x58: {  	_ =	shalt  }
0x59: {  	_ =	shalt  }
0x5a: {  	_ =	shalt  }
0x5b: {  	_ =	shalt  }
0x5c: {  	_ =	shalt  }
0x5d: {  	_ =	shalt  }
0x5e: {  	_ =	shalt  }
0x5f: {  	_ =	shalt  }
0x60: {  	_ =	shalt  }
0x61: {  	_ =	shalt  }
0x62: {  	_ =	shalt  }
0x63: {  	_ =	shalt  }
0x64: {  	_ =	shalt  }
0x65: {  	_ =	shalt  }
0x66: {  	_ =	shalt  }
0x67: {  	_ =	shalt  }
0x68: {  	_ =	shalt  }
0x69: {  	_ =	shalt  }
0x6a: {  	_ =	shalt  }
0x6b: {  	_ =	shalt  }
0x6c: {  	_ =	shalt  }
0x6d: {  	_ =	shalt  }
0x6e: {  	_ =	shalt  }
0x6f: {  	_ =	shalt  }
0x70: {  	_ =	shalt  }
0x71: {  	_ =	shalt  }
0x72: {  	_ =	shalt  }
0x73: {  	_ =	shalt  }
0x74: {  	_ =	shalt  }
0x75: {  	_ =	shalt  }
0x76: {  	_ =	shalt  }
0x77: {  	_ =	shalt  }
0x78: {  	_ =	shalt  }
0x79: {  	_ =	shalt  }
0x7a: {  	_ =	shalt  }
0x7b: {  	_ =	shalt  }
0x7c: {  	_ =	shalt  }
0x7d: {  	_ =	shalt  }
0x7e: {  	_ =	shalt  }
0x7f: {  	_ =	shalt  }
0x80: {  	_ =	shalt  }
0x81: {  	_ =	shalt  }
0x82: {  	_ =	shalt  }
0x83: {  	_ =	shalt  }
0x84: {  	_ =	shalt  }
0x85: {  	_ =	shalt  }
0x86: {  	_ =	shalt  }
0x87: {  	_ =	shalt  }
.Lfunc_end0:
.L_simem_size_0:
called_computation.1_lowered:
.L_overlay_start_0:
0x88: {  	s2 =	sld [smem:$0x3FD9]  }
0x89: {  	s3 =	sld [smem:$0x3FFE];
	_ =	sdelay $0x1  }
0x8a: {  	s1 =	srdreg.scid  }
0x8b: {  	s0 =	sand.u32 $0x1, s1  }
0x8c: {  	s17 =	sshll.u32 s0, $0xA;
	s2 =	sadd.s32 s3, s2  }
0x8d: {  	s2 =	sadd.s32 s2, s17  }
0x8e: {  	[smem:$0x3FC3] =	sst s2  }
0x8f: {  	_ = 	snop  }
0x90: {  	s2 =	sld [smem:$0x3FD0];
	(tm) =	ssettm $0x1  }
0x91: {  	s18 =	sld [smem:$0x3FFB];
	_ =	sdelay $0x3  }
0x92: {  	_ =	strace s18  }
0x93: {  	s3 =	sld [smem:$0x3FFC];
	_ =	sdelay $0x3  }
0x94: {  	_ =	strace s3  }
0x95: {  	s3 =	sld [smem:$0x3FFD];
	_ =	sdelay $0x3  }
0x96: {  	_ =	strace s3  }
0x97: {  	_ =	strace $0x8FFFFFFF  }
0x98: {  	s19 =	sld [smem:$0x3FDB];
	_ =	sdelay $0x1  }
0x99: {  	s4 =	simm.s32 $_scs_section_size  }
0x9a: {  	s5 =	simm.s32 $_size__tile_overlayer_lowered;
	s6 =	simm.s32 $_tile_overlayer_lowered  }
0x9b: {  	s22 =	simm.s32 $0x1BFF;
	s21 =	sshll.u32 s6, $0x1;
	s3 =	sadd.s32 s4, s19  }
0x9c: {  	s7 =	simm.s32 $0x0;
	s20 =	sshll.u32 s5, $0x1;
	s5 =	sadd.s32 s21, s3  }
0x9d: {  	[timem:s7], [sflag:s22] =	dma.local [hbm:s5], s20  }
0x9e: {  	_ =	swait.ge [sflag:s22], s20  }
0x9f: {  	s4 =	ssub.s32 $0x0, s20;
	[sflag:s22] =	ssyncset.done $0x0  }
0xa0: {  	[sflag:s22] =	ssyncadd.s32 s4;
	_ =	sdelay $0x1  }
0xa1: {  	s23 =	simm.s32 $0x1B8B  }
0xa2: {  	_ =	swait.ge [sflag:s23], $0x1  }
0xa3: {  	[sflag:s23] =	ssyncset.done $0x0  }
0xa4: {  	s25 =	simm.s32 $0x1B8E;
	s24 =	sld [smem:$0x3FFE];
	[sflag:s23] =	ssyncadd.s32 $0xFFFFFFFF  }
0xa5: {  	s26 =	simm.s32 $execute0_lowered;
	[smem:$0x3FD2] =	sst s25  }
0xa6: {  	s5 =	sshll.u32 s26, $0x1;
	_ =	strace $0x80000049;
	[dreg:$0x1] =	wrdreg $0xFFFFFFFF  }
0xa7: {  	s28 =	simm.s32 $_size_execute0_lowered;
	s3 =	sadd.s32 s3, s5;
	[dreg:$0x0] =	wrdreg $0x0  }
0xa8: {  	s5 =	sshll.u32 s28, $0x1;
	[dreg:$0x2] =	wrdreg s3  }
0xa9: {  	[dreg:$0x3] =	wrdreg s5  }
0xaa: {  	[dreg:$0x4] =	wrdreg $0xC0  }
0xab: {  	_ =	task [dreg:s7], $0x5FFFF  }
0xac: {  	[dreg:$0x1] =	wrdreg $0xFFFFFFFF  }
0xad: {  	[dreg:$0x0] =	wrdreg $0x60  }
0xae: {  	[dreg:$0x2] =	wrdreg s24  }
0xaf: {  	[dreg:$0x3] =	wrdreg s2  }
0xb0: {  	[dreg:$0x4] =	wrdreg $0xA7800  }
0xb1: {  	[dreg:$0x5] =	wrdreg $0x9  }
0xb2: {  	_ =	task.clear_ibuf [dreg:s7], $0x6FFFF;
	_ =	strace $0x90000049  }
0xb3: {  	s29 =	simm.s32 $0x9;
	_ =	strace $0x8000004B  }
0xb4: {  	_ =	swait.ge [sflag:s29], $0x1  }
0xb5: {  	[sflag:s29] =	ssyncadd.s32 $0xFFFFFFFF  }
0xb6: {  	_ =	strace $0x9000004B  }
0xb7: {  	_ =	sfence  }
0xb8: {  	s30 =	sld [smem:$0x0];
	_ =	sdelay $0x2  }
0xb9: {  	s31 =	sshll.u32 s1, $0xD;
	s1 =	sshrl.u32 s1, $0x2  }
0xba: {  	s3 =	sand.u32 $0x4000, s31;
	s1 =	sadd.s32 s1, s30  }
0xbb: {  	s0 =	sor.u32 s3, s0;
	s1 =	sshll.u32 s1, $0x11  }
0xbc: {  	s0 =	sor.u32 s1, s0  }
0xbd: {  	s0 =	sadd.s32 $0x8F2B, s0  }
0xbe: {  	[sflag:s0] =	ssyncadd.remote.s32 $0x1  }
0xbf: {  	_ =	sfence.sel $0xFFFF  }
0xc0: {  	[dreg:$0x0] =	wrdreg $0xFFFFFFFF;
	(pc) =	sbr.abs _section_cstart, $3  }
0xc1: {  	[dreg:$0x1] =	wrdreg $0xFFFFFFFF  }
0xc2: {  	_ =	task.clear_ibuf [dreg:s7], $0x2FFFF;
	_ =	strace $0x9FFFFFFF  }
0xc3: {  	(tm) =	ssettm $0x7FFFFFFF  }
tec
execute0_lowered:
.L_overlay_start_1:
0x0: {  	(tag) =	ssettag $0x1  }
0x1: {  	v0 =	vimm.s32 $0x11B;
	vm14 =	vcmask $0x300;
	vm13 =	vcmask $0x704  }
0x2: {  	vm12 =	vcmask $0xB08;
	vm11 =	vcmask $0xF0C;
	vm10 =	vcmask $0x1310  }
0x3: {  	vm9 =	vcmask $0x1714;
	vm8 =	vcmask $0x1B18;
	vm7 =	vcmask $0x1F1C  }
0x4: {  	vm6 =	vcmask $0x2320;
	vm5 =	vcmask $0x2724;
	vm4 =	vcmask $0x2B28  }
0x5: {  	vm3 =	vcmask $0x2F2C;
	v1 =	vlaneseq.u32;
	vm2 =	vcmask $0x3330  }
0x6: {  	vm0 =	vcmask $0x3734;
	vm1 =	vcmask $0x3B38;
	v4 =	vimm.s32 $0x15B  }
0x7: {  	v5 =	vimm.s32 $0x17B;
	v6 =	vimm.s32 $0x19B;
	v7 =	vimm.s32 $0x1BB  }
0x8: {  	v8 =	vimm.s32 $0x1DB;
	v9 =	vimm.s32 $0x1FB;
	v10 =	vimm.s32 $0x21B  }
0x9: {  	v11 =	vimm.s32 $0x23B;
	v12 =	vimm.s32 $0x25B;
	v13 =	vimm.s32 $0x27B  }
0xa: {  	v14 =	vimm.s32 $0x29B;
	v15 =	vimm.s32 $0x2BB;
	v16 =	vimm.s32 $0x2DB  }
0xb: {  	v17 =	vimm.s32 $0x2FB;
	v18 =	vimm.s32 $0x31B;
	v19 =	vimm.s32 $0x33B  }
0xc: {  	v20 =	vimm.s32 $0x35B;
	v21 =	vimm.s32 $0x37B;
	v22 =	vimm.s32 $0x39B  }
0xd: {  	v23 =	vimm.s32 $0x3BB;
	v24 =	vimm.s32 $0x3DB;
	v25 =	vimm.s32 $0x3FB  }
0xe: {  	v26 =	vimm.s32 $0x41B;
	v27 =	vimm.s32 $0x43B;
	v28 =	vimm.s32 $0x45B  }
0xf: {  	v29 =	vimm.s32 $0x47B;
	v30 =	vimm.s32 $0x49B;
	v31 =	vimm.s32 $0x4BB  }
0x10: {  	v32 =	vimm.s32 $0x4DB;
	v33 =	vimm.s32 $0x4FB;
	v34 =	vimm.s32 $0x11F  }
0x11: {  	v35 =	vimm.s32 $0x13F;
	v56 =	vimm.s32 $0x15F;
	v57 =	vimm.s32 $0x17F  }
0x12: {  	v36 =	vimm.s32 $0x19F;
	v61 =	vimm.s32 $0x1BF;
	v62 =	vimm.s32 $0x1DF  }
0x13: {  	v63 =	vimm.s32 $0x1FF;
	v39 =	vimm.s32 $0x21F;
	v42 =	vimm.s32 $0x23F  }
0x14: {  	v43 =	vimm.s32 $0x25F;
	v46 =	vimm.s32 $0x27F;
	v47 =	vimm.s32 $0x29F  }
0x15: {  	v48 =	vimm.s32 $0x2BF;
	v51 =	vimm.s32 $0x2DF;
	v52 =	vimm.s32 $0x2FF  }
0x16: {  	v53 =	vimm.s32 $0x31F;
	v0 =	vsel vm14, $0x100, v0;
	v2 =	vshrl.u32 v1, $0x2  }
0x17: {  	v1 =	vand.u32 $0x3, v1;
	v4 =	vsel vm14, $0x140, v4;
	v5 =	vsel vm14, $0x160, v5  }
0x18: {  	v6 =	vsel vm14, $0x180, v6;
	v7 =	vsel vm14, $0x1A0, v7;
	v8 =	vsel vm14, $0x1C0, v8  }
0x19: {  	v9 =	vsel vm14, $0x1E0, v9;
	v10 =	vsel vm14, $0x200, v10;
	v11 =	vsel vm14, $0x220, v11  }
0x1a: {  	v12 =	vsel vm14, $0x240, v12;
	v13 =	vsel vm14, $0x260, v13;
	v14 =	vsel vm14, $0x280, v14  }
0x1b: {  	v15 =	vsel vm14, $0x2A0, v15;
	v16 =	vsel vm14, $0x2C0, v16;
	v17 =	vsel vm14, $0x2E0, v17  }
0x1c: {  	v18 =	vsel vm14, $0x300, v18;
	v19 =	vsel vm14, $0x320, v19;
	v20 =	vsel vm14, $0x340, v20  }
0x1d: {  	v21 =	vsel vm14, $0x360, v21;
	v22 =	vsel vm14, $0x380, v22;
	v23 =	vsel vm14, $0x3A0, v23  }
0x1e: {  	v24 =	vsel vm14, $0x3C0, v24;
	v25 =	vsel vm14, $0x3E0, v25;
	v26 =	vsel vm14, $0x400, v26  }
0x1f: {  	v27 =	vsel vm14, $0x420, v27;
	v28 =	vsel vm14, $0x440, v28;
	v29 =	vsel vm14, $0x460, v29  }
0x20: {  	v30 =	vsel vm14, $0x480, v30;
	v31 =	vsel vm14, $0x4A0, v31;
	v32 =	vsel vm14, $0x4C0, v32  }
0x21: {  	v33 =	vsel vm14, $0x4E0, v33;
	v34 =	vsel vm14, $0x104, v34;
	v35 =	vsel vm14, $0x124, v35  }
0x22: {  	v36 =	vsel vm14, $0x184, v36;
	v0 =	vsel vm13, $0x101, v0;
	v4 =	vsel vm13, $0x141, v4  }
0x23: {  	v5 =	vsel vm13, $0x161, v5;
	v6 =	vsel vm13, $0x181, v6;
	v7 =	vsel vm13, $0x1A1, v7  }
0x24: {  	v8 =	vsel vm13, $0x1C1, v8;
	v9 =	vsel vm13, $0x1E1, v9;
	v10 =	vsel vm13, $0x201, v10  }
0x25: {  	v11 =	vsel vm13, $0x221, v11;
	v12 =	vsel vm13, $0x241, v12;
	v13 =	vsel vm13, $0x261, v13  }
0x26: {  	v14 =	vsel vm13, $0x281, v14;
	v15 =	vsel vm13, $0x2A1, v15;
	v16 =	vsel vm13, $0x2C1, v16  }
0x27: {  	v17 =	vsel vm13, $0x2E1, v17;
	v18 =	vsel vm13, $0x301, v18;
	v19 =	vsel vm13, $0x321, v19  }
0x28: {  	v20 =	vsel vm13, $0x341, v20;
	v21 =	vsel vm13, $0x361, v21;
	v22 =	vsel vm13, $0x381, v22  }
0x29: {  	v23 =	vsel vm13, $0x3A1, v23;
	v24 =	vsel vm13, $0x3C1, v24;
	v25 =	vsel vm13, $0x3E1, v25  }
0x2a: {  	v26 =	vsel vm13, $0x401, v26;
	v27 =	vsel vm13, $0x421, v27;
	v28 =	vsel vm13, $0x441, v28  }
0x2b: {  	v29 =	vsel vm13, $0x461, v29;
	v30 =	vsel vm13, $0x481, v30;
	v31 =	vsel vm13, $0x4A1, v31  }
0x2c: {  	v32 =	vsel vm13, $0x4C1, v32;
	v33 =	vsel vm13, $0x4E1, v33;
	v34 =	vsel vm13, $0x105, v34  }
0x2d: {  	v35 =	vsel vm13, $0x125, v35;
	v36 =	vsel vm13, $0x185, v36;
	v0 =	vsel vm12, $0x102, v0  }
0x2e: {  	v4 =	vsel vm12, $0x142, v4;
	v5 =	vsel vm12, $0x162, v5;
	v6 =	vsel vm12, $0x182, v6  }
0x2f: {  	v7 =	vsel vm12, $0x1A2, v7;
	v8 =	vsel vm12, $0x1C2, v8;
	v9 =	vsel vm12, $0x1E2, v9  }
0x30: {  	v10 =	vsel vm12, $0x202, v10;
	v11 =	vsel vm12, $0x222, v11;
	v12 =	vsel vm12, $0x242, v12  }
0x31: {  	v13 =	vsel vm12, $0x262, v13;
	v14 =	vsel vm12, $0x282, v14;
	v15 =	vsel vm12, $0x2A2, v15  }
0x32: {  	v16 =	vsel vm12, $0x2C2, v16;
	v17 =	vsel vm12, $0x2E2, v17;
	v18 =	vsel vm12, $0x302, v18  }
0x33: {  	v19 =	vsel vm12, $0x322, v19;
	v20 =	vsel vm12, $0x342, v20;
	v21 =	vsel vm12, $0x362, v21  }
0x34: {  	v22 =	vsel vm12, $0x382, v22;
	v23 =	vsel vm12, $0x3A2, v23;
	v24 =	vsel vm12, $0x3C2, v24  }
0x35: {  	v25 =	vsel vm12, $0x3E2, v25;
	v26 =	vsel vm12, $0x402, v26;
	v27 =	vsel vm12, $0x422, v27  }
0x36: {  	v28 =	vsel vm12, $0x442, v28;
	v29 =	vsel vm12, $0x462, v29;
	v30 =	vsel vm12, $0x482, v30  }
0x37: {  	v31 =	vsel vm12, $0x4A2, v31;
	v32 =	vsel vm12, $0x4C2, v32;
	v33 =	vsel vm12, $0x4E2, v33  }
0x38: {  	v34 =	vsel vm12, $0x106, v34;
	v35 =	vsel vm12, $0x126, v35;
	v36 =	vsel vm12, $0x186, v36  }
0x39: {  	v0 =	vsel vm11, $0x103, v0;
	v4 =	vsel vm11, $0x143, v4;
	v5 =	vsel vm11, $0x163, v5  }
0x3a: {  	v6 =	vsel vm11, $0x183, v6;
	v7 =	vsel vm11, $0x1A3, v7;
	v8 =	vsel vm11, $0x1C3, v8  }
0x3b: {  	v9 =	vsel vm11, $0x1E3, v9;
	v10 =	vsel vm11, $0x203, v10;
	v11 =	vsel vm11, $0x223, v11  }
0x3c: {  	v12 =	vsel vm11, $0x243, v12;
	v13 =	vsel vm11, $0x263, v13;
	v14 =	vsel vm11, $0x283, v14  }
0x3d: {  	v15 =	vsel vm11, $0x2A3, v15;
	v16 =	vsel vm11, $0x2C3, v16;
	v17 =	vsel vm11, $0x2E3, v17  }
0x3e: {  	v18 =	vsel vm11, $0x303, v18;
	v19 =	vsel vm11, $0x323, v19;
	v20 =	vsel vm11, $0x343, v20  }
0x3f: {  	v21 =	vsel vm11, $0x363, v21;
	v22 =	vsel vm11, $0x383, v22;
	v23 =	vsel vm11, $0x3A3, v23  }
0x40: {  	v24 =	vsel vm11, $0x3C3, v24;
	v25 =	vsel vm11, $0x3E3, v25;
	v26 =	vsel vm11, $0x403, v26  }
0x41: {  	v27 =	vsel vm11, $0x423, v27;
	v28 =	vsel vm11, $0x443, v28;
	v29 =	vsel vm11, $0x463, v29  }
0x42: {  	v30 =	vsel vm11, $0x483, v30;
	v31 =	vsel vm11, $0x4A3, v31;
	v32 =	vsel vm11, $0x4C3, v32  }
0x43: {  	v33 =	vsel vm11, $0x4E3, v33;
	v34 =	vsel vm11, $0x107, v34;
	v35 =	vsel vm11, $0x127, v35  }
0x44: {  	v36 =	vsel vm11, $0x187, v36;
	v0 =	vsel vm10, $0x108, v0;
	v4 =	vsel vm10, $0x148, v4  }
0x45: {  	v5 =	vsel vm10, $0x168, v5;
	v6 =	vsel vm10, $0x188, v6;
	v7 =	vsel vm10, $0x1A8, v7  }
0x46: {  	v8 =	vsel vm10, $0x1C8, v8;
	v9 =	vsel vm10, $0x1E8, v9;
	v10 =	vsel vm10, $0x208, v10  }
0x47: {  	v11 =	vsel vm10, $0x228, v11;
	v12 =	vsel vm10, $0x248, v12;
	v13 =	vsel vm10, $0x268, v13  }
0x48: {  	v14 =	vsel vm10, $0x288, v14;
	v15 =	vsel vm10, $0x2A8, v15;
	v16 =	vsel vm10, $0x2C8, v16  }
0x49: {  	v17 =	vsel vm10, $0x2E8, v17;
	v18 =	vsel vm10, $0x308, v18;
	v19 =	vsel vm10, $0x328, v19  }
0x4a: {  	v20 =	vsel vm10, $0x348, v20;
	v21 =	vsel vm10, $0x368, v21;
	v22 =	vsel vm10, $0x388, v22  }
0x4b: {  	v23 =	vsel vm10, $0x3A8, v23;
	v24 =	vsel vm10, $0x3C8, v24;
	v25 =	vsel vm10, $0x3E8, v25  }
0x4c: {  	v26 =	vsel vm10, $0x408, v26;
	v27 =	vsel vm10, $0x428, v27;
	v28 =	vsel vm10, $0x448, v28  }
0x4d: {  	v29 =	vsel vm10, $0x468, v29;
	v30 =	vsel vm10, $0x488, v30;
	v31 =	vsel vm10, $0x4A8, v31  }
0x4e: {  	v32 =	vsel vm10, $0x4C8, v32;
	v33 =	vsel vm10, $0x4E8, v33;
	v34 =	vsel vm10, $0x10C, v34  }
0x4f: {  	v35 =	vsel vm10, $0x12C, v35;
	v36 =	vsel vm10, $0x18C, v36;
	v0 =	vsel vm9, $0x109, v0  }
0x50: {  	v4 =	vsel vm9, $0x149, v4;
	v5 =	vsel vm9, $0x169, v5;
	v6 =	vsel vm9, $0x189, v6  }
0x51: {  	v7 =	vsel vm9, $0x1A9, v7;
	v8 =	vsel vm9, $0x1C9, v8;
	v9 =	vsel vm9, $0x1E9, v9  }
0x52: {  	v10 =	vsel vm9, $0x209, v10;
	v11 =	vsel vm9, $0x229, v11;
	v12 =	vsel vm9, $0x249, v12  }
0x53: {  	v13 =	vsel vm9, $0x269, v13;
	v14 =	vsel vm9, $0x289, v14;
	v15 =	vsel vm9, $0x2A9, v15  }
0x54: {  	v16 =	vsel vm9, $0x2C9, v16;
	v17 =	vsel vm9, $0x2E9, v17;
	v18 =	vsel vm9, $0x309, v18  }
0x55: {  	v19 =	vsel vm9, $0x329, v19;
	v20 =	vsel vm9, $0x349, v20;
	v21 =	vsel vm9, $0x369, v21  }
0x56: {  	v22 =	vsel vm9, $0x389, v22;
	v23 =	vsel vm9, $0x3A9, v23;
	v24 =	vsel vm9, $0x3C9, v24  }
0x57: {  	v25 =	vsel vm9, $0x3E9, v25;
	v26 =	vsel vm9, $0x409, v26;
	v27 =	vsel vm9, $0x429, v27  }
0x58: {  	v28 =	vsel vm9, $0x449, v28;
	v29 =	vsel vm9, $0x469, v29;
	v30 =	vsel vm9, $0x489, v30  }
0x59: {  	v31 =	vsel vm9, $0x4A9, v31;
	v32 =	vsel vm9, $0x4C9, v32;
	v33 =	vsel vm9, $0x4E9, v33  }
0x5a: {  	v34 =	vsel vm9, $0x10D, v34;
	v35 =	vsel vm9, $0x12D, v35;
	v36 =	vsel vm9, $0x18D, v36  }
0x5b: {  	v0 =	vsel vm8, $0x10A, v0;
	v4 =	vsel vm8, $0x14A, v4;
	v5 =	vsel vm8, $0x16A, v5  }
0x5c: {  	v6 =	vsel vm8, $0x18A, v6;
	v7 =	vsel vm8, $0x1AA, v7;
	v8 =	vsel vm8, $0x1CA, v8  }
0x5d: {  	v9 =	vsel vm8, $0x1EA, v9;
	v10 =	vsel vm8, $0x20A, v10;
	v11 =	vsel vm8, $0x22A, v11  }
0x5e: {  	v12 =	vsel vm8, $0x24A, v12;
	v13 =	vsel vm8, $0x26A, v13;
	v14 =	vsel vm8, $0x28A, v14  }
0x5f: {  	v15 =	vsel vm8, $0x2AA, v15;
	v16 =	vsel vm8, $0x2CA, v16;
	v17 =	vsel vm8, $0x2EA, v17  }
0x60: {  	v18 =	vsel vm8, $0x30A, v18;
	v19 =	vsel vm8, $0x32A, v19;
	v20 =	vsel vm8, $0x34A, v20  }
0x61: {  	v21 =	vsel vm8, $0x36A, v21;
	v22 =	vsel vm8, $0x38A, v22;
	v23 =	vsel vm8, $0x3AA, v23  }
0x62: {  	v24 =	vsel vm8, $0x3CA, v24;
	v25 =	vsel vm8, $0x3EA, v25;
	v26 =	vsel vm8, $0x40A, v26  }
0x63: {  	v27 =	vsel vm8, $0x42A, v27;
	v28 =	vsel vm8, $0x44A, v28;
	v29 =	vsel vm8, $0x46A, v29  }
0x64: {  	v30 =	vsel vm8, $0x48A, v30;
	v31 =	vsel vm8, $0x4AA, v31;
	v32 =	vsel vm8, $0x4CA, v32  }
0x65: {  	v33 =	vsel vm8, $0x4EA, v33;
	v34 =	vsel vm8, $0x10E, v34;
	v35 =	vsel vm8, $0x12E, v35  }
0x66: {  	v36 =	vsel vm8, $0x18E, v36;
	v0 =	vsel vm7, $0x10B, v0;
	v4 =	vsel vm7, $0x14B, v4  }
0x67: {  	v5 =	vsel vm7, $0x16B, v5;
	v6 =	vsel vm7, $0x18B, v6;
	v7 =	vsel vm7, $0x1AB, v7  }
0x68: {  	v8 =	vsel vm7, $0x1CB, v8;
	v9 =	vsel vm7, $0x1EB, v9;
	v10 =	vsel vm7, $0x20B, v10  }
0x69: {  	v11 =	vsel vm7, $0x22B, v11;
	v12 =	vsel vm7, $0x24B, v12;
	v13 =	vsel vm7, $0x26B, v13  }
0x6a: {  	v14 =	vsel vm7, $0x28B, v14;
	v15 =	vsel vm7, $0x2AB, v15;
	v16 =	vsel vm7, $0x2CB, v16  }
0x6b: {  	v17 =	vsel vm7, $0x2EB, v17;
	v18 =	vsel vm7, $0x30B, v18;
	v19 =	vsel vm7, $0x32B, v19  }
0x6c: {  	v20 =	vsel vm7, $0x34B, v20;
	v21 =	vsel vm7, $0x36B, v21;
	v22 =	vsel vm7, $0x38B, v22  }
0x6d: {  	v23 =	vsel vm7, $0x3AB, v23;
	v24 =	vsel vm7, $0x3CB, v24;
	v25 =	vsel vm7, $0x3EB, v25  }
0x6e: {  	v26 =	vsel vm7, $0x40B, v26;
	v27 =	vsel vm7, $0x42B, v27;
	v28 =	vsel vm7, $0x44B, v28  }
0x6f: {  	v29 =	vsel vm7, $0x46B, v29;
	v30 =	vsel vm7, $0x48B, v30;
	v31 =	vsel vm7, $0x4AB, v31  }
0x70: {  	v32 =	vsel vm7, $0x4CB, v32;
	v33 =	vsel vm7, $0x4EB, v33;
	v34 =	vsel vm7, $0x10F, v34  }
0x71: {  	v35 =	vsel vm7, $0x12F, v35;
	v36 =	vsel vm7, $0x18F, v36;
	v0 =	vsel vm6, $0x110, v0  }
0x72: {  	v4 =	vsel vm6, $0x150, v4;
	v5 =	vsel vm6, $0x170, v5;
	v6 =	vsel vm6, $0x190, v6  }
0x73: {  	v7 =	vsel vm6, $0x1B0, v7;
	v8 =	vsel vm6, $0x1D0, v8;
	v9 =	vsel vm6, $0x1F0, v9  }
0x74: {  	v10 =	vsel vm6, $0x210, v10;
	v11 =	vsel vm6, $0x230, v11;
	v12 =	vsel vm6, $0x250, v12  }
0x75: {  	v13 =	vsel vm6, $0x270, v13;
	v14 =	vsel vm6, $0x290, v14;
	v15 =	vsel vm6, $0x2B0, v15  }
0x76: {  	v16 =	vsel vm6, $0x2D0, v16;
	v17 =	vsel vm6, $0x2F0, v17;
	v18 =	vsel vm6, $0x310, v18  }
0x77: {  	v19 =	vsel vm6, $0x330, v19;
	v20 =	vsel vm6, $0x350, v20;
	v21 =	vsel vm6, $0x370, v21  }
0x78: {  	v22 =	vsel vm6, $0x390, v22;
	v23 =	vsel vm6, $0x3B0, v23;
	v24 =	vsel vm6, $0x3D0, v24  }
0x79: {  	v25 =	vsel vm6, $0x3F0, v25;
	v26 =	vsel vm6, $0x410, v26;
	v27 =	vsel vm6, $0x430, v27  }
0x7a: {  	v28 =	vsel vm6, $0x450, v28;
	v29 =	vsel vm6, $0x470, v29;
	v30 =	vsel vm6, $0x490, v30  }
0x7b: {  	v31 =	vsel vm6, $0x4B0, v31;
	v32 =	vsel vm6, $0x4D0, v32;
	v33 =	vsel vm6, $0x4F0, v33  }
0x7c: {  	v34 =	vsel vm6, $0x114, v34;
	v35 =	vsel vm6, $0x134, v35;
	v36 =	vsel vm6, $0x194, v36  }
0x7d: {  	v0 =	vsel vm5, $0x111, v0;
	v4 =	vsel vm5, $0x151, v4;
	v5 =	vsel vm5, $0x171, v5  }
0x7e: {  	v6 =	vsel vm5, $0x191, v6;
	v7 =	vsel vm5, $0x1B1, v7;
	v8 =	vsel vm5, $0x1D1, v8  }
0x7f: {  	v9 =	vsel vm5, $0x1F1, v9;
	v10 =	vsel vm5, $0x211, v10;
	v11 =	vsel vm5, $0x231, v11  }
0x80: {  	v12 =	vsel vm5, $0x251, v12;
	v13 =	vsel vm5, $0x271, v13;
	v14 =	vsel vm5, $0x291, v14  }
0x81: {  	v15 =	vsel vm5, $0x2B1, v15;
	v16 =	vsel vm5, $0x2D1, v16;
	v17 =	vsel vm5, $0x2F1, v17  }
0x82: {  	v18 =	vsel vm5, $0x311, v18;
	v19 =	vsel vm5, $0x331, v19;
	v20 =	vsel vm5, $0x351, v20  }
0x83: {  	v21 =	vsel vm5, $0x371, v21;
	v22 =	vsel vm5, $0x391, v22;
	v23 =	vsel vm5, $0x3B1, v23  }
0x84: {  	v24 =	vsel vm5, $0x3D1, v24;
	v25 =	vsel vm5, $0x3F1, v25;
	v26 =	vsel vm5, $0x411, v26  }
0x85: {  	v27 =	vsel vm5, $0x431, v27;
	v28 =	vsel vm5, $0x451, v28;
	v29 =	vsel vm5, $0x471, v29  }
0x86: {  	v30 =	vsel vm5, $0x491, v30;
	v31 =	vsel vm5, $0x4B1, v31;
	v32 =	vsel vm5, $0x4D1, v32  }
0x87: {  	v33 =	vsel vm5, $0x4F1, v33;
	v34 =	vsel vm5, $0x115, v34;
	v35 =	vsel vm5, $0x135, v35  }
0x88: {  	v36 =	vsel vm5, $0x195, v36;
	v0 =	vsel vm4, $0x112, v0;
	v4 =	vsel vm4, $0x152, v4  }
0x89: {  	v5 =	vsel vm4, $0x172, v5;
	v6 =	vsel vm4, $0x192, v6;
	v7 =	vsel vm4, $0x1B2, v7  }
0x8a: {  	v8 =	vsel vm4, $0x1D2, v8;
	v9 =	vsel vm4, $0x1F2, v9;
	v10 =	vsel vm4, $0x212, v10  }
0x8b: {  	v11 =	vsel vm4, $0x232, v11;
	v12 =	vsel vm4, $0x252, v12;
	v13 =	vsel vm4, $0x272, v13  }
0x8c: {  	v14 =	vsel vm4, $0x292, v14;
	v15 =	vsel vm4, $0x2B2, v15;
	v16 =	vsel vm4, $0x2D2, v16  }
0x8d: {  	v17 =	vsel vm4, $0x2F2, v17;
	v18 =	vsel vm4, $0x312, v18;
	v19 =	vsel vm4, $0x332, v19  }
0x8e: {  	v20 =	vsel vm4, $0x352, v20;
	v21 =	vsel vm4, $0x372, v21;
	v22 =	vsel vm4, $0x392, v22  }
0x8f: {  	v23 =	vsel vm4, $0x3B2, v23;
	v24 =	vsel vm4, $0x3D2, v24;
	v25 =	vsel vm4, $0x3F2, v25  }
0x90: {  	v26 =	vsel vm4, $0x412, v26;
	v27 =	vsel vm4, $0x432, v27;
	v28 =	vsel vm4, $0x452, v28  }
0x91: {  	v29 =	vsel vm4, $0x472, v29;
	v30 =	vsel vm4, $0x492, v30;
	v31 =	vsel vm4, $0x4B2, v31  }
0x92: {  	v32 =	vsel vm4, $0x4D2, v32;
	v33 =	vsel vm4, $0x4F2, v33;
	v34 =	vsel vm4, $0x116, v34  }
0x93: {  	v35 =	vsel vm4, $0x136, v35;
	v36 =	vsel vm4, $0x196, v36;
	v0 =	vsel vm3, $0x113, v0  }
0x94: {  	v4 =	vsel vm3, $0x153, v4;
	v5 =	vsel vm3, $0x173, v5;
	v6 =	vsel vm3, $0x193, v6  }
0x95: {  	v7 =	vsel vm3, $0x1B3, v7;
	v8 =	vsel vm3, $0x1D3, v8;
	v9 =	vsel vm3, $0x1F3, v9  }
0x96: {  	v10 =	vsel vm3, $0x213, v10;
	v11 =	vsel vm3, $0x233, v11;
	v12 =	vsel vm3, $0x253, v12  }
0x97: {  	v13 =	vsel vm3, $0x273, v13;
	v14 =	vsel vm3, $0x293, v14;
	v15 =	vsel vm3, $0x2B3, v15  }
0x98: {  	v16 =	vsel vm3, $0x2D3, v16;
	v17 =	vsel vm3, $0x2F3, v17;
	v18 =	vsel vm3, $0x313, v18  }
0x99: {  	v19 =	vsel vm3, $0x333, v19;
	v20 =	vsel vm3, $0x353, v20;
	v21 =	vsel vm3, $0x373, v21  }
0x9a: {  	v22 =	vsel vm3, $0x393, v22;
	v23 =	vsel vm3, $0x3B3, v23;
	v24 =	vsel vm3, $0x3D3, v24  }
0x9b: {  	v25 =	vsel vm3, $0x3F3, v25;
	v26 =	vsel vm3, $0x413, v26;
	v27 =	vsel vm3, $0x433, v27  }
0x9c: {  	v28 =	vsel vm3, $0x453, v28;
	v29 =	vsel vm3, $0x473, v29;
	v30 =	vsel vm3, $0x493, v30  }
0x9d: {  	v31 =	vsel vm3, $0x4B3, v31;
	v32 =	vsel vm3, $0x4D3, v32;
	v33 =	vsel vm3, $0x4F3, v33  }
0x9e: {  	v34 =	vsel vm3, $0x117, v34;
	v35 =	vsel vm3, $0x137, v35;
	v36 =	vsel vm3, $0x197, v36  }
0x9f: {  	v3 =	vsel vm2, $0x118, v0;
	v0 =	vmul.u32 $0x8, v2;
	v4 =	vsel vm2, $0x158, v4  }
0xa0: {  	v5 =	vsel vm2, $0x178, v5;
	v6 =	vsel vm2, $0x198, v6;
	v7 =	vsel vm2, $0x1B8, v7  }
0xa1: {  	v8 =	vsel vm2, $0x1D8, v8;
	v9 =	vsel vm2, $0x1F8, v9;
	v10 =	vsel vm2, $0x218, v10  }
0xa2: {  	v11 =	vsel vm2, $0x238, v11;
	v12 =	vsel vm2, $0x258, v12;
	v13 =	vsel vm2, $0x278, v13  }
0xa3: {  	v14 =	vsel vm2, $0x298, v14;
	v15 =	vsel vm2, $0x2B8, v15;
	v16 =	vsel vm2, $0x2D8, v16  }
0xa4: {  	v17 =	vsel vm2, $0x2F8, v17;
	v18 =	vsel vm2, $0x318, v18;
	v19 =	vsel vm2, $0x338, v19  }
0xa5: {  	v20 =	vsel vm2, $0x358, v20;
	v21 =	vsel vm2, $0x378, v21;
	v22 =	vsel vm2, $0x398, v22  }
0xa6: {  	v23 =	vsel vm2, $0x3B8, v23;
	v24 =	vsel vm2, $0x3D8, v24;
	v25 =	vsel vm2, $0x3F8, v25  }
0xa7: {  	v26 =	vsel vm2, $0x418, v26;
	v27 =	vsel vm2, $0x438, v27;
	v28 =	vsel vm2, $0x458, v28  }
0xa8: {  	v29 =	vsel vm2, $0x478, v29;
	v30 =	vsel vm2, $0x498, v30;
	v31 =	vsel vm2, $0x4B8, v31  }
0xa9: {  	v32 =	vsel vm2, $0x4D8, v32;
	v33 =	vsel vm2, $0x4F8, v33;
	v34 =	vsel vm2, $0x11C, v34  }
0xaa: {  	v35 =	vsel vm2, $0x13C, v35;
	v36 =	vsel vm2, $0x19C, v36;
	v2 =	vsel vm0, $0x119, v3  }
0xab: {  	v3 =	vimm.s32 $0x13B;
	v4 =	vsel vm0, $0x159, v4;
	v5 =	vsel vm0, $0x179, v5  }
0xac: {  	v6 =	vsel vm0, $0x199, v6;
	v7 =	vsel vm0, $0x1B9, v7;
	v8 =	vsel vm0, $0x1D9, v8  }
0xad: {  	v9 =	vsel vm0, $0x1F9, v9;
	v10 =	vsel vm0, $0x219, v10;
	v11 =	vsel vm0, $0x239, v11  }
0xae: {  	v12 =	vsel vm0, $0x259, v12;
	v13 =	vsel vm0, $0x279, v13;
	v14 =	vsel vm0, $0x299, v14  }
0xaf: {  	v15 =	vsel vm0, $0x2B9, v15;
	v16 =	vsel vm0, $0x2D9, v16;
	v17 =	vsel vm0, $0x2F9, v17  }
0xb0: {  	v18 =	vsel vm0, $0x319, v18;
	v19 =	vsel vm0, $0x339, v19;
	v20 =	vsel vm0, $0x359, v20  }
0xb1: {  	v21 =	vsel vm0, $0x379, v21;
	v22 =	vsel vm0, $0x399, v22;
	v23 =	vsel vm0, $0x3B9, v23  }
0xb2: {  	v24 =	vsel vm0, $0x3D9, v24;
	v25 =	vsel vm0, $0x3F9, v25;
	v26 =	vsel vm0, $0x419, v26  }
0xb3: {  	v27 =	vsel vm0, $0x439, v27;
	v28 =	vsel vm0, $0x459, v28;
	v29 =	vsel vm0, $0x479, v29  }
0xb4: {  	v30 =	vsel vm0, $0x499, v30;
	v31 =	vsel vm0, $0x4B9, v31;
	v32 =	vsel vm0, $0x4D9, v32  }
0xb5: {  	v33 =	vsel vm0, $0x4F9, v33;
	v34 =	vsel vm0, $0x11D, v34;
	v35 =	vsel vm0, $0x13D, v35  }
0xb6: {  	v59 =	vsel vm0, $0x19D, v36;
	v36 =	vsel vm14, $0x1E4, v63;
	v63 =	vimm.s32 $0x3DF  }
0xb7: {  	v2 =	vsel vm1, $0x11A, v2;
	v3 =	vsel vm14, $0x120, v3;
	v4 =	vsel vm1, $0x15A, v4  }
0xb8: {  	v5 =	vsel vm1, $0x17A, v5;
	v6 =	vsel vm1, $0x19A, v6;
	v7 =	vsel vm1, $0x1BA, v7  }
0xb9: {  	v8 =	vsel vm1, $0x1DA, v8;
	v9 =	vsel vm1, $0x1FA, v9;
	v10 =	vsel vm1, $0x21A, v10  }
0xba: {  	v11 =	vsel vm1, $0x23A, v11;
	v12 =	vsel vm1, $0x25A, v12;
	v13 =	vsel vm1, $0x27A, v13  }
0xbb: {  	v14 =	vsel vm1, $0x29A, v14;
	v15 =	vsel vm1, $0x2BA, v15;
	v16 =	vsel vm1, $0x2DA, v16  }
0xbc: {  	v17 =	vsel vm1, $0x2FA, v17;
	v18 =	vsel vm1, $0x31A, v18;
	v19 =	vsel vm1, $0x33A, v19  }
0xbd: {  	v20 =	vsel vm1, $0x35A, v20;
	v21 =	vsel vm1, $0x37A, v21;
	v22 =	vsel vm1, $0x39A, v22  }
0xbe: {  	v23 =	vsel vm1, $0x3BA, v23;
	v24 =	vsel vm1, $0x3DA, v24;
	v25 =	vsel vm1, $0x3FA, v25  }
0xbf: {  	v26 =	vsel vm1, $0x41A, v26;
	v27 =	vsel vm1, $0x43A, v27;
	v28 =	vsel vm1, $0x45A, v28  }
0xc0: {  	v29 =	vsel vm1, $0x47A, v29;
	v30 =	vsel vm1, $0x49A, v30;
	v31 =	vsel vm1, $0x4BA, v31  }
0xc1: {  	v32 =	vsel vm1, $0x4DA, v32;
	v33 =	vsel vm1, $0x4FA, v33;
	v34 =	vsel vm1, $0x11E, v34  }
0xc2: {  	v55 =	vsel vm1, $0x13E, v35;
	v35 =	vsel vm14, $0x164, v57;
	v60 =	vsel vm1, $0x19E, v59  }
0xc3: {  	v36 =	vsel vm13, $0x1E5, v36;
	v57 =	vimm.s32 $0x35F;
	v3 =	vsel vm13, $0x121, v3  }
0xc4: {  	[tilespmem:$0x1FFA0] =	vst v34;
	v34 =	vsel vm14, $0x144, v56;
	v35 =	vsel vm13, $0x165, v35;
	v36 =	vsel vm12, $0x1E6, v36  }
0xc5: {  	v56 =	vimm.s32 $0x33F;
	v3 =	vsel vm12, $0x122, v3;
	v34 =	vsel vm13, $0x145, v34  }
0xc6: {  	v35 =	vsel vm12, $0x166, v35;
	v36 =	vsel vm11, $0x1E7, v36;
	v3 =	vsel vm11, $0x123, v3  }
0xc7: {  	v34 =	vsel vm12, $0x146, v34;
	v35 =	vsel vm11, $0x167, v35;
	v36 =	vsel vm10, $0x1EC, v36  }
0xc8: {  	v3 =	vsel vm10, $0x128, v3;
	v34 =	vsel vm11, $0x147, v34;
	v35 =	vsel vm10, $0x16C, v35  }
0xc9: {  	v36 =	vsel vm9, $0x1ED, v36;
	v3 =	vsel vm9, $0x129, v3;
	v34 =	vsel vm10, $0x14C, v34  }
0xca: {  	v35 =	vsel vm9, $0x16D, v35;
	v36 =	vsel vm8, $0x1EE, v36;
	v3 =	vsel vm8, $0x12A, v3  }
0xcb: {  	v34 =	vsel vm9, $0x14D, v34;
	v35 =	vsel vm8, $0x16E, v35;
	v36 =	vsel vm7, $0x1EF, v36  }
0xcc: {  	v3 =	vsel vm7, $0x12B, v3;
	v34 =	vsel vm8, $0x14E, v34;
	v35 =	vsel vm7, $0x16F, v35  }
0xcd: {  	v36 =	vsel vm6, $0x1F4, v36;
	v3 =	vsel vm6, $0x130, v3;
	v34 =	vsel vm7, $0x14F, v34  }
0xce: {  	v35 =	vsel vm6, $0x174, v35;
	v36 =	vsel vm5, $0x1F5, v36;
	v3 =	vsel vm5, $0x131, v3  }
0xcf: {  	v34 =	vsel vm6, $0x154, v34;
	v35 =	vsel vm5, $0x175, v35;
	v36 =	vsel vm4, $0x1F6, v36  }
0xd0: {  	v3 =	vsel vm4, $0x132, v3;
	v34 =	vsel vm5, $0x155, v34;
	v35 =	vsel vm4, $0x176, v35  }
0xd1: {  	v36 =	vsel vm3, $0x1F7, v36;
	v3 =	vsel vm3, $0x133, v3;
	v34 =	vsel vm4, $0x156, v34  }
0xd2: {  	v35 =	vsel vm3, $0x177, v35;
	v36 =	vsel vm2, $0x1FC, v36;
	v3 =	vsel vm2, $0x138, v3  }
0xd3: {  	v34 =	vsel vm3, $0x157, v34;
	v35 =	vsel vm2, $0x17C, v35;
	v38 =	vsel vm0, $0x1FD, v36  }
0xd4: {  	v36 =	vsel vm14, $0x244, v43;
	v3 =	vsel vm0, $0x139, v3;
	v34 =	vsel vm2, $0x15C, v34  }
0xd5: {  	v58 =	vsel vm0, $0x17D, v35;
	v35 =	vsel vm14, $0x1C4, v62;
	v41 =	vsel vm1, $0x1FE, v38  }
0xd6: {  	v36 =	vsel vm13, $0x245, v36;
	v62 =	vimm.s32 $0x3BF;
	v3 =	vsel vm1, $0x13A, v3  }
0xd7: {  	v34 =	vsel vm0, $0x15D, v34;
	v35 =	vsel vm13, $0x1C5, v35;
	v36 =	vsel vm12, $0x246, v36  }
0xd8: {  	v34 =	vsel vm1, $0x15E, v34;
	v35 =	vsel vm12, $0x1C6, v35;
	v36 =	vsel vm11, $0x247, v36  }
0xd9: {  	[tilespmem:$0x1FFC0] =	vst v34;
	v34 =	vsel vm1, $0x17E, v58;
	v35 =	vsel vm11, $0x1C7, v35;
	v36 =	vsel vm10, $0x24C, v36  }
0xda: {  	v58 =	vimm.s32 $0x37F;
	[tilespmem:$0x1FFD0] =	vst v34;
	v34 =	vsel vm14, $0x1A4, v61;
	v35 =	vsel vm10, $0x1CC, v35  }
0xdb: {  	v36 =	vsel vm9, $0x24D, v36;
	v61 =	vimm.s32 $0x39F;
	v34 =	vsel vm13, $0x1A5, v34  }
0xdc: {  	v35 =	vsel vm9, $0x1CD, v35;
	v36 =	vsel vm8, $0x24E, v36;
	v34 =	vsel vm12, $0x1A6, v34  }
0xdd: {  	v35 =	vsel vm8, $0x1CE, v35;
	v36 =	vsel vm7, $0x24F, v36;
	v34 =	vsel vm11, $0x1A7, v34  }
0xde: {  	v35 =	vsel vm7, $0x1CF, v35;
	v36 =	vsel vm6, $0x254, v36;
	v34 =	vsel vm10, $0x1AC, v34  }
0xdf: {  	v35 =	vsel vm6, $0x1D4, v35;
	v36 =	vsel vm5, $0x255, v36;
	v34 =	vsel vm9, $0x1AD, v34  }
0xe0: {  	v35 =	vsel vm5, $0x1D5, v35;
	v36 =	vsel vm4, $0x256, v36;
	v34 =	vsel vm8, $0x1AE, v34  }
0xe1: {  	v35 =	vsel vm4, $0x1D6, v35;
	v36 =	vsel vm3, $0x257, v36;
	v34 =	vsel vm7, $0x1AF, v34  }
0xe2: {  	v35 =	vsel vm3, $0x1D7, v35;
	v36 =	vsel vm2, $0x25C, v36;
	v34 =	vsel vm6, $0x1B4, v34  }
0xe3: {  	v35 =	vsel vm2, $0x1DC, v35;
	v45 =	vsel vm0, $0x25D, v36;
	v36 =	vsel vm14, $0x2A4, v48  }
0xe4: {  	v34 =	vsel vm5, $0x1B5, v34;
	v37 =	vsel vm0, $0x1DD, v35;
	v35 =	vsel vm14, $0x224, v42  }
0xe5: {  	v36 =	vsel vm13, $0x2A5, v36;
	v34 =	vsel vm4, $0x1B6, v34;
	v40 =	vsel vm1, $0x1DE, v37  }
0xe6: {  	v35 =	vsel vm13, $0x225, v35;
	v36 =	vsel vm12, $0x2A6, v36;
	v34 =	vsel vm3, $0x1B7, v34  }
0xe7: {  	v35 =	vsel vm12, $0x226, v35;
	v36 =	vsel vm11, $0x2A7, v36;
	v34 =	vsel vm2, $0x1BC, v34  }
0xe8: {  	v35 =	vsel vm11, $0x227, v35;
	v36 =	vsel vm10, $0x2AC, v36;
	v34 =	vsel vm0, $0x1BD, v34  }
0xe9: {  	v35 =	vsel vm10, $0x22C, v35;
	v36 =	vsel vm9, $0x2AD, v36;
	v34 =	vsel vm1, $0x1BE, v34  }
0xea: {  	v35 =	vsel vm9, $0x22D, v35;
	v36 =	vsel vm8, $0x2AE, v36;
	[tilespmem:$0x1FFF0] =	vst v34;
	v34 =	vsel vm14, $0x204, v39  }
0xeb: {  	v35 =	vsel vm8, $0x22E, v35;
	v36 =	vsel vm7, $0x2AF, v36;
	v39 =	vimm.s32 $0x3FF  }
0xec: {  	v34 =	vsel vm13, $0x205, v34;
	v35 =	vsel vm7, $0x22F, v35;
	v36 =	vsel vm6, $0x2B4, v36  }
0xed: {  	v34 =	vsel vm12, $0x206, v34;
	v35 =	vsel vm6, $0x234, v35;
	v36 =	vsel vm5, $0x2B5, v36  }
0xee: {  	v34 =	vsel vm11, $0x207, v34;
	v35 =	vsel vm5, $0x235, v35;
	v36 =	vsel vm4, $0x2B6, v36  }
0xef: {  	v34 =	vsel vm10, $0x20C, v34;
	v35 =	vsel vm4, $0x236, v35;
	v36 =	vsel vm3, $0x2B7, v36  }
0xf0: {  	v34 =	vsel vm9, $0x20D, v34;
	v35 =	vsel vm3, $0x237, v35;
	v36 =	vsel vm2, $0x2BC, v36  }
0xf1: {  	v34 =	vsel vm8, $0x20E, v34;
	v35 =	vsel vm2, $0x23C, v35;
	v50 =	vsel vm0, $0x2BD, v36  }
0xf2: {  	v36 =	vsel vm14, $0x304, v53;
	v34 =	vsel vm7, $0x20F, v34;
	v44 =	vsel vm0, $0x23D, v35  }
0xf3: {  	v35 =	vsel vm14, $0x284, v47;
	v47 =	vsel vm1, $0x2BE, v50;
	v36 =	vsel vm13, $0x305, v36  }
0xf4: {  	v34 =	vsel vm6, $0x214, v34;
	v43 =	vsel vm1, $0x23E, v44;
	v44 =	vsel vm1, $0x25E, v45  }
0xf5: {  	v35 =	vsel vm13, $0x285, v35;
	v36 =	vsel vm12, $0x306, v36;
	v34 =	vsel vm5, $0x215, v34  }
0xf6: {  	v35 =	vsel vm12, $0x286, v35;
	v36 =	vsel vm11, $0x307, v36;
	v34 =	vsel vm4, $0x216, v34  }
0xf7: {  	v35 =	vsel vm11, $0x287, v35;
	v36 =	vsel vm10, $0x30C, v36;
	v34 =	vsel vm3, $0x217, v34  }
0xf8: {  	v35 =	vsel vm10, $0x28C, v35;
	v36 =	vsel vm9, $0x30D, v36;
	v34 =	vsel vm2, $0x21C, v34  }
0xf9: {  	v35 =	vsel vm9, $0x28D, v35;
	v36 =	vsel vm8, $0x30E, v36;
	v34 =	vsel vm0, $0x21D, v34  }
0xfa: {  	v35 =	vsel vm8, $0x28E, v35;
	v42 =	vsel vm1, $0x21E, v34;
	v34 =	vsel vm14, $0x264, v46  }
0xfb: {  	v36 =	vsel vm7, $0x30F, v36;
	v35 =	vsel vm7, $0x28F, v35;
	v34 =	vsel vm13, $0x265, v34  }
0xfc: {  	v36 =	vsel vm6, $0x314, v36;
	v35 =	vsel vm6, $0x294, v35;
	v34 =	vsel vm12, $0x266, v34  }
0xfd: {  	v36 =	vsel vm5, $0x315, v36;
	v35 =	vsel vm5, $0x295, v35;
	v34 =	vsel vm11, $0x267, v34  }
0xfe: {  	v36 =	vsel vm4, $0x316, v36;
	v35 =	vsel vm4, $0x296, v35;
	v34 =	vsel vm10, $0x26C, v34  }
0xff: {  	v36 =	vsel vm3, $0x317, v36;
	v35 =	vsel vm3, $0x297, v35;
	v34 =	vsel vm9, $0x26D, v34  }
0x100: {  	v36 =	vsel vm2, $0x31C, v36;
	v35 =	vsel vm2, $0x29C, v35;
	v34 =	vsel vm8, $0x26E, v34  }
0x101: {  	[tilespmem:$0x1FFB0] =	vst v55;
	v55 =	vsel vm0, $0x31D, v36;
	v36 =	vsel vm14, $0x364, v58;
	v34 =	vsel vm7, $0x26F, v34  }
0x102: {  	v58 =	vimm.s32 $0x43F;
	v49 =	vsel vm0, $0x29D, v35;
	v34 =	vsel vm6, $0x274, v34  }
0x103: {  	v35 =	vsel vm14, $0x2E4, v52;
	v50 =	vsel vm1, $0x31E, v55;
	v34 =	vsel vm5, $0x275, v34  }
0x104: {  	v36 =	vsel vm13, $0x365, v36;
	v46 =	vsel vm1, $0x29E, v49;
	v34 =	vsel vm4, $0x276, v34  }
0x105: {  	v35 =	vsel vm13, $0x2E5, v35;
	v36 =	vsel vm12, $0x366, v36;
	v34 =	vsel vm3, $0x277, v34  }
0x106: {  	v35 =	vsel vm12, $0x2E6, v35;
	v36 =	vsel vm11, $0x367, v36;
	v34 =	vsel vm2, $0x27C, v34  }
0x107: {  	v35 =	vsel vm11, $0x2E7, v35;
	v36 =	vsel vm10, $0x36C, v36;
	v34 =	vsel vm0, $0x27D, v34  }
0x108: {  	v35 =	vsel vm10, $0x2EC, v35;
	v45 =	vsel vm1, $0x27E, v34;
	v34 =	vsel vm14, $0x2C4, v51  }
0x109: {  	v36 =	vsel vm9, $0x36D, v36;
	v35 =	vsel vm9, $0x2ED, v35;
	v34 =	vsel vm13, $0x2C5, v34  }
0x10a: {  	v36 =	vsel vm8, $0x36E, v36;
	v35 =	vsel vm8, $0x2EE, v35;
	v34 =	vsel vm12, $0x2C6, v34  }
0x10b: {  	v36 =	vsel vm7, $0x36F, v36;
	v35 =	vsel vm7, $0x2EF, v35;
	v34 =	vsel vm11, $0x2C7, v34  }
0x10c: {  	v36 =	vsel vm6, $0x374, v36;
	v35 =	vsel vm6, $0x2F4, v35;
	v34 =	vsel vm10, $0x2CC, v34  }
0x10d: {  	v36 =	vsel vm5, $0x375, v36;
	v35 =	vsel vm5, $0x2F5, v35;
	v34 =	vsel vm9, $0x2CD, v34  }
0x10e: {  	v36 =	vsel vm4, $0x376, v36;
	v35 =	vsel vm4, $0x2F6, v35;
	v34 =	vsel vm8, $0x2CE, v34  }
0x10f: {  	v36 =	vsel vm3, $0x377, v36;
	v35 =	vsel vm3, $0x2F7, v35;
	v34 =	vsel vm7, $0x2CF, v34  }
0x110: {  	v36 =	vsel vm2, $0x37C, v36;
	v35 =	vsel vm2, $0x2FC, v35;
	v34 =	vsel vm6, $0x2D4, v34  }
0x111: {  	[tilespmem:$0x1FFE0] =	vst v60;
	v60 =	vsel vm0, $0x37D, v36;
	v36 =	vsel vm14, $0x3C4, v63;
	v34 =	vsel vm5, $0x2D5, v34  }
0x112: {  	v63 =	vimm.s32 $0x49F;
	v54 =	vsel vm0, $0x2FD, v35;
	v34 =	vsel vm4, $0x2D6, v34  }
0x113: {  	v35 =	vsel vm14, $0x344, v57;
	v53 =	vsel vm1, $0x37E, v60;
	v34 =	vsel vm3, $0x2D7, v34  }
0x114: {  	v36 =	vsel vm13, $0x3C5, v36;
	v57 =	vimm.s32 $0x41F;
	v34 =	vsel vm2, $0x2DC, v34  }
0x115: {  	v49 =	vsel vm1, $0x2FE, v54;
	v35 =	vsel vm13, $0x345, v35;
	v34 =	vsel vm0, $0x2DD, v34  }
0x116: {  	v36 =	vsel vm12, $0x3C6, v36;
	v48 =	vsel vm1, $0x2DE, v34;
	v34 =	vsel vm14, $0x324, v56  }
0x117: {  	v35 =	vsel vm12, $0x346, v35;
	v36 =	vsel vm11, $0x3C7, v36;
	v34 =	vsel vm13, $0x325, v34  }
0x118: {  	v35 =	vsel vm11, $0x347, v35;
	v36 =	vsel vm10, $0x3CC, v36;
	v34 =	vsel vm12, $0x326, v34  }
0x119: {  	v35 =	vsel vm10, $0x34C, v35;
	v36 =	vsel vm9, $0x3CD, v36;
	v34 =	vsel vm11, $0x327, v34  }
0x11a: {  	v35 =	vsel vm9, $0x34D, v35;
	v36 =	vsel vm8, $0x3CE, v36;
	v34 =	vsel vm10, $0x32C, v34  }
0x11b: {  	v35 =	vsel vm8, $0x34E, v35;
	v36 =	vsel vm7, $0x3CF, v36;
	v34 =	vsel vm9, $0x32D, v34  }
0x11c: {  	v35 =	vsel vm7, $0x34F, v35;
	v36 =	vsel vm6, $0x3D4, v36;
	v34 =	vsel vm8, $0x32E, v34  }
0x11d: {  	v35 =	vsel vm6, $0x354, v35;
	v36 =	vsel vm5, $0x3D5, v36;
	v34 =	vsel vm7, $0x32F, v34  }
0x11e: {  	v35 =	vsel vm5, $0x355, v35;
	v36 =	vsel vm4, $0x3D6, v36;
	v34 =	vsel vm6, $0x334, v34  }
0x11f: {  	v35 =	vsel vm4, $0x356, v35;
	v36 =	vsel vm3, $0x3D7, v36;
	v34 =	vsel vm5, $0x335, v34  }
0x120: {  	v35 =	vsel vm3, $0x357, v35;
	v36 =	vsel vm2, $0x3DC, v36;
	v34 =	vsel vm4, $0x336, v34  }
0x121: {  	v35 =	vsel vm2, $0x35C, v35;
	v38 =	vsel vm0, $0x3DD, v36;
	v34 =	vsel vm3, $0x337, v34  }
0x122: {  	v36 =	vsel vm14, $0x424, v58;
	v59 =	vsel vm0, $0x35D, v35;
	v34 =	vsel vm2, $0x33C, v34  }
0x123: {  	v35 =	vsel vm14, $0x3A4, v62;
	v56 =	vsel vm1, $0x3DE, v38;
	v34 =	vsel vm0, $0x33D, v34  }
0x124: {  	v36 =	vsel vm13, $0x425, v36;
	v51 =	vsel vm1, $0x33E, v34;
	v34 =	vsel vm14, $0x384, v61  }
0x125: {  	v62 =	vimm.s32 $0x47F;
	v35 =	vsel vm13, $0x3A5, v35;
	v34 =	vsel vm13, $0x385, v34  }
0x126: {  	v52 =	vsel vm1, $0x35E, v59;
	v35 =	vsel vm12, $0x3A6, v35;
	v34 =	vsel vm12, $0x386, v34  }
0x127: {  	v36 =	vsel vm12, $0x426, v36;
	v35 =	vsel vm11, $0x3A7, v35;
	v34 =	vsel vm11, $0x387, v34  }
0x128: {  	v36 =	vsel vm11, $0x427, v36;
	v35 =	vsel vm10, $0x3AC, v35;
	v34 =	vsel vm10, $0x38C, v34  }
0x129: {  	v36 =	vsel vm10, $0x42C, v36;
	v35 =	vsel vm9, $0x3AD, v35;
	v34 =	vsel vm9, $0x38D, v34  }
0x12a: {  	v36 =	vsel vm9, $0x42D, v36;
	v35 =	vsel vm8, $0x3AE, v35;
	v34 =	vsel vm8, $0x38E, v34  }
0x12b: {  	v36 =	vsel vm8, $0x42E, v36;
	v35 =	vsel vm7, $0x3AF, v35;
	v34 =	vsel vm7, $0x38F, v34  }
0x12c: {  	v36 =	vsel vm7, $0x42F, v36;
	v35 =	vsel vm6, $0x3B4, v35;
	v34 =	vsel vm6, $0x394, v34  }
0x12d: {  	v36 =	vsel vm6, $0x434, v36;
	v35 =	vsel vm5, $0x3B5, v35;
	v34 =	vsel vm5, $0x395, v34  }
0x12e: {  	v36 =	vsel vm5, $0x435, v36;
	v35 =	vsel vm4, $0x3B6, v35;
	v34 =	vsel vm4, $0x396, v34  }
0x12f: {  	v36 =	vsel vm4, $0x436, v36;
	v35 =	vsel vm3, $0x3B7, v35;
	v34 =	vsel vm3, $0x397, v34  }
0x130: {  	v36 =	vsel vm3, $0x437, v36;
	v35 =	vsel vm2, $0x3BC, v35;
	v34 =	vsel vm2, $0x39C, v34  }
0x131: {  	v61 =	vimm.s32 $0x45F;
	v37 =	vsel vm0, $0x3BD, v35;
	v34 =	vsel vm0, $0x39D, v34  }
0x132: {  	v35 =	vsel vm14, $0x404, v57;
	v54 =	vsel vm1, $0x39E, v34;
	v34 =	vsel vm14, $0x3E4, v39  }
0x133: {  	v36 =	vsel vm2, $0x43C, v36;
	v35 =	vsel vm13, $0x405, v35;
	v34 =	vsel vm13, $0x3E5, v34  }
0x134: {  	v60 =	vsel vm0, $0x43D, v36;
	v35 =	vsel vm12, $0x406, v35;
	v34 =	vsel vm12, $0x3E6, v34  }
0x135: {  	v36 =	vsel vm14, $0x484, v63;
	v35 =	vsel vm11, $0x407, v35;
	v34 =	vsel vm11, $0x3E7, v34  }
0x136: {  	v63 =	vimm.s32 $0x4FF;
	v35 =	vsel vm10, $0x40C, v35;
	v34 =	vsel vm10, $0x3EC, v34  }
0x137: {  	v36 =	vsel vm13, $0x485, v36;
	v35 =	vsel vm9, $0x40D, v35;
	v34 =	vsel vm9, $0x3ED, v34  }
0x138: {  	v55 =	vsel vm1, $0x3BE, v37;
	v35 =	vsel vm8, $0x40E, v35;
	v34 =	vsel vm8, $0x3EE, v34  }
0x139: {  	v36 =	vsel vm12, $0x486, v36;
	v35 =	vsel vm7, $0x40F, v35;
	v34 =	vsel vm7, $0x3EF, v34  }
0x13a: {  	v36 =	vsel vm11, $0x487, v36;
	v35 =	vsel vm6, $0x414, v35;
	v34 =	vsel vm6, $0x3F4, v34  }
0x13b: {  	v36 =	vsel vm10, $0x48C, v36;
	v35 =	vsel vm5, $0x415, v35;
	v34 =	vsel vm5, $0x3F5, v34  }
0x13c: {  	v36 =	vsel vm9, $0x48D, v36;
	v35 =	vsel vm4, $0x416, v35;
	v34 =	vsel vm4, $0x3F6, v34  }
0x13d: {  	v36 =	vsel vm8, $0x48E, v36;
	v35 =	vsel vm3, $0x417, v35;
	v34 =	vsel vm3, $0x3F7, v34  }
0x13e: {  	v36 =	vsel vm7, $0x48F, v36;
	v35 =	vsel vm2, $0x41C, v35;
	v34 =	vsel vm2, $0x3FC, v34  }
0x13f: {  	v36 =	vsel vm6, $0x494, v36;
	v59 =	vsel vm0, $0x41D, v35;
	v34 =	vsel vm0, $0x3FD, v34  }
0x140: {  	v35 =	vsel vm14, $0x464, v62;
	v57 =	vsel vm1, $0x3FE, v34;
	v34 =	vsel vm14, $0x444, v61  }
0x141: {  	v36 =	vsel vm5, $0x495, v36;
	v35 =	vsel vm13, $0x465, v35;
	v34 =	vsel vm13, $0x445, v34  }
0x142: {  	v36 =	vsel vm4, $0x496, v36;
	v35 =	vsel vm12, $0x466, v35;
	v34 =	vsel vm12, $0x446, v34  }
0x143: {  	v36 =	vsel vm3, $0x497, v36;
	v35 =	vsel vm11, $0x467, v35;
	v34 =	vsel vm11, $0x447, v34  }
0x144: {  	v36 =	vsel vm2, $0x49C, v36;
	v35 =	vsel vm10, $0x46C, v35;
	v34 =	vsel vm10, $0x44C, v34  }
0x145: {  	v39 =	vimm.s32 $0x4BF;
	v35 =	vsel vm9, $0x46D, v35;
	v34 =	vsel vm9, $0x44D, v34  }
0x146: {  	v38 =	vsel vm0, $0x49D, v36;
	v35 =	vsel vm8, $0x46E, v35;
	v34 =	vsel vm8, $0x44E, v34  }
0x147: {  	v36 =	vsel vm14, $0x4E4, v63;
	v35 =	vsel vm7, $0x46F, v35;
	v34 =	vsel vm7, $0x44F, v34  }
0x148: {  	v62 =	vsel vm1, $0x49E, v38;
	v35 =	vsel vm6, $0x474, v35;
	v34 =	vsel vm6, $0x454, v34  }
0x149: {  	v36 =	vsel vm13, $0x4E5, v36;
	v35 =	vsel vm5, $0x475, v35;
	v34 =	vsel vm5, $0x455, v34  }
0x14a: {  	v58 =	vsel vm1, $0x41E, v59;
	v35 =	vsel vm4, $0x476, v35;
	v34 =	vsel vm4, $0x456, v34  }
0x14b: {  	v59 =	vsel vm1, $0x43E, v60;
	v35 =	vsel vm3, $0x477, v35;
	v34 =	vsel vm3, $0x457, v34  }
0x14c: {  	v36 =	vsel vm12, $0x4E6, v36;
	v35 =	vsel vm2, $0x47C, v35;
	v34 =	vsel vm2, $0x45C, v34  }
0x14d: {  	s1 =	rddreg [dreg:$0x0];
	v37 =	vsel vm0, $0x47D, v35;
	v35 =	vimm.s32 $0x4DF;
	v34 =	vsel vm0, $0x45D, v34  }
0x14e: {  	s0 =	rddreg [dreg:$0x1];
	v35 =	vsel vm14, $0x4C4, v35;
	v60 =	vsel vm1, $0x45E, v34;
	v34 =	vsel vm14, $0x4A4, v39  }
0x14f: {  	s2 =	rddreg [dreg:$0x2];
	v36 =	vsel vm11, $0x4E7, v36;
	v35 =	vsel vm13, $0x4C5, v35;
	v34 =	vsel vm13, $0x4A5, v34  }
0x150: {  	s5 =	srdreg.scid;
	s3 =	stileid.u32;
	s4 =	simm.s32 $0x0;
	v36 =	vsel vm10, $0x4EC, v36;
	v35 =	vsel vm12, $0x4C6, v35;
	v34 =	vsel vm12, $0x4A6, v34  }
0x151: {  	s15 =	simm.s32 $0x1;
	s16 =	simm.s32 $0x780;
	s17 =	simm.s32 $0x2;
	v36 =	vsel vm9, $0x4ED, v36;
	v35 =	vsel vm11, $0x4C7, v35;
	v34 =	vsel vm11, $0x4A7, v34  }
0x152: {  	s18 =	simm.s32 $0x280;
	s19 =	simm.s32 $0x80;
	s20 =	simm.s32 $0x1780;
	v36 =	vsel vm8, $0x4EE, v36;
	v35 =	vsel vm10, $0x4CC, v35;
	v34 =	vsel vm10, $0x4AC, v34  }
0x153: {  	s21 =	simm.s32 $0x100;
	s22 =	simm.s32 $0x2780;
	s23 =	simm.s32 $0x180;
	v36 =	vsel vm7, $0x4EF, v36;
	v35 =	vsel vm9, $0x4CD, v35;
	v34 =	vsel vm9, $0x4AD, v34  }
0x154: {  	s24 =	simm.s32 $0x3780;
	s25 =	simm.s32 $0x200;
	s26 =	simm.s32 $0x4780;
	v36 =	vsel vm6, $0x4F4, v36;
	v35 =	vsel vm8, $0x4CE, v35;
	v34 =	vsel vm8, $0x4AE, v34  }
0x155: {  	s28 =	simm.s32 $0x5780;
	s5 =	sand.u32 $0x1, s5;
	s10 =	smul.u32 $0x5000, s3;
	v36 =	vsel vm5, $0x4F5, v36;
	v35 =	vsel vm7, $0x4CF, v35;
	v34 =	vsel vm7, $0x4AF, v34  }
0x156: {  	s29 =	simm.s32 $0x0;
	[smem:$0x7FF] =	sst s4;
	s7 =	smul.u32 $0x50000, s5;
	v36 =	vsel vm4, $0x4F6, v36;
	v35 =	vsel vm6, $0x4D4, v35;
	v34 =	vsel vm6, $0x4B4, v34  }
0x157: {  	s6 =	sadd.s32 $0xB600, s1;
	s31 =	sshll.u32 s3, $0x6;
	s9 =	ssub.s32 $0x2, s5;
	v36 =	vsel vm3, $0x4F7, v36;
	v35 =	vsel vm5, $0x4D5, v35;
	v34 =	vsel vm5, $0x4B5, v34  }
.Ltmp0:
0x158: {  	s12 =	sshrl.u32 s9, $0x1;
	s8 =	sadd.s32 s10, s7;
	v36 =	vsel vm2, $0x4FC, v36;
	v35 =	vsel vm4, $0x4D6, v35;
	v34 =	vsel vm4, $0x4B6, v34;
	(pc) =	sbr.rel .LBB2_1-.Ltmp0, $4  }
0x159: {  	s7 =	sadd.s32 $0x59800, s1;
	s13 =	ssub.s32 s9, s12;
	s9 =	sshll.u32 s3, $0x1;
	v61 =	vsel vm1, $0x47E, v37;
	v35 =	vsel vm3, $0x4D7, v35;
	v34 =	vsel vm3, $0x4B7, v34  }
0x15a: {  	s10 =	sadd.s32 s10, s2;
	s11 =	sshrl.u32 s8, $0x3;
	s8 =	sadd.s32 $0x6600, s1;
	v35 =	vsel vm2, $0x4DC, v35;
	v39 =	vsel vm0, $0x4FD, v36;
	v34 =	vsel vm2, $0x4BC, v34  }
0x15b: {  	s13 =	smax.u32 s13, $0x1;
	s1 =	sadd.s32 s11, s1;
	s11 =	sor.u32 $0x1C01, s31;
	v36 =	vor.u32 $0x4, v1;
	v38 =	vsel vm0, $0x4DD, v35;
	v34 =	vsel vm0, $0x4BD, v34  }
0x15c: {  	s14 =	sshrl.u32 s10, $0x3;
	s12 =	sadd.s32 $0xA7A00, s1;
	_ =	strace $0x8000004A;
	v35 =	vsel vm1, $0x4FE, v39;
	v63 =	vsel vm1, $0x4BE, v34;
	v34 =	vsel vm1, $0x4DE, v38  }
.LBB2_12:
0x15d: {  	[bflag:$0x0] =	sbarrier.arrive $0xFFFF  }
0x15e: {  	[tilespmem:s28], [sflag:$0x1] =	stream.linear.gather [spmem:s10], $0x5000, $0x38;
	[tilespmem:$0xF780] =	vst v63  }
0x15f: {  	s29 =	sadd.s32 $0x1, s29;
	_ =	swait.ge [sflag:s15], $0x5000  }
0x160: {  	p0 =	sne.s32 s29, s13;
	[sflag:s15] =	ssyncset.done $0x0  }
.Ltmp1:
0x161: {  	[sflag:s15] =	ssyncadd.s32 $0xFFFFB000;
	(pc) =	sbr.rel @!p0 .LBB2_13-.Ltmp1, $4  }
0x162: {  	[hbm4b:s12+s4] =	stream.linear.scatter [tilespmem:s28], [sflag:$0x1], $0x5000, $0x38;
	[tilespmem:$0xF780] =	vst v63  }
0x163: {  	_ =	swait.ge [sflag:s15], $0x5000  }
0x164: {  	[sflag:s15] =	ssyncset.done $0x0  }
0x165: {  	[sflag:s15] =	ssyncadd.s32 $0xFFFFB000  }
.LBB2_1:
0x166: {  	[spmem:s14], [sflag:s11] =	dma.local [hbm:s0], $0xA00  }
.Ltmp2:
0x167: {  	_ =	swait.ge [sflag:s15], $0xA00;
	(pc) =	sbr.rel .LBB2_2-.Ltmp2, $4  }
0x168: {  	[sflag:s15] =	ssyncset.done $0x0  }
0x169: {  	[sflag:s15] =	ssyncadd.s32 $0xFFFFF600  }
0x16a: {  	[bflag:$0x0] =	sbarrier.arrive $0xFFFF  }
0x16b: {  	s30 =	simm.s32 $0x0  }
.LBB2_9:
0x16c: {  	_ =	sdelay $0x2  }
0x16d: {  	v38 =	vshll.u32 v38, $0x3  }
0x16e: {  	v37 =	vld.idx.msk [tilespmem:v37+s18+$0x0], $0xffff;
	v38 =	vor.u32 v0, v38  }
0x16f: {  	v38 =	vor.u32 v36, v38;
	_ =	sdelay $0x2  }
0x170: {  	s1 =	sadd.s32 $0x10, s31  }
0x171: {  	[tilespmem:s1+$0x0] =	vst v37  }
0x172: {  	v37 =	vld.idx.msk [tilespmem:v38+s18+$0x0], $0xffff;
	_ =	sdelay $0x3  }
0x173: {  	s1 =	sadd.s32 $0x10, s1  }
0x174: {  	[tilespmem:s1+$0x0] =	vst v37;
	v37 =	vld [tilespmem:$0x1FFA0];
	_ =	sdelay $0x7  }
0x175: {  	v37 =	vld.idx.msk [tilespmem:v37+s18+$0x0], $0xffff;
	_ =	sdelay $0x4  }
0x176: {  	[tilespmem:$0x80] =	vst v37;
	v37 =	vld [tilespmem:$0x1FFB0];
	_ =	sdelay $0x7  }
0x177: {  	v37 =	vld.idx.msk [tilespmem:v37+s18+$0x0], $0xffff;
	_ =	sdelay $0x4  }
0x178: {  	[tilespmem:$0x90] =	vst v37;
	v37 =	vld [tilespmem:$0x1FFC0];
	_ =	sdelay $0x7  }
0x179: {  	v37 =	vld.idx.msk [tilespmem:v37+s18+$0x0], $0xffff;
	_ =	sdelay $0x4  }
0x17a: {  	[tilespmem:$0xA0] =	vst v37;
	v37 =	vld [tilespmem:$0x1FFD0];
	_ =	sdelay $0x7  }
0x17b: {  	v37 =	vld.idx.msk [tilespmem:v37+s18+$0x0], $0xffff;
	_ =	sdelay $0x4  }
0x17c: {  	[tilespmem:$0xB0] =	vst v37;
	v37 =	vld [tilespmem:$0x1FFE0];
	_ =	sdelay $0x7  }
0x17d: {  	v37 =	vld.idx.msk [tilespmem:v37+s18+$0x0], $0xffff;
	_ =	sdelay $0x4  }
0x17e: {  	[tilespmem:$0xC0] =	vst v37;
	v37 =	vld [tilespmem:$0x1FFF0];
	_ =	sdelay $0x7  }
0x17f: {  	v37 =	vld.idx.msk [tilespmem:v37+s18+$0x0], $0xffff;
	_ =	sdelay $0x4  }
0x180: {  	[tilespmem:$0xD0] =	vst v37  }
0x181: {  	v37 =	vld.idx.msk [tilespmem:v40+s18+$0x0], $0xffff;
	_ =	sdelay $0x4  }
0x182: {  	[tilespmem:$0xE0] =	vst v37  }
0x183: {  	v37 =	vld.idx.msk [tilespmem:v41+s18+$0x0], $0xffff;
	_ =	sdelay $0x4  }
0x184: {  	[tilespmem:$0xF0] =	vst v37  }
0x185: {  	v37 =	vld.idx.msk [tilespmem:v42+s18+$0x0], $0xffff;
	_ =	sdelay $0x4  }
0x186: {  	[tilespmem:$0x100] =	vst v37  }
0x187: {  	v37 =	vld.idx.msk [tilespmem:v43+s18+$0x0], $0xffff;
	_ =	sdelay $0x4  }
0x188: {  	[tilespmem:$0x110] =	vst v37  }
0x189: {  	v37 =	vld.idx.msk [tilespmem:v44+s18+$0x0], $0xffff;
	_ =	sdelay $0x4  }
0x18a: {  	[tilespmem:$0x120] =	vst v37  }
0x18b: {  	v37 =	vld.idx.msk [tilespmem:v45+s18+$0x0], $0xffff;
	_ =	sdelay $0x4  }
0x18c: {  	[tilespmem:$0x130] =	vst v37  }
0x18d: {  	v37 =	vld.idx.msk [tilespmem:v46+s18+$0x0], $0xffff;
	_ =	sdelay $0x4  }
0x18e: {  	[tilespmem:$0x140] =	vst v37  }
0x18f: {  	v37 =	vld.idx.msk [tilespmem:v47+s18+$0x0], $0xffff;
	_ =	sdelay $0x4  }
0x190: {  	[tilespmem:$0x150] =	vst v37  }
0x191: {  	v37 =	vld.idx.msk [tilespmem:v48+s18+$0x0], $0xffff;
	_ =	sdelay $0x4  }
0x192: {  	[tilespmem:$0x160] =	vst v37  }
0x193: {  	v37 =	vld.idx.msk [tilespmem:v49+s18+$0x0], $0xffff;
	_ =	sdelay $0x4  }
0x194: {  	[tilespmem:$0x170] =	vst v37  }
0x195: {  	v37 =	vld.idx.msk [tilespmem:v50+s18+$0x0], $0xffff;
	_ =	sdelay $0x4  }
0x196: {  	[tilespmem:$0x180] =	vst v37  }
0x197: {  	v37 =	vld.idx.msk [tilespmem:v51+s18+$0x0], $0xffff;
	_ =	sdelay $0x4  }
0x198: {  	[tilespmem:$0x190] =	vst v37  }
0x199: {  	v37 =	vld.idx.msk [tilespmem:v52+s18+$0x0], $0xffff;
	_ =	sdelay $0x4  }
0x19a: {  	[tilespmem:$0x1A0] =	vst v37  }
0x19b: {  	v37 =	vld.idx.msk [tilespmem:v53+s18+$0x0], $0xffff;
	_ =	sdelay $0x4  }
0x19c: {  	[tilespmem:$0x1B0] =	vst v37  }
0x19d: {  	v37 =	vld.idx.msk [tilespmem:v54+s18+$0x0], $0xffff;
	_ =	sdelay $0x4  }
0x19e: {  	[tilespmem:$0x1C0] =	vst v37  }
0x19f: {  	v37 =	vld.idx.msk [tilespmem:v55+s18+$0x0], $0xffff;
	_ =	sdelay $0x4  }
0x1a0: {  	[tilespmem:$0x1D0] =	vst v37  }
0x1a1: {  	v37 =	vld.idx.msk [tilespmem:v56+s18+$0x0], $0xffff;
	_ =	sdelay $0x4  }
0x1a2: {  	[tilespmem:$0x1E0] =	vst v37  }
0x1a3: {  	v37 =	vld.idx.msk [tilespmem:v57+s18+$0x0], $0xffff;
	_ =	sdelay $0x4  }
0x1a4: {  	[tilespmem:$0x1F0] =	vst v37  }
0x1a5: {  	v37 =	vld.idx.msk [tilespmem:v58+s18+$0x0], $0xffff;
	_ =	sdelay $0x4  }
0x1a6: {  	[tilespmem:$0x200] =	vst v37  }
0x1a7: {  	v37 =	vld.idx.msk [tilespmem:v59+s18+$0x0], $0xffff;
	_ =	sdelay $0x4  }
0x1a8: {  	[tilespmem:$0x210] =	vst v37  }
0x1a9: {  	v37 =	vld.idx.msk [tilespmem:v60+s18+$0x0], $0xffff;
	_ =	sdelay $0x4  }
0x1aa: {  	[tilespmem:$0x220] =	vst v37  }
0x1ab: {  	v37 =	vld.idx.msk [tilespmem:v61+s18+$0x0], $0xffff;
	_ =	sdelay $0x4  }
0x1ac: {  	[tilespmem:$0x230] =	vst v37  }
0x1ad: {  	v37 =	vld.idx.msk [tilespmem:v62+s18+$0x0], $0xffff;
	_ =	sdelay $0x4  }
0x1ae: {  	[tilespmem:$0x240] =	vst v37  }
0x1af: {  	v37 =	vld.idx.msk [tilespmem:v63+s18+$0x0], $0xffff;
	_ =	sdelay $0x4  }
0x1b0: {  	[tilespmem:$0x250] =	vst v37  }
0x1b1: {  	v37 =	vld.idx.msk [tilespmem:v34+s18+$0x0], $0xffff;
	_ =	sdelay $0x4  }
0x1b2: {  	[tilespmem:$0x260] =	vst v37  }
0x1b3: {  	s31 =	simm.s32 $0x1;
	v37 =	vld.idx.msk [tilespmem:v35+s18+$0x0], $0xffff  }
.LBB2_10:
0x1b4: {  	_ =	sdelay $0x3  }
0x1b5: {  	[tilespmem:$0x270] =	vst v37  }
0x1b6: {  	[spmem:s2] =	stream.indirect.scatter.add.f32 [tilespmem:s16], [sflag:$0x2], $0x20, s4, s19, $0xb8;
	[tilespmem:$0xF780] =	vst v63  }
0x1b7: {  	_ =	swait.ge [sflag:s17], $0x1000  }
0x1b8: {  	[sflag:s17] =	ssyncset.done $0x0  }
0x1b9: {  	[sflag:s17] =	ssyncadd.s32 $0xFFFFF000  }
0x1ba: {  	[spmem:s2] =	stream.indirect.scatter.add.f32 [tilespmem:s20], [sflag:$0x2], $0x20, s19, s19, $0xb8;
	[tilespmem:$0xF780] =	vst v63  }
0x1bb: {  	_ =	swait.ge [sflag:s17], $0x1000  }
0x1bc: {  	[sflag:s17] =	ssyncset.done $0x0  }
0x1bd: {  	[sflag:s17] =	ssyncadd.s32 $0xFFFFF000  }
0x1be: {  	[spmem:s2] =	stream.indirect.scatter.add.f32 [tilespmem:s22], [sflag:$0x2], $0x20, s21, s19, $0xb8;
	[tilespmem:$0xF780] =	vst v63  }
0x1bf: {  	_ =	swait.ge [sflag:s17], $0x1000  }
0x1c0: {  	[sflag:s17] =	ssyncset.done $0x0  }
0x1c1: {  	[sflag:s17] =	ssyncadd.s32 $0xFFFFF000  }
0x1c2: {  	[spmem:s2] =	stream.indirect.scatter.add.f32 [tilespmem:s24], [sflag:$0x2], $0x20, s23, s19, $0xb8;
	[tilespmem:$0xF780] =	vst v63  }
0x1c3: {  	_ =	swait.ge [sflag:s17], $0x1000  }
0x1c4: {  	[sflag:s17] =	ssyncset.done $0x0  }
0x1c5: {  	[sflag:s17] =	ssyncadd.s32 $0xFFFFF000  }
0x1c6: {  	[spmem:s2] =	stream.indirect.scatter.add.f32 [tilespmem:s26], [sflag:s31], $0x20, s25, s19, $0xb8;
	[tilespmem:$0xF780] =	vst v63  }
0x1c7: {  	_ =	swait.ge [sflag:s31], $0x1000  }
0x1c8: {  	[sflag:s31] =	ssyncset.done $0x0  }
0x1c9: {  	[sflag:s31] =	ssyncadd.s32 $0xFFFFF000  }
.LBB2_11:
0x1ca: {  	s30 =	sadd.s32 $0x1, s30  }
0x1cb: {  	p0 =	sne.s32 s30, $0x8  }
.Ltmp3:
0x1cc: {  	_ = 	snop;
	(pc) =	sbr.rel @!p0 .LBB2_12-.Ltmp3, $1  }
0x1cd: {  	_ =	sdelay $0x3  }
.LBB2_2:
0x1ce: {  	s1 =	sshll.u32 s30, $0x5  }
0x1cf: {  	s1 =	sor.u32 s1, s9  }
0x1d0: {  	s1 =	sor.u32 s5, s1  }
0x1d1: {  	p0 =	sgt.u32 s1, $0x7C  }
.Ltmp4:
0x1d2: {  	_ = 	snop;
	(pc) =	sbr.rel @p0 .LBB2_6-.Ltmp4, $1  }
0x1d3: {  	_ =	sdelay $0x3  }
0x1d4: {  	s31 =	smul.u32 $0xA00, s1;
	_ =	sdelay $0x1  }
0x1d5: {  	s3 =	sadd.s32 s6, s31;
	s31 =	simm.s32 $0x0  }
0x1d6: {  	[tilespmem:s16], [sflag:$0x2] =	stream.linear.gather [hbm4b:s3+s31], $0x5000, $0x38;
	v37 =	vmov s31;
	[tilespmem:$0xF780] =	vst v63  }
0x1d7: {  	s3 =	smul.u32 $0xA0, s1;
	_ =	swait.ge [sflag:s17], $0x5000;
	v37 =	vshll.u32 v37, $0x3  }
0x1d8: {  	[sflag:s17] =	ssyncset.done $0x0;
	v37 =	vor.u32 v0, v37  }
0x1d9: {  	s1 =	sadd.s32 s8, s3;
	[sflag:s17] =	ssyncadd.s32 $0xFFFFB000;
	v37 =	vor.u32 v1, v37  }
0x1da: {  	[tilespmem:s18], [sflag:$0x2] =	stream.linear.gather [hbm4b:s1+s31], $0x500, $0x38;
	[tilespmem:$0xF780] =	vst v63  }
0x1db: {  	_ =	swait.ge [sflag:s17], $0x500  }
0x1dc: {  	[sflag:s17] =	ssyncset.done $0x0  }
0x1dd: {  	s3 =	simm.s32 $0x4;
	[sflag:s17] =	ssyncadd.s32 $0xFFFFFB00  }
0x1de: {  	v39 =	vld.idx.msk [tilespmem:v37+s18+$0x0], $0xffff;
	v37 =	vmov s3  }
0x1df: {  	v37 =	vshll.u32 v37, $0x3  }
0x1e0: {  	v37 =	vor.u32 v0, v37  }
0x1e1: {  	v37 =	vor.u32 v1, v37;
	_ =	sdelay $0x2  }
0x1e2: {  	s3 =	simm.s32 $0x8  }
0x1e3: {  	s1 =	simm.s32 $0xC;
	v38 =	vmov s3;
	[tilespmem:s31+$0x0] =	vst v39  }
.LBB2_4:
0x1e4: {  	p0 =	sne.s32 s1, $0x1C;
	v38 =	vshll.u32 v38, $0x3;
	v39 =	vld.idx.msk [tilespmem:v37+s18+$0x0], $0xffff  }
0x1e5: {  	v37 =	vor.u32 v0, v38  }
.Ltmp5:
0x1e6: {  	v37 =	vor.u32 v1, v37;
	(pc) =	sbr.rel @p0 .LBB2_4-.Ltmp5, $3  }
0x1e7: {  	_ =	sdelay $0x1  }
0x1e8: {  	s31 =	sadd.s32 $0x10, s31  }
0x1e9: {  	v38 =	vmov s1;
	s1 =	sadd.s32 $0x4, s1;
	[tilespmem:s31+$0x0] =	vst v39  }
0x1ea: {  	_ =	sdelay $0x2  }
0x1eb: {  	v38 =	vshll.u32 v38, $0x3  }
0x1ec: {  	v37 =	vld.idx.msk [tilespmem:v37+s18+$0x0], $0xffff;
	v38 =	vor.u32 v0, v38  }
0x1ed: {  	v38 =	vor.u32 v1, v38;
	_ =	sdelay $0x2  }
0x1ee: {  	s1 =	sadd.s32 $0x10, s31  }
0x1ef: {  	[tilespmem:s1+$0x0] =	vst v37  }
0x1f0: {  	v37 =	vld.idx.msk [tilespmem:v38+s18+$0x0], $0xffff;
	_ =	sdelay $0x3  }
0x1f1: {  	s1 =	sadd.s32 $0x10, s1  }
0x1f2: {  	[tilespmem:s1+$0x0] =	vst v37  }
0x1f3: {  	v37 =	vld.idx.msk [tilespmem:v2+s18+$0x0], $0xffff;
	_ =	sdelay $0x4  }
0x1f4: {  	[tilespmem:$0x80] =	vst v37  }
0x1f5: {  	v37 =	vld.idx.msk [tilespmem:v3+s18+$0x0], $0xffff;
	_ =	sdelay $0x4  }
0x1f6: {  	[tilespmem:$0x90] =	vst v37  }
0x1f7: {  	v37 =	vld.idx.msk [tilespmem:v4+s18+$0x0], $0xffff;
	_ =	sdelay $0x4  }
0x1f8: {  	[tilespmem:$0xA0] =	vst v37  }
0x1f9: {  	v37 =	vld.idx.msk [tilespmem:v5+s18+$0x0], $0xffff;
	_ =	sdelay $0x4  }
0x1fa: {  	[tilespmem:$0xB0] =	vst v37  }
0x1fb: {  	v37 =	vld.idx.msk [tilespmem:v6+s18+$0x0], $0xffff;
	_ =	sdelay $0x4  }
0x1fc: {  	[tilespmem:$0xC0] =	vst v37  }
0x1fd: {  	v37 =	vld.idx.msk [tilespmem:v7+s18+$0x0], $0xffff;
	_ =	sdelay $0x4  }
0x1fe: {  	[tilespmem:$0xD0] =	vst v37  }
0x1ff: {  	v37 =	vld.idx.msk [tilespmem:v8+s18+$0x0], $0xffff;
	_ =	sdelay $0x4  }
0x200: {  	[tilespmem:$0xE0] =	vst v37  }
0x201: {  	v37 =	vld.idx.msk [tilespmem:v9+s18+$0x0], $0xffff;
	_ =	sdelay $0x4  }
0x202: {  	[tilespmem:$0xF0] =	vst v37  }
0x203: {  	v37 =	vld.idx.msk [tilespmem:v10+s18+$0x0], $0xffff;
	_ =	sdelay $0x4  }
0x204: {  	[tilespmem:$0x100] =	vst v37  }
0x205: {  	v37 =	vld.idx.msk [tilespmem:v11+s18+$0x0], $0xffff;
	_ =	sdelay $0x4  }
0x206: {  	[tilespmem:$0x110] =	vst v37  }
0x207: {  	v37 =	vld.idx.msk [tilespmem:v12+s18+$0x0], $0xffff;
	_ =	sdelay $0x4  }
0x208: {  	[tilespmem:$0x120] =	vst v37  }
0x209: {  	v37 =	vld.idx.msk [tilespmem:v13+s18+$0x0], $0xffff;
	_ =	sdelay $0x4  }
0x20a: {  	[tilespmem:$0x130] =	vst v37  }
0x20b: {  	v37 =	vld.idx.msk [tilespmem:v14+s18+$0x0], $0xffff;
	_ =	sdelay $0x4  }
0x20c: {  	[tilespmem:$0x140] =	vst v37  }
0x20d: {  	v37 =	vld.idx.msk [tilespmem:v15+s18+$0x0], $0xffff;
	_ =	sdelay $0x4  }
0x20e: {  	[tilespmem:$0x150] =	vst v37  }
0x20f: {  	v37 =	vld.idx.msk [tilespmem:v16+s18+$0x0], $0xffff;
	_ =	sdelay $0x4  }
0x210: {  	[tilespmem:$0x160] =	vst v37  }
0x211: {  	v37 =	vld.idx.msk [tilespmem:v17+s18+$0x0], $0xffff;
	_ =	sdelay $0x4  }
0x212: {  	[tilespmem:$0x170] =	vst v37  }
0x213: {  	v37 =	vld.idx.msk [tilespmem:v18+s18+$0x0], $0xffff;
	_ =	sdelay $0x4  }
0x214: {  	[tilespmem:$0x180] =	vst v37  }
0x215: {  	v37 =	vld.idx.msk [tilespmem:v19+s18+$0x0], $0xffff;
	_ =	sdelay $0x4  }
0x216: {  	[tilespmem:$0x190] =	vst v37  }
0x217: {  	v37 =	vld.idx.msk [tilespmem:v20+s18+$0x0], $0xffff;
	_ =	sdelay $0x4  }
0x218: {  	[tilespmem:$0x1A0] =	vst v37  }
0x219: {  	v37 =	vld.idx.msk [tilespmem:v21+s18+$0x0], $0xffff;
	_ =	sdelay $0x4  }
0x21a: {  	[tilespmem:$0x1B0] =	vst v37  }
0x21b: {  	v37 =	vld.idx.msk [tilespmem:v22+s18+$0x0], $0xffff;
	_ =	sdelay $0x4  }
0x21c: {  	[tilespmem:$0x1C0] =	vst v37  }
0x21d: {  	v37 =	vld.idx.msk [tilespmem:v23+s18+$0x0], $0xffff;
	_ =	sdelay $0x4  }
0x21e: {  	[tilespmem:$0x1D0] =	vst v37  }
0x21f: {  	v37 =	vld.idx.msk [tilespmem:v24+s18+$0x0], $0xffff;
	_ =	sdelay $0x4  }
0x220: {  	[tilespmem:$0x1E0] =	vst v37  }
0x221: {  	v37 =	vld.idx.msk [tilespmem:v25+s18+$0x0], $0xffff;
	_ =	sdelay $0x4  }
0x222: {  	[tilespmem:$0x1F0] =	vst v37  }
0x223: {  	v37 =	vld.idx.msk [tilespmem:v26+s18+$0x0], $0xffff;
	_ =	sdelay $0x4  }
0x224: {  	[tilespmem:$0x200] =	vst v37  }
0x225: {  	v37 =	vld.idx.msk [tilespmem:v27+s18+$0x0], $0xffff;
	_ =	sdelay $0x4  }
0x226: {  	[tilespmem:$0x210] =	vst v37  }
0x227: {  	v37 =	vld.idx.msk [tilespmem:v28+s18+$0x0], $0xffff;
	_ =	sdelay $0x4  }
0x228: {  	[tilespmem:$0x220] =	vst v37  }
0x229: {  	v37 =	vld.idx.msk [tilespmem:v29+s18+$0x0], $0xffff;
	_ =	sdelay $0x4  }
0x22a: {  	[tilespmem:$0x230] =	vst v37  }
0x22b: {  	v37 =	vld.idx.msk [tilespmem:v30+s18+$0x0], $0xffff;
	_ =	sdelay $0x4  }
0x22c: {  	[tilespmem:$0x240] =	vst v37  }
0x22d: {  	v37 =	vld.idx.msk [tilespmem:v31+s18+$0x0], $0xffff;
	_ =	sdelay $0x4  }
0x22e: {  	[tilespmem:$0x250] =	vst v37  }
0x22f: {  	v37 =	vld.idx.msk [tilespmem:v32+s18+$0x0], $0xffff;
	_ =	sdelay $0x1  }
.Ltmp6:
0x230: {  	_ = 	snop;
	(pc) =	sbr.rel .LBB2_10-.Ltmp6, $3  }
0x231: {  	_ =	sdelay $0x1  }
0x232: {  	[tilespmem:$0x260] =	vst v37  }
0x233: {  	s31 =	simm.s32 $0x2;
	v37 =	vld.idx.msk [tilespmem:v33+s18+$0x0], $0xffff  }
.LBB2_6:
0x234: {  	s1 =	sadd.s32 $0xFFFFFF83, s1  }
0x235: {  	p0 =	sgt.u32 s1, $0x7C  }
.Ltmp7:
0x236: {  	_ = 	snop;
	(pc) =	sbr.rel @p0 .LBB2_11-.Ltmp7, $1  }
0x237: {  	_ =	sdelay $0x3  }
0x238: {  	s3 =	smul.u32 $0xA00, s1;
	_ =	sdelay $0x1  }
0x239: {  	s31 =	simm.s32 $0x0;
	s3 =	sadd.s32 s7, s3  }
0x23a: {  	v37 =	vmov s31;
	[tilespmem:s16], [sflag:$0x2] =	stream.linear.gather [hbm4b:s3+s31], $0x5000, $0x38;
	[tilespmem:$0xF780] =	vst v63  }
0x23b: {  	v37 =	vshll.u32 v37, $0x3;
	s3 =	smul.u32 $0xA0, s1;
	_ =	swait.ge [sflag:s17], $0x5000  }
0x23c: {  	v37 =	vor.u32 v0, v37;
	[sflag:s17] =	ssyncset.done $0x0  }
0x23d: {  	v37 =	vor.u32 v36, v37;
	s1 =	sadd.s32 s8, s3;
	[sflag:s17] =	ssyncadd.s32 $0xFFFFB000  }
0x23e: {  	[tilespmem:s18], [sflag:$0x2] =	stream.linear.gather [hbm4b:s1+s31], $0x500, $0x38;
	[tilespmem:$0xF780] =	vst v63  }
0x23f: {  	_ =	swait.ge [sflag:s17], $0x500  }
0x240: {  	[sflag:s17] =	ssyncset.done $0x0  }
0x241: {  	s3 =	simm.s32 $0x4;
	[sflag:s17] =	ssyncadd.s32 $0xFFFFFB00  }
0x242: {  	v39 =	vld.idx.msk [tilespmem:v37+s18+$0x0], $0xffff;
	v37 =	vmov s3  }
0x243: {  	v37 =	vshll.u32 v37, $0x3  }
0x244: {  	v37 =	vor.u32 v0, v37  }
0x245: {  	v37 =	vor.u32 v36, v37;
	_ =	sdelay $0x2  }
0x246: {  	s3 =	simm.s32 $0x8  }
0x247: {  	s1 =	simm.s32 $0xC;
	v38 =	vmov s3;
	[tilespmem:s31+$0x0] =	vst v39  }
.LBB2_8:
0x248: {  	p0 =	sne.s32 s1, $0x1C;
	v38 =	vshll.u32 v38, $0x3;
	v39 =	vld.idx.msk [tilespmem:v37+s18+$0x0], $0xffff  }
0x249: {  	v37 =	vor.u32 v0, v38  }
.Ltmp8:
0x24a: {  	v37 =	vor.u32 v36, v37;
	(pc) =	sbr.rel @p0 .LBB2_8-.Ltmp8, $3  }
0x24b: {  	_ =	sdelay $0x1  }
0x24c: {  	s31 =	sadd.s32 $0x10, s31  }
0x24d: {  	v38 =	vmov s1;
	s1 =	sadd.s32 $0x4, s1;
	[tilespmem:s31+$0x0] =	vst v39  }
.Ltmp9:
0x24e: {  	_ = 	snop;
	(pc) =	sbr.rel .LBB2_9-.Ltmp9, $1  }
0x24f: {  	_ =	sdelay $0x3  }
.LBB2_13:
0x250: {  	_ =	sfence.sel $0x180000  }
0x251: {  	[bflag:$0x0] =	sbarrier.arrive $0xFFFF  }
0x252: {  	_ =	strace $0x9000004A  }
0x253: {  	s0 =	stileid.u32;
	[bflag:$0x2] =	sbarrier.arrive $0xFFFF  }
0x254: {  	p0 =	sne.s32 s0, $0x0;
	s0 =	rddreg [dreg:$0x3]  }
0x255: {  	s0 =	sadd.s32 @!p0 $0x100000, s0  }
0x256: {  	[sflag:s0] =	ssyncadd.tile.s32 @!p0 $0x1;
	_ =	shalt  }
.Lfunc_end2:
_tile_overlayer_lowered:
.L_overlay_start_2:
0x257: {  	(tag) =	ssettag $0x2  }
0x258: {  	s0 =	rddreg [dreg:$0x0];
	s2 =	stileid.u32  }
0x259: {  	s1 =	rddreg [dreg:$0x1];
	p0 =	sne.s32 s2, $0x0  }
0x25a: {  	s3 =	rddreg [dreg:$0x2];
	[bflag:$0x3] =	sbarrier.arrive $0xFFFF;
	s2 =	simm.s32 @!p0 $0x1C01  }
0x25b: {  	[timem:s3], [sflag:s2] =	dma.local @!p0 [hbm:s0], s1  }
0x25c: {  	s0 =	simm.s32 @!p0 $0x1  }
0x25d: {  	_ =	swait.ge @!p0 [sflag:s0], s1  }
0x25e: {  	s1 =	ssub.s32 @!p0 $0x0, s1;
	[sflag:s0] =	ssyncset.done @!p0 $0x0  }
0x25f: {  	[sflag:s0] =	ssyncadd.s32 @!p0 s1  }
0x260: {  	[bflag:$0x3] =	sbarrier.arrive $0xFFFF  }
0x261: {  	_ =	shalt  }

// kernel: kernel.7.cloned.1.call-start
scs
__scs_entry_jumppad:
0x0: {  	(pc) =	sbr.rel $0x88, $3  }
0x1: {  	(tag) =	ssettag $0x0;
	lr =	simm.s32 $0x1  }
0x2: {  	[smem:$0x3F9C] =	sst lr;
	_ =	strace $0xD0000000  }
0x3: {  	_ = 	snop  }
0x4: {  	_ = 	snop  }
0x5: {  	_ = 	snop  }
0x6: {  	_ = 	snop  }
0x7: {  	_ = 	snop  }
__scs_overlays_trampoline_lowered:
0x8: {  	[smem:$0x3FAB] =	sst s0  }
0x9: {  	[smem:$0x3FAC] =	sst s1  }
0xa: {  	[smem:$0x3FAD] =	sst s2  }
0xb: {  	[smem:$0x3FAE] =	sst s3  }
0xc: {  	[smem:$0x3FAF] =	sst s4  }
0xd: {  	[smem:$0x3FB0] =	sst s5  }
0xe: {  	[smem:$0x3FB1] =	sst s6  }
0xf: {  	[smem:$0x3FB2] =	sst s7  }
0x10: {  	[smem:$0x3FB3] =	sst s8  }
0x11: {  	[smem:$0x3FB4] =	sst s9;
	s0 =	simm.s32 @!p0 $0x0  }
0x12: {  	s1 =	sld [smem:$0x3F9A];
	s0 =	simm.s32 @p0 $0x1  }
0x13: {  	[smem:$0x3FB5] =	sst s0;
	s0 =	simm.s32 @!p1 $0x0  }
0x14: {  	s2 =	sld [smem:$0x3F99];
	s0 =	simm.s32 @p1 $0x1  }
0x15: {  	[smem:$0x3FB6] =	sst s0;
	s0 =	simm.s32 @!p2 $0x0  }
0x16: {  	s3 =	sld [smem:$0x3FDB];
	s0 =	simm.s32 @p2 $0x1  }
0x17: {  	s4 =	simm.s32 $0x1BF5;
	[smem:$0x3FB8] =	sst s0  }
0x18: {  	s0 =	sld [smem:$0x3F9B];
	_ =	swait.ge [sflag:s4], $0x0  }
0x19: {  	s7 =	sld [smem:$0x3F9C]  }
0x1a: {  	s8 =	sadd.s32 $0xFFFFE003, lr  }
0x1b: {  	s9 =	sadd.s32 $0xFFFFFEF7, lr;
	s5 =	simm.s32 $0xFFFFFFFF;
	p2 =	slt.u32 s8, $0xFFFFF086  }
0x1c: {  	p1 =	slt.u32 s9, $0xF7A;
	s5 =	simm.s32 @!p2 $0x0  }
0x1d: {  	s5 =	simm.s32 @p1 $0x1;
	p0 =	seq.s32 s7, s2  }
0x1e: {  	s7 =	smul.u32 @!p0 $0xF7A, s2;
	p2 =	seq.s32 @!p0 s5, $0x0  }
0x1f: {  	s9 =	smul.u32 $0xF7A, s1;
	s8 =	simm.s32 @!p0 $0x1BF5;
	p2 =	por !p2, p0  }
0x20: {  	[sflag:s8] =	ssyncset.s32 @!p0 $0xFFFFF086;
	s6 =	sadd.s32 @!p0 s3, s7;
	s7 =	simm.s32 @!p0 $0x108  }
0x21: {  	s3 =	sadd.s32 s3, s9;
	s6 =	sadd.s32 @!p0 $0x88, s6;
	s7 =	simm.s32 @p2 $0x1082  }
0x22: {  	[simem:s7], [sflag:s8] =	dma.local @!p0 [hbm:s6], $0xF7A  }
0x23: {  	s9 =	sor.u32 $0xD0000000, s2;
	s6 =	simm.s32 $0x108;
	_ =	swait.ge @!p0 [sflag:s8], $0x0  }
0x24: {  	s3 =	sadd.s32 $0x88, s3;
	s6 =	simm.s32 @!p1 $0x1082;
	[sflag:s4] =	ssyncset.s32 $0xFFFFF086  }
0x25: {  	[simem:s6], [sflag:s4] =	dma.local [hbm:s3], $0xF7A  }
0x26: {  	[smem:$0x3F9C] =	sst s1;
	(tag) =	ssettag s2;
	_ =	strace s9  }
0x27: {  	s1 =	sld [smem:$0x3FAC]  }
0x28: {  	s2 =	sld [smem:$0x3FAD]  }
0x29: {  	s4 =	sld [smem:$0x3FAF]  }
0x2a: {  	p0 =	seq.s32 s5, $0x0;
	s5 =	sld [smem:$0x3FB0]  }
0x2b: {  	s6 =	sld [smem:$0x3FB1]  }
0x2c: {  	s7 =	sld [smem:$0x3FB2]  }
0x2d: {  	s3 =	simm.s32 $0x108;
	s8 =	sld [smem:$0x3FB3]  }
0x2e: {  	s3 =	simm.s32 @!p0 $0x1082;
	s9 =	sld [smem:$0x3FB4]  }
0x2f: {  	lr =	sadd.s32 s0, s3;
	s0 =	sld [smem:$0x3FAB]  }
0x30: {  	s3 =	sld [smem:$0x3FAE]  }
0x31: {  	[smem:$0x3FB7] =	sst s10  }
0x32: {  	s10 =	sld [smem:$0x3FB5];
	_ =	sdelay $0x3  }
0x33: {  	p0 =	seq.s32 s10, $0x1;
	s10 =	sld [smem:$0x3FB7];
	_ =	sdelay $0x3  }
0x34: {  	[smem:$0x3FB7] =	sst s10  }
0x35: {  	s10 =	sld [smem:$0x3FB6];
	_ =	sdelay $0x3  }
0x36: {  	p1 =	seq.s32 s10, $0x1;
	s10 =	sld [smem:$0x3FB7];
	_ =	sdelay $0x3  }
0x37: {  	[smem:$0x3FB7] =	sst s10  }
0x38: {  	s10 =	sld [smem:$0x3FB8]  }
0x39: {  	_ = 	snop;
	(pc) =	sbr.ind lr, $3  }
0x3a: {  	_ = 	snop  }
0x3b: {  	_ = 	snop  }
0x3c: {  	p2 =	seq.s32 s10, $0x1;
	s10 =	sld [smem:$0x3FB7]  }
0x3d: {  	_ =	shalt  }
0x3e: {  	_ =	shalt  }
0x3f: {  	_ =	shalt  }
0x40: {  	_ =	shalt  }
0x41: {  	_ =	shalt  }
0x42: {  	_ =	shalt  }
0x43: {  	_ =	shalt  }
0x44: {  	_ =	shalt  }
0x45: {  	_ =	shalt  }
0x46: {  	_ =	shalt  }
0x47: {  	_ =	shalt  }
0x48: {  	_ =	shalt  }
0x49: {  	_ =	shalt  }
0x4a: {  	_ =	shalt  }
0x4b: {  	_ =	shalt  }
0x4c: {  	_ =	shalt  }
0x4d: {  	_ =	shalt  }
0x4e: {  	_ =	shalt  }
0x4f: {  	_ =	shalt  }
0x50: {  	_ =	shalt  }
0x51: {  	_ =	shalt  }
0x52: {  	_ =	shalt  }
0x53: {  	_ =	shalt  }
0x54: {  	_ =	shalt  }
0x55: {  	_ =	shalt  }
0x56: {  	_ =	shalt  }
0x57: {  	_ =	shalt  }
0x58: {  	_ =	shalt  }
0x59: {  	_ =	shalt  }
0x5a: {  	_ =	shalt  }
0x5b: {  	_ =	shalt  }
0x5c: {  	_ =	shalt  }
0x5d: {  	_ =	shalt  }
0x5e: {  	_ =	shalt  }
0x5f: {  	_ =	shalt  }
0x60: {  	_ =	shalt  }
0x61: {  	_ =	shalt  }
0x62: {  	_ =	shalt  }
0x63: {  	_ =	shalt  }
0x64: {  	_ =	shalt  }
0x65: {  	_ =	shalt  }
0x66: {  	_ =	shalt  }
0x67: {  	_ =	shalt  }
0x68: {  	_ =	shalt  }
0x69: {  	_ =	shalt  }
0x6a: {  	_ =	shalt  }
0x6b: {  	_ =	shalt  }
0x6c: {  	_ =	shalt  }
0x6d: {  	_ =	shalt  }
0x6e: {  	_ =	shalt  }
0x6f: {  	_ =	shalt  }
0x70: {  	_ =	shalt  }
0x71: {  	_ =	shalt  }
0x72: {  	_ =	shalt  }
0x73: {  	_ =	shalt  }
0x74: {  	_ =	shalt  }
0x75: {  	_ =	shalt  }
0x76: {  	_ =	shalt  }
0x77: {  	_ =	shalt  }
0x78: {  	_ =	shalt  }
0x79: {  	_ =	shalt  }
0x7a: {  	_ =	shalt  }
0x7b: {  	_ =	shalt  }
0x7c: {  	_ =	shalt  }
0x7d: {  	_ =	shalt  }
0x7e: {  	_ =	shalt  }
0x7f: {  	_ =	shalt  }
0x80: {  	_ =	shalt  }
0x81: {  	_ =	shalt  }
0x82: {  	_ =	shalt  }
0x83: {  	_ =	shalt  }
0x84: {  	_ =	shalt  }
0x85: {  	_ =	shalt  }
0x86: {  	_ =	shalt  }
0x87: {  	_ =	shalt  }
.Lfunc_end0:
.L_simem_size_0:
called_computation_lowered:
.L_overlay_start_0:
0x88: {  	s2 =	sld [smem:$0x3FD9]  }
0x89: {  	s3 =	sld [smem:$0x3FFE];
	_ =	sdelay $0x1  }
0x8a: {  	s1 =	srdreg.scid  }
0x8b: {  	s0 =	sand.u32 $0x1, s1  }
0x8c: {  	s17 =	sshll.u32 s0, $0xA;
	s2 =	sadd.s32 s3, s2  }
0x8d: {  	s2 =	sadd.s32 s2, s17  }
0x8e: {  	[smem:$0x3FC3] =	sst s2  }
0x8f: {  	_ = 	snop  }
0x90: {  	s2 =	sld [smem:$0x3FD0];
	(tm) =	ssettm $0x1  }
0x91: {  	s18 =	sld [smem:$0x3FFB];
	_ =	sdelay $0x3  }
0x92: {  	_ =	strace s18  }
0x93: {  	s3 =	sld [smem:$0x3FFC];
	_ =	sdelay $0x3  }
0x94: {  	_ =	strace s3  }
0x95: {  	s3 =	sld [smem:$0x3FFD];
	_ =	sdelay $0x3  }
0x96: {  	_ =	strace s3  }
0x97: {  	_ =	strace $0x8FFFFFFF  }
0x98: {  	s19 =	sld [smem:$0x3FDB];
	_ =	sdelay $0x1  }
0x99: {  	s4 =	simm.s32 $_scs_section_size  }
0x9a: {  	s5 =	simm.s32 $_size__tile_overlayer_lowered;
	s6 =	simm.s32 $_tile_overlayer_lowered  }
0x9b: {  	s22 =	simm.s32 $0x1BFF;
	s21 =	sshll.u32 s6, $0x1;
	s3 =	sadd.s32 s4, s19  }
0x9c: {  	s7 =	simm.s32 $0x0;
	s20 =	sshll.u32 s5, $0x1;
	s5 =	sadd.s32 s21, s3  }
0x9d: {  	[timem:s7], [sflag:s22] =	dma.local [hbm:s5], s20  }
0x9e: {  	_ =	swait.ge [sflag:s22], s20  }
0x9f: {  	s4 =	ssub.s32 $0x0, s20;
	[sflag:s22] =	ssyncset.done $0x0  }
0xa0: {  	[sflag:s22] =	ssyncadd.s32 s4;
	_ =	sdelay $0x1  }
0xa1: {  	s23 =	simm.s32 $0x1B8B  }
0xa2: {  	_ =	swait.ge [sflag:s23], $0x1  }
0xa3: {  	[sflag:s23] =	ssyncset.done $0x0  }
0xa4: {  	s25 =	simm.s32 $0x1B8E;
	s24 =	sld [smem:$0x3FFE];
	[sflag:s23] =	ssyncadd.s32 $0xFFFFFFFF  }
0xa5: {  	s26 =	simm.s32 $execute0_lowered;
	[smem:$0x3FD2] =	sst s25  }
0xa6: {  	s5 =	sshll.u32 s26, $0x1;
	_ =	strace $0x80000046;
	[dreg:$0x1] =	wrdreg $0xFFFFFFFF  }
0xa7: {  	s28 =	simm.s32 $_size_execute0_lowered;
	s3 =	sadd.s32 s3, s5;
	[dreg:$0x0] =	wrdreg $0x0  }
0xa8: {  	s5 =	sshll.u32 s28, $0x1;
	[dreg:$0x2] =	wrdreg s3  }
0xa9: {  	[dreg:$0x3] =	wrdreg s5  }
0xaa: {  	[dreg:$0x4] =	wrdreg $0xC0  }
0xab: {  	_ =	task [dreg:s7], $0x5FFFF  }
0xac: {  	[dreg:$0x1] =	wrdreg $0xFFFFFFFF  }
0xad: {  	[dreg:$0x0] =	wrdreg $0x60  }
0xae: {  	[dreg:$0x2] =	wrdreg s2  }
0xaf: {  	[dreg:$0x3] =	wrdreg s24  }
0xb0: {  	[dreg:$0x4] =	wrdreg $0x9  }
0xb1: {  	_ =	task.clear_ibuf [dreg:s7], $0x5FFFF;
	_ =	strace $0x90000046  }
0xb2: {  	s29 =	simm.s32 $0x9;
	_ =	strace $0x80000048  }
0xb3: {  	_ =	swait.ge [sflag:s29], $0x1  }
0xb4: {  	[sflag:s29] =	ssyncadd.s32 $0xFFFFFFFF  }
0xb5: {  	_ =	strace $0x90000048  }
0xb6: {  	_ =	sfence  }
0xb7: {  	s30 =	sld [smem:$0x0];
	_ =	sdelay $0x2  }
0xb8: {  	s31 =	sshll.u32 s1, $0xD;
	s1 =	sshrl.u32 s1, $0x2  }
0xb9: {  	s3 =	sand.u32 $0x4000, s31;
	s1 =	sadd.s32 s1, s30  }
0xba: {  	s0 =	sor.u32 s3, s0;
	s1 =	sshll.u32 s1, $0x11  }
0xbb: {  	s0 =	sor.u32 s1, s0  }
0xbc: {  	s0 =	sadd.s32 $0x8F2B, s0  }
0xbd: {  	[sflag:s0] =	ssyncadd.remote.s32 $0x1  }
0xbe: {  	_ =	sfence.sel $0xFFFF  }
0xbf: {  	[dreg:$0x0] =	wrdreg $0xFFFFFFFF;
	(pc) =	sbr.abs _section_cstart, $3  }
0xc0: {  	[dreg:$0x1] =	wrdreg $0xFFFFFFFF  }
0xc1: {  	_ =	task.clear_ibuf [dreg:s7], $0x2FFFF;
	_ =	strace $0x9FFFFFFF  }
0xc2: {  	(tm) =	ssettm $0x7FFFFFFF  }
0xc3: {  	_ =	shalt  }
tec
execute0_lowered:
.L_overlay_start_1:
0x0: {  	(tag) =	ssettag $0x1  }
0x1: {  	s1 =	rddreg [dreg:$0x0]  }
0x2: {  	s0 =	rddreg [dreg:$0x1];
	s2 =	simm.s32 $0x0;
	s5 =	srdreg.scid  }
0x3: {  	s12 =	stileid.u32;
	s13 =	simm.s32 $0x500;
	s14 =	simm.s32 $0x80  }
0x4: {  	s16 =	simm.s32 $0x2210;
	s18 =	simm.s32 $0x7210;
	s21 =	simm.s32 $0x1  }
0x5: {  	s22 =	simm.s32 $0x2;
	s23 =	simm.s32 $0x1400;
	s24 =	simm.s32 $0x50  }
0x6: {  	s29 =	simm.s32 $0xEA10;
	s30 =	simm.s32 $0x2120;
	s31 =	simm.s32 $0x11210  }
0x7: {  	s15 =	simm.s32 $0x16210;
	s19 =	simm.s32 $0x0;
	[smem:$0x7FF] =	sst s2  }
0x8: {  	s3 =	sadd.s32 $0xB600, s0;
	s4 =	sadd.s32 $0x1600, s0;
	s5 =	sand.u32 $0x1, s5  }
0x9: {  	s6 =	sadd.s32 $0x6600, s0;
	s7 =	sadd.s32 $0x32800, s0;
	s8 =	sadd.s32 $0x80A00, s0  }
.Ltmp0:
0xa: {  	s9 =	sadd.s32 $0xCEC00, s0;
	s10 =	ssub.s32 $0x2, s5;
	(pc) =	sbr.rel .LBB2_1-.Ltmp0, $4  }
0xb: {  	s28 =	sshll.u32 s12, $0x1;
	s12 =	simm.s32 $0x3;
	s11 =	sshrl.u32 s10, $0x1  }
0xc: {  	v2 =	vlaneseq.u32;
	_ =	strace $0x80000047;
	s26 =	ssub.s32 s10, s11;
	s10 =	sor.u32 s5, s28  }
0xd: {  	v0 =	vshrl.u32 v2, $0x3;
	s5 =	simm.s32 $0x13A10;
	s11 =	simm.s32 $0x21C0;
	s0 =	smax.u32 s26, $0x1  }
0xe: {  	v1 =	vand.u32 $0x7, v2;
	v2 =	vmul.u32 $0x8, v2;
	v0 =	vmul.u32 $0x8, v0;
	s26 =	simm.s32 $0xC210;
	[dreg:$0x3] =	wrdreg s0;
	s0 =	simm.s32 $0x2170  }
.LBB2_13:
0xf: {  	s19 =	rddreg [dreg:$0x4]  }
0x10: {  	s17 =	rddreg [dreg:$0x3];
	s19 =	sadd.s32 $0x1, s19  }
0x11: {  	p0 =	sne.s32 s19, s17  }
.Ltmp1:
0x12: {  	_ = 	snop;
	(pc) =	sbr.rel @!p0 .LBB2_14-.Ltmp1, $1  }
0x13: {  	_ =	sdelay $0x3  }
.LBB2_1:
.Ltmp2:
0x14: {  	(pc) =	sbr.rel .LBB2_2-.Ltmp2, $2  }
0x15: {  	_ =	sdelay $0x2  }
0x16: {  	[dreg:$0x4] =	wrdreg s19;
	s17 =	simm.s32 $0x0  }
.LBB2_6:
0x17: {  	s17 =	sadd.s32 $0x1, s17  }
0x18: {  	p0 =	sne.s32 s17, $0x4  }
.Ltmp3:
0x19: {  	_ = 	snop;
	(pc) =	sbr.rel @!p0 .LBB2_7-.Ltmp3, $1  }
0x1a: {  	_ =	sdelay $0x3  }
.LBB2_2:
0x1b: {  	s19 =	sshll.u32 s17, $0x5  }
0x1c: {  	s19 =	sor.u32 s10, s19  }
0x1d: {  	p0 =	sgt.u32 s19, $0x7C  }
.Ltmp4:
0x1e: {  	_ = 	snop;
	(pc) =	sbr.rel @p0 .LBB2_6-.Ltmp4, $1  }
0x1f: {  	_ =	sdelay $0x3  }
0x20: {  	s20 =	smul.u32 $0xA0, s19;
	_ =	sdelay $0x1  }
0x21: {  	s28 =	simm.s32 $0x0;
	s25 =	sadd.s32 s4, s20  }
0x22: {  	v3 =	vmov s28;
	[tilespmem:s28], [sflag:$0x3] =	stream.linear.gather [hbm4b:s25+s28], $0x500, $0x38;
	[tilespmem:$0x18A10] =	vst v63  }
0x23: {  	v3 =	vshll.u32 v3, $0x3;
	_ =	swait.ge [sflag:s12], $0x500  }
0x24: {  	v3 =	vor.u32 v0, v3;
	[sflag:s12] =	ssyncset.done $0x0  }
0x25: {  	s20 =	sadd.s32 s6, s20;
	v3 =	vor.u32 v1, v3;
	[sflag:s12] =	ssyncadd.s32 $0xFFFFFB00  }
0x26: {  	[tilespmem:s13], [sflag:$0x3] =	stream.linear.gather [hbm4b:s20+s28], $0x500, $0x38;
	[tilespmem:$0x18A10] =	vst v63  }
0x27: {  	_ =	swait.ge [sflag:s12], $0x500  }
0x28: {  	[sflag:s12] =	ssyncset.done $0x0  }
0x29: {  	[sflag:s12] =	ssyncadd.s32 $0xFFFFFB00  }
0x2a: {  	v4 =	vld.idx.msk [tilespmem:v3+s2+$0x0], $0xffff;
	_ =	sdelay $0x2  }
0x2b: {  	s20 =	simm.s32 $0x2  }
0x2c: {  	s25 =	simm.s32 $0xA00;
	v5 =	vmov s20  }
0x2d: {  	[tilespmem:s25+$0x0] =	vst v4;
	v4 =	vshll.u32 v5, $0x3  }
0x2e: {  	v5 =	vld.idx.msk [tilespmem:v3+s13+$0x0], $0xffff;
	v3 =	vor.u32 v0, v4  }
0x2f: {  	v3 =	vor.u32 v1, v3;
	_ =	sdelay $0x2  }
0x30: {  	s20 =	simm.s32 $0xF00  }
0x31: {  	[tilespmem:s20+$0x0] =	vst v5  }
0x32: {  	v5 =	vld.idx.msk [tilespmem:v3+s2+$0x0], $0xffff;
	_ =	sdelay $0x3  }
0x33: {  	s28 =	simm.s32 $0x4;
	s25 =	simm.s32 $0xA10  }
0x34: {  	v4 =	vmov s28;
	s28 =	simm.s32 $0x6;
	[tilespmem:s25+$0x0] =	vst v5  }
.LBB2_4:
0x35: {  	p0 =	sne.s32 s28, $0x9E;
	v4 =	vshll.u32 v4, $0x3;
	v5 =	vld.idx.msk [tilespmem:v3+s13+$0x0], $0xffff  }
0x36: {  	v3 =	vor.u32 v0, v4  }
0x37: {  	v3 =	vor.u32 v1, v3;
	_ =	sdelay $0x2  }
0x38: {  	s20 =	sadd.s32 $0x10, s20  }
0x39: {  	[tilespmem:s20+$0x0] =	vst v5  }
0x3a: {  	v5 =	vld.idx.msk [tilespmem:v3+s2+$0x0], $0xffff;
	_ =	sdelay $0x1  }
.Ltmp5:
0x3b: {  	(pc) =	sbr.rel @p0 .LBB2_4-.Ltmp5, $3  }
0x3c: {  	_ =	sdelay $0x1  }
0x3d: {  	s25 =	sadd.s32 $0x10, s25  }
0x3e: {  	v4 =	vmov s28;
	s28 =	sadd.s32 $0x2, s28;
	[tilespmem:s25+$0x0] =	vst v5  }
0x3f: {  	_ =	sdelay $0x2  }
0x40: {  	v4 =	vshll.u32 v4, $0x3  }
0x41: {  	v3 =	vld.idx.msk [tilespmem:v3+s13+$0x0], $0xffff;
	v4 =	vor.u32 v0, v4  }
0x42: {  	v4 =	vor.u32 v1, v4;
	_ =	sdelay $0x2  }
0x43: {  	s20 =	sadd.s32 $0x10, s20  }
0x44: {  	[tilespmem:s20+$0x0] =	vst v3  }
0x45: {  	v3 =	vld.idx.msk [tilespmem:v4+s2+$0x0], $0xffff;
	_ =	sdelay $0x3  }
0x46: {  	s25 =	sadd.s32 $0x10, s25  }
0x47: {  	[tilespmem:s25+$0x0] =	vst v3  }
0x48: {  	v3 =	vld.idx.msk [tilespmem:v4+s13+$0x0], $0xffff;
	_ =	sdelay $0x3  }
0x49: {  	s20 =	sadd.s32 $0x10, s20  }
0x4a: {  	s25 =	simm.s32 $0xA00;
	[tilespmem:s20+$0x0] =	vst v3  }
0x4b: {  	[tilespmem:s16], [sflag:$0x1] =	stream.indirect.gather [hbm4b:s1+s14], $0x10, s25, s14, $0xb8;
	[tilespmem:$0x18A10] =	vst v63  }
0x4c: {  	s28 =	simm.s32 $0xF00  }
0x4d: {  	[tilespmem:s18], [sflag:$0x1] =	stream.indirect.gather [hbm4b:s1+s14], $0x10, s28, s14, $0xb8;
	[tilespmem:$0x18A10] =	vst v63  }
0x4e: {  	s25 =	simm.s32 $0xA80;
	s28 =	simm.s32 $0x2A10  }
0x4f: {  	[tilespmem:s28], [sflag:$0x1] =	stream.indirect.gather [hbm4b:s1+s14], $0x10, s25, s14, $0xb8;
	[tilespmem:$0x18A10] =	vst v63  }
0x50: {  	s25 =	simm.s32 $0xF80;
	s28 =	simm.s32 $0x7A10  }
0x51: {  	[tilespmem:s28], [sflag:$0x1] =	stream.indirect.gather [hbm4b:s1+s14], $0x10, s25, s14, $0xb8;
	[tilespmem:$0x18A10] =	vst v63  }
0x52: {  	s25 =	simm.s32 $0xB00;
	s28 =	simm.s32 $0x3210  }
0x53: {  	[tilespmem:s28], [sflag:$0x1] =	stream.indirect.gather [hbm4b:s1+s14], $0x10, s25, s14, $0xb8;
	[tilespmem:$0x18A10] =	vst v63  }
0x54: {  	s25 =	simm.s32 $0x1000;
	s28 =	simm.s32 $0x8210  }
0x55: {  	[tilespmem:s28], [sflag:$0x1] =	stream.indirect.gather [hbm4b:s1+s14], $0x10, s25, s14, $0xb8;
	[tilespmem:$0x18A10] =	vst v63  }
0x56: {  	s25 =	simm.s32 $0xB80;
	s28 =	simm.s32 $0x3A10  }
0x57: {  	[tilespmem:s28], [sflag:$0x1] =	stream.indirect.gather [hbm4b:s1+s14], $0x10, s25, s14, $0xb8;
	[tilespmem:$0x18A10] =	vst v63  }
0x58: {  	s25 =	simm.s32 $0x1080;
	s28 =	simm.s32 $0x8A10  }
0x59: {  	[tilespmem:s28], [sflag:$0x1] =	stream.indirect.gather [hbm4b:s1+s14], $0x10, s25, s14, $0xb8;
	[tilespmem:$0x18A10] =	vst v63  }
0x5a: {  	s25 =	simm.s32 $0xC00;
	s28 =	simm.s32 $0x4210  }
0x5b: {  	[tilespmem:s28], [sflag:$0x1] =	stream.indirect.gather [hbm4b:s1+s14], $0x10, s25, s14, $0xb8;
	[tilespmem:$0x18A10] =	vst v63  }
0x5c: {  	s25 =	simm.s32 $0x1100;
	s28 =	simm.s32 $0x9210  }
0x5d: {  	[tilespmem:s28], [sflag:$0x1] =	stream.indirect.gather [hbm4b:s1+s14], $0x10, s25, s14, $0xb8;
	[tilespmem:$0x18A10] =	vst v63  }
0x5e: {  	s25 =	simm.s32 $0xC80;
	s28 =	simm.s32 $0x4A10  }
0x5f: {  	[tilespmem:s28], [sflag:$0x1] =	stream.indirect.gather [hbm4b:s1+s14], $0x10, s25, s14, $0xb8;
	[tilespmem:$0x18A10] =	vst v63  }
0x60: {  	s25 =	simm.s32 $0x1180;
	s28 =	simm.s32 $0x9A10  }
0x61: {  	[tilespmem:s28], [sflag:$0x1] =	stream.indirect.gather [hbm4b:s1+s14], $0x10, s25, s14, $0xb8;
	[tilespmem:$0x18A10] =	vst v63  }
0x62: {  	s25 =	simm.s32 $0xD00;
	s28 =	simm.s32 $0x5210  }
0x63: {  	[tilespmem:s28], [sflag:$0x1] =	stream.indirect.gather [hbm4b:s1+s14], $0x10, s25, s14, $0xb8;
	[tilespmem:$0x18A10] =	vst v63  }
0x64: {  	s25 =	simm.s32 $0x1200;
	s28 =	simm.s32 $0xA210  }
0x65: {  	[tilespmem:s28], [sflag:$0x1] =	stream.indirect.gather [hbm4b:s1+s14], $0x10, s25, s14, $0xb8;
	[tilespmem:$0x18A10] =	vst v63  }
0x66: {  	s25 =	simm.s32 $0xD80;
	s28 =	simm.s32 $0x5A10  }
0x67: {  	[tilespmem:s28], [sflag:$0x1] =	stream.indirect.gather [hbm4b:s1+s14], $0x10, s25, s14, $0xb8;
	[tilespmem:$0x18A10] =	vst v63  }
0x68: {  	s25 =	simm.s32 $0x1280;
	s28 =	simm.s32 $0xAA10  }
0x69: {  	[tilespmem:s28], [sflag:$0x1] =	stream.indirect.gather [hbm4b:s1+s14], $0x10, s25, s14, $0xb8;
	[tilespmem:$0x18A10] =	vst v63  }
0x6a: {  	s25 =	simm.s32 $0xE00;
	s28 =	simm.s32 $0x6210  }
0x6b: {  	[tilespmem:s28], [sflag:$0x1] =	stream.indirect.gather [hbm4b:s1+s14], $0x10, s25, s14, $0xb8;
	[tilespmem:$0x18A10] =	vst v63  }
0x6c: {  	s25 =	simm.s32 $0x1300;
	s28 =	simm.s32 $0xB210  }
0x6d: {  	[tilespmem:s28], [sflag:$0x1] =	stream.indirect.gather [hbm4b:s1+s14], $0x10, s25, s14, $0xb8;
	[tilespmem:$0x18A10] =	vst v63  }
0x6e: {  	s25 =	simm.s32 $0xE80;
	s28 =	simm.s32 $0x6A10  }
0x6f: {  	[tilespmem:s28], [sflag:$0x1] =	stream.indirect.gather [hbm4b:s1+s14], $0x10, s25, s14, $0xb8;
	[tilespmem:$0x18A10] =	vst v63  }
0x70: {  	s25 =	simm.s32 $0x1380;
	s28 =	simm.s32 $0xBA10  }
0x71: {  	[tilespmem:s28], [sflag:$0x1] =	stream.indirect.gather [hbm4b:s1+s14], $0x10, s25, s14, $0xb8;
	[tilespmem:$0x18A10] =	vst v63  }
0x72: {  	_ =	swait.ge [sflag:s21], $0x800  }
0x73: {  	[sflag:s21] =	ssyncset.done $0x0  }
0x74: {  	[sflag:s21] =	ssyncadd.s32 $0xFFFFF800  }
0x75: {  	_ =	swait.ge [sflag:s21], $0x800  }
0x76: {  	[sflag:s21] =	ssyncset.done $0x0  }
0x77: {  	[sflag:s21] =	ssyncadd.s32 $0xFFFFF800  }
0x78: {  	_ =	swait.ge [sflag:s21], $0x800  }
0x79: {  	[sflag:s21] =	ssyncset.done $0x0  }
0x7a: {  	[sflag:s21] =	ssyncadd.s32 $0xFFFFF800  }
0x7b: {  	_ =	swait.ge [sflag:s21], $0x800  }
0x7c: {  	[sflag:s21] =	ssyncset.done $0x0  }
0x7d: {  	[sflag:s21] =	ssyncadd.s32 $0xFFFFF800  }
0x7e: {  	_ =	swait.ge [sflag:s21], $0x800  }
0x7f: {  	[sflag:s21] =	ssyncset.done $0x0  }
0x80: {  	[sflag:s21] =	ssyncadd.s32 $0xFFFFF800  }
0x81: {  	_ =	swait.ge [sflag:s21], $0x800  }
0x82: {  	[sflag:s21] =	ssyncset.done $0x0  }
0x83: {  	[sflag:s21] =	ssyncadd.s32 $0xFFFFF800  }
0x84: {  	_ =	swait.ge [sflag:s21], $0x800  }
0x85: {  	[sflag:s21] =	ssyncset.done $0x0  }
0x86: {  	[sflag:s21] =	ssyncadd.s32 $0xFFFFF800  }
0x87: {  	_ =	swait.ge [sflag:s21], $0x800  }
0x88: {  	[sflag:s21] =	ssyncset.done $0x0  }
0x89: {  	[sflag:s21] =	ssyncadd.s32 $0xFFFFF800  }
0x8a: {  	_ =	swait.ge [sflag:s21], $0x800  }
0x8b: {  	[sflag:s21] =	ssyncset.done $0x0  }
0x8c: {  	[sflag:s21] =	ssyncadd.s32 $0xFFFFF800  }
0x8d: {  	_ =	swait.ge [sflag:s21], $0x800  }
0x8e: {  	[sflag:s21] =	ssyncset.done $0x0  }
0x8f: {  	[sflag:s21] =	ssyncadd.s32 $0xFFFFF800  }
0x90: {  	_ =	swait.ge [sflag:s21], $0x800  }
0x91: {  	[sflag:s21] =	ssyncset.done $0x0  }
0x92: {  	[sflag:s21] =	ssyncadd.s32 $0xFFFFF800  }
0x93: {  	_ =	swait.ge [sflag:s21], $0x800  }
0x94: {  	[sflag:s21] =	ssyncset.done $0x0  }
0x95: {  	[sflag:s21] =	ssyncadd.s32 $0xFFFFF800  }
0x96: {  	_ =	swait.ge [sflag:s21], $0x800  }
0x97: {  	[sflag:s21] =	ssyncset.done $0x0  }
0x98: {  	[sflag:s21] =	ssyncadd.s32 $0xFFFFF800  }
0x99: {  	_ =	swait.ge [sflag:s21], $0x800  }
0x9a: {  	[sflag:s21] =	ssyncset.done $0x0  }
0x9b: {  	[sflag:s21] =	ssyncadd.s32 $0xFFFFF800  }
0x9c: {  	_ =	swait.ge [sflag:s21], $0x800  }
0x9d: {  	[sflag:s21] =	ssyncset.done $0x0  }
0x9e: {  	[sflag:s21] =	ssyncadd.s32 $0xFFFFF800  }
0x9f: {  	_ =	swait.ge [sflag:s21], $0x800  }
0xa0: {  	[sflag:s21] =	ssyncset.done $0x0  }
0xa1: {  	[sflag:s21] =	ssyncadd.s32 $0xFFFFF800  }
0xa2: {  	_ =	swait.ge [sflag:s21], $0x800  }
0xa3: {  	[sflag:s21] =	ssyncset.done $0x0  }
0xa4: {  	[sflag:s21] =	ssyncadd.s32 $0xFFFFF800  }
0xa5: {  	_ =	swait.ge [sflag:s21], $0x800  }
0xa6: {  	[sflag:s21] =	ssyncset.done $0x0  }
0xa7: {  	[sflag:s21] =	ssyncadd.s32 $0xFFFFF800  }
0xa8: {  	_ =	swait.ge [sflag:s21], $0x800  }
0xa9: {  	[sflag:s21] =	ssyncset.done $0x0  }
0xaa: {  	[sflag:s21] =	ssyncadd.s32 $0xFFFFF800  }
0xab: {  	s19 =	smul.u32 $0xA00, s19;
	_ =	swait.ge [sflag:s21], $0x800  }
0xac: {  	[sflag:s21] =	ssyncset.done $0x0  }
0xad: {  	s28 =	sadd.s32 s7, s19;
	[sflag:s21] =	ssyncadd.s32 $0xFFFFF800  }
0xae: {  	[hbm4b:s28+s2] =	stream.linear.scatter [tilespmem:s16], [sflag:$0x3], $0x5000, $0x38;
	[tilespmem:$0x18A10] =	vst v63  }
0xaf: {  	_ =	swait.ge [sflag:s12], $0x5000  }
0xb0: {  	[sflag:s12] =	ssyncset.done $0x0  }
.Ltmp6:
0xb1: {  	s19 =	sadd.s32 s8, s19;
	[sflag:s12] =	ssyncadd.s32 $0xFFFFB000;
	(pc) =	sbr.rel .LBB2_6-.Ltmp6, $4  }
0xb2: {  	[hbm4b:s19+s2] =	stream.linear.scatter [tilespmem:s18], [sflag:$0x2], $0x5000, $0x38;
	[tilespmem:$0x18A10] =	vst v63  }
0xb3: {  	_ =	swait.ge [sflag:s22], $0x5000  }
0xb4: {  	[sflag:s22] =	ssyncset.done $0x0  }
0xb5: {  	[sflag:s22] =	ssyncadd.s32 $0xFFFFB000  }
.LBB2_7:
.Ltmp7:
0xb6: {  	(pc) =	sbr.rel .LBB2_8-.Ltmp7, $2  }
0xb7: {  	_ =	sdelay $0x2  }
0xb8: {  	s17 =	simm.s32 $0x0  }
.LBB2_12:
0xb9: {  	s17 =	sadd.s32 $0x1, s17  }
0xba: {  	p0 =	sne.s32 s17, $0xD  }
.Ltmp8:
0xbb: {  	_ = 	snop;
	(pc) =	sbr.rel @!p0 .LBB2_13-.Ltmp8, $1  }
0xbc: {  	_ =	sdelay $0x3  }
.LBB2_8:
0xbd: {  	s19 =	sshll.u32 s17, $0x5  }
0xbe: {  	s20 =	sor.u32 s10, s19  }
0xbf: {  	p0 =	sgt.u32 s20, $0x18F  }
.Ltmp9:
0xc0: {  	_ = 	snop;
	(pc) =	sbr.rel @p0 .LBB2_12-.Ltmp9, $1  }
0xc1: {  	_ =	sdelay $0x3  }
0xc2: {  	s19 =	sand.u32 $0xFFFE, s20  }
0xc3: {  	s19 =	sshrl.u32 s19, $0x1  }
0xc4: {  	s19 =	smul.u32 $0x147B, s19;
	_ =	sdelay $0x1  }
0xc5: {  	s19 =	sshrl.u32 s19, $0x11  }
0xc6: {  	s25 =	smul.u32 $0xFFFFFFCE, s19;
	_ =	sdelay $0x1  }
0xc7: {  	v3 =	vmov s19;
	s20 =	sadd.s32 s20, s25;
	s25 =	simm.s32 $0x0  }
0xc8: {  	v3 =	vand.u32 $0xF, v3;
	s28 =	smul.u32 $0xC80, s20;
	v4 =	vmov s25  }
0xc9: {  	v3 =	vbroadcast v3, $0x0;
	v4 =	vshll.u32 v4, $0x3  }
0xca: {  	s28 =	sshrl.u32 s28, $0x3;
	v4 =	vor.u32 v2, v4  }
0xcb: {  	s28 =	sadd.s32 s4, s28;
	v4 =	vadd.s32 v3, v4  }
0xcc: {  	[tilespmem:s23], [sflag:$0x3] =	stream.linear.gather [hbm4b:s28+s25], $0xC80, $0x38;
	[tilespmem:$0x18A10] =	vst v63  }
0xcd: {  	_ =	swait.ge [sflag:s12], $0xC80  }
0xce: {  	[sflag:s12] =	ssyncset.done $0x0  }
0xcf: {  	s25 =	simm.s32 $0x10;
	[sflag:s12] =	ssyncadd.s32 $0xFFFFF380  }
0xd0: {  	v6 =	vld.idx.msk [tilespmem:v4+s23+$0x0], $0xffff;
	v4 =	vmov s25  }
0xd1: {  	v4 =	vshll.u32 v4, $0x3  }
0xd2: {  	v4 =	vor.u32 v2, v4  }
0xd3: {  	v4 =	vadd.s32 v3, v4;
	_ =	sdelay $0x2  }
0xd4: {  	s28 =	simm.s32 $0x20;
	s25 =	simm.s32 $0x2080  }
0xd5: {  	v5 =	vmov s28;
	s28 =	simm.s32 $0x30;
	[tilespmem:s25+$0x0] =	vst v6  }
.LBB2_10:
0xd6: {  	p0 =	sne.s32 s28, $0x180;
	v5 =	vshll.u32 v5, $0x3;
	v6 =	vld.idx.msk [tilespmem:v4+s23+$0x0], $0xffff  }
0xd7: {  	v4 =	vor.u32 v2, v5  }
.Ltmp10:
0xd8: {  	v4 =	vadd.s32 v3, v4;
	(pc) =	sbr.rel @p0 .LBB2_10-.Ltmp10, $3  }
0xd9: {  	_ =	sdelay $0x1  }
0xda: {  	s25 =	sadd.s32 $0x10, s25  }
0xdb: {  	v5 =	vmov s28;
	s28 =	sadd.s32 $0x10, s28;
	[tilespmem:s25+$0x0] =	vst v6  }
0xdc: {  	_ =	sdelay $0x2  }
0xdd: {  	v5 =	vshll.u32 v5, $0x3  }
0xde: {  	v4 =	vld.idx.msk [tilespmem:v4+s23+$0x0], $0xffff;
	v5 =	vor.u32 v2, v5  }
0xdf: {  	v3 =	vadd.s32 v3, v5;
	_ =	sdelay $0x2  }
0xe0: {  	s25 =	sadd.s32 $0x10, s25  }
0xe1: {  	[tilespmem:s25+$0x0] =	vst v4  }
0xe2: {  	v3 =	vld.idx.msk [tilespmem:v3+s23+$0x0], $0xffff;
	_ =	sdelay $0x3  }
0xe3: {  	s25 =	sadd.s32 $0x10, s25  }
0xe4: {  	s28 =	simm.s32 $0x2080;
	[tilespmem:s25+$0x0] =	vst v3  }
0xe5: {  	[tilespmem:s26], [sflag:$0x1] =	stream.indirect.gather [hbm4b:s3+s24], $0x80, s28, s24, $0xb8;
	[tilespmem:$0x18A10] =	vst v63  }
0xe6: {  	s28 =	simm.s32 $0x20D0  }
0xe7: {  	[tilespmem:s29], [sflag:$0x1] =	stream.indirect.gather [hbm4b:s3+s24], $0x80, s28, s24, $0xb8;
	[tilespmem:$0x18A10] =	vst v63  }
0xe8: {  	_ = 	snop  }
0xe9: {  	[tilespmem:s31], [sflag:$0x1] =	stream.indirect.gather [hbm4b:s3+s24], $0x80, s30, s24, $0xb8;
	[tilespmem:$0x18A10] =	vst v63  }
0xea: {  	_ = 	snop  }
0xeb: {  	[tilespmem:s5], [sflag:$0x1] =	stream.indirect.gather [hbm4b:s3+s24], $0x80, s0, s24, $0xb8;
	[tilespmem:$0x18A10] =	vst v63  }
0xec: {  	_ = 	snop  }
0xed: {  	[tilespmem:s15], [sflag:$0x1] =	stream.indirect.gather [hbm4b:s3+s24], $0x80, s11, s24, $0xb8;
	[tilespmem:$0x18A10] =	vst v63  }
0xee: {  	_ =	swait.ge [sflag:s21], $0x2800  }
0xef: {  	[sflag:s21] =	ssyncset.done $0x0  }
0xf0: {  	[sflag:s21] =	ssyncadd.s32 $0xFFFFD800  }
0xf1: {  	_ =	swait.ge [sflag:s21], $0x2800  }
0xf2: {  	[sflag:s21] =	ssyncset.done $0x0  }
0xf3: {  	[sflag:s21] =	ssyncadd.s32 $0xFFFFD800  }
0xf4: {  	_ =	swait.ge [sflag:s21], $0x2800  }
0xf5: {  	[sflag:s21] =	ssyncset.done $0x0  }
0xf6: {  	s20 =	smul.u32 $0x190, s20;
	[sflag:s21] =	ssyncadd.s32 $0xFFFFD800  }
0xf7: {  	s19 =	smul.u32 $0x4E20, s19;
	_ =	swait.ge [sflag:s21], $0x2800  }
0xf8: {  	[sflag:s21] =	ssyncset.done $0x0  }
0xf9: {  	s19 =	sadd.s32 s19, s20;
	[sflag:s21] =	ssyncadd.s32 $0xFFFFD800  }
0xfa: {  	s19 =	sshll.u32 s19, $0x4;
	_ =	swait.ge [sflag:s21], $0x2800  }
0xfb: {  	s19 =	sand.u32 $0x1FFFFF00, s19;
	[sflag:s21] =	ssyncset.done $0x0  }
.Ltmp11:
0xfc: {  	s19 =	sadd.s32 s9, s19;
	[sflag:s21] =	ssyncadd.s32 $0xFFFFD800;
	(pc) =	sbr.rel .LBB2_12-.Ltmp11, $4  }
0xfd: {  	[hbm4b:s19+s2] =	stream.linear.scatter [tilespmem:s26], [sflag:$0x2], $0xC800, $0x38;
	[tilespmem:$0x18A10] =	vst v63  }
0xfe: {  	_ =	swait.ge [sflag:s22], $0xC800  }
0xff: {  	[sflag:s22] =	ssyncset.done $0x0  }
0x100: {  	[sflag:s22] =	ssyncadd.s32 $0xFFFF3800  }
.LBB2_14:
0x101: {  	_ =	sfence.sel $0x180000  }
0x102: {  	[bflag:$0x0] =	sbarrier.arrive $0xFFFF  }
0x103: {  	_ =	strace $0x90000047  }
0x104: {  	s0 =	stileid.u32;
	[bflag:$0x2] =	sbarrier.arrive $0xFFFF  }
0x105: {  	p0 =	sne.s32 s0, $0x0;
	s0 =	rddreg [dreg:$0x2]  }
0x106: {  	s0 =	sadd.s32 @!p0 $0x100000, s0  }
0x107: {  	[sflag:s0] =	ssyncadd.tile.s32 @!p0 $0x1;
	_ =	shalt  }
.Lfunc_end2:
_tile_overlayer_lowered:
.L_overlay_start_2:
0x108: {  	(tag) =	ssettag $0x2  }
0x109: {  	s0 =	rddreg [dreg:$0x0];
	s2 =	stileid.u32  }
0x10a: {  	s1 =	rddreg [dreg:$0x1];
	p0 =	sne.s32 s2, $0x0  }
0x10b: {  	s3 =	rddreg [dreg:$0x2];
	[bflag:$0x3] =	sbarrier.arrive $0xFFFF;
	s2 =	simm.s32 @!p0 $0x1C02  }
0x10c: {  	[timem:s3], [sflag:s2] =	dma.local @!p0 [hbm:s0], s1  }
0x10d: {  	s0 =	simm.s32 @!p0 $0x2  }
0x10e: {  	_ =	swait.ge @!p0 [sflag:s0], s1  }
0x10f: {  	s1 =	ssub.s32 @!p0 $0x0, s1;
	[sflag:s0] =	ssyncset.done @!p0 $0x0  }
0x110: {  	[sflag:s0] =	ssyncadd.s32 @!p0 s1  }
0x111: {  	[bflag:$0x3] =	sbarrier.arrive $0xFFFF  }
0x112: {  	_ =	shalt  }

</sc_bundles>
